<compile_context>
chip_gen: v7x
topology: tpu7x:2x2x1
jax: 0.10.2.dev20260603
libtpu: 0.0.44.dev20260713+nightly
codegen_flags: <defaults>
</compile_context>

<pallas_src>
import functools

import jax
import jax.numpy as jnp
from jax import lax
from jax.experimental import pallas as pl
from jax.experimental.pallas import tpu as pltpu
from jax.experimental.pallas import tpu_sc as plsc

N = 10000
N_PAD = 10240
E = 160000
NSUB = 16
EDGES_PER_TILE = 10240
E_PAD = NSUB * EDGES_PER_TILE
CHUNK = 128
NCHUNK = EDGES_PER_TILE // CHUNK
ROWS_PER_SUB = N_PAD // NSUB
D = 256
H = 128
BN = 2048


def _mesh():
    return plsc.VectorSubcoreMesh(core_axis_name="c", subcore_axis_name="s")


def _deg_body(edges_hbm, zeros_hbm, ones_hbm, out_hbm, idx_v, one_v, deg_sm):
    c = lax.axis_index("c")
    s = lax.axis_index("s")
    pltpu.sync_copy(edges_hbm.at[c].at[s], idx_v)
    pltpu.sync_copy(ones_hbm, one_v)

    base = pl.multiple_of(s * ROWS_PER_SUB, CHUNK)
    pltpu.sync_copy(zeros_hbm, deg_sm.at[pl.ds(base, ROWS_PER_SUB)])

    plsc.subcore_barrier()

    @pl.loop(0, NCHUNK)
    def _(j):
        pltpu.sync_copy(one_v, deg_sm.at[idx_v.at[j]], add=True)

    plsc.subcore_barrier()
    pltpu.sync_copy(deg_sm.at[pl.ds(base, ROWS_PER_SUB)], out_hbm.at[c].at[s])


_deg_kernel = functools.partial(
    pl.kernel,
    out_type=jax.ShapeDtypeStruct((2, NSUB, ROWS_PER_SUB, H), jnp.float32),
    mesh=_mesh(),
    scratch_types=[
        pltpu.VMEM((NCHUNK, CHUNK), jnp.int32),
        pltpu.VMEM((CHUNK, H), jnp.float32),
        pltpu.VMEM_SHARED((N_PAD, H), jnp.float32),
    ],
)(_deg_body)


def _agg_body(hs_hbm, src_hbm, dst_hbm, zeros_hbm, out_hbm,
              src_v, dst_v, rows0_v, rows1_v, agg_sm, gsem0, gsem1):
    c = lax.axis_index("c")
    s = lax.axis_index("s")

    base = pl.multiple_of(s * ROWS_PER_SUB, CHUNK)
    pltpu.sync_copy(zeros_hbm, agg_sm.at[pl.ds(base, ROWS_PER_SUB)])

    plsc.subcore_barrier()

    rows = (rows0_v, rows1_v)
    gsem = (gsem0, gsem1)
    HC = NCHUNK // 2

    for p in range(2):
        pltpu.sync_copy(src_hbm.at[c].at[p].at[s], src_v)
        pltpu.sync_copy(dst_hbm.at[p].at[s], dst_v)

        def gather_copy(j, b):
            e = pl.multiple_of(j * CHUNK, CHUNK)
            return pltpu.make_async_copy(
                hs_hbm.at[src_v.at[pl.ds(e, CHUNK)]], rows[b], gsem[b])

        gather_copy(0, 0).start()
        gather_copy(1, 1).start()

        @pl.loop(0, HC // 2)
        def _(g):
            for b in range(2):
                j = 2 * g + b
                gather_copy(j, b).wait()
                pltpu.sync_copy(rows[b], agg_sm.at[dst_v.at[j]], add=True)

                @pl.when(j + 2 < HC)
                def _():
                    gather_copy(j + 2, b).start()

    plsc.subcore_barrier()
    pltpu.sync_copy(agg_sm.at[pl.ds(base, ROWS_PER_SUB)], out_hbm.at[c].at[s])


_agg_kernel = functools.partial(
    pl.kernel,
    out_type=jax.ShapeDtypeStruct((2, NSUB, ROWS_PER_SUB, H), jnp.float32),
    mesh=_mesh(),
    scratch_types=[
        pltpu.VMEM((EDGES_PER_TILE // 2,), jnp.int32),
        pltpu.VMEM((NCHUNK // 2, CHUNK), jnp.int32),
        pltpu.VMEM((CHUNK, H), jnp.float32),
        pltpu.VMEM((CHUNK, H), jnp.float32),
        pltpu.VMEM_SHARED((N_PAD, H), jnp.float32),
        pltpu.SemaphoreType.DMA,
        pltpu.SemaphoreType.DMA,
    ],
)(_agg_body)


BM = 2000


def _tc_mm1_body(x_ref, w_ref, out_ref):
    hs = jnp.dot(x_ref[...], w_ref[...], preferred_element_type=jnp.float32)
    out_ref[0] = hs[:, :H]
    out_ref[1] = hs[:, H:]


_tc_mm1 = pl.pallas_call(
    _tc_mm1_body,
    grid=(N // BM,),
    in_specs=[
        pl.BlockSpec((BM, D), lambda i: (i, 0)),
        pl.BlockSpec((D, D), lambda i: (0, 0)),
    ],
    out_specs=pl.BlockSpec((2, BM, H), lambda i: (0, i, 0)),
    out_shape=jax.ShapeDtypeStruct((2, N, H), jnp.float32),
)


def _tc_scale_body(xw_ref, deg_ref, out_ref):
    nout = lax.rsqrt(jnp.maximum(deg_ref[:, 0:1], 1.0))
    out_ref[0] = xw_ref[0] * nout
    out_ref[1] = xw_ref[1] * nout


_tc_scale = pl.pallas_call(
    _tc_scale_body,
    grid=(N // BM,),
    in_specs=[
        pl.BlockSpec((2, BM, H), lambda i: (0, i, 0)),
        pl.BlockSpec((BM, H), lambda i: (i, 0)),
    ],
    out_specs=pl.BlockSpec((2, BM, H), lambda i: (0, i, 0)),
    out_shape=jax.ShapeDtypeStruct((2, N_PAD, H), jnp.float32),
)


def _tc_mid_body(agg_ref, degi_ref, dego_ref, b_ref, w_ref, out_ref):
    nin = lax.rsqrt(jnp.maximum(degi_ref[:, 0:1], 1.0))
    nout = lax.rsqrt(jnp.maximum(dego_ref[:, 0:1], 1.0))
    h0 = jnp.maximum(agg_ref[0] * nin + b_ref[0:1, :H], 0.0) * nout
    h1 = jnp.maximum(agg_ref[1] * nin + b_ref[0:1, H:], 0.0) * nout
    hs = (jnp.dot(h0, w_ref[:H, :], preferred_element_type=jnp.float32)
          + jnp.dot(h1, w_ref[H:, :], preferred_element_type=jnp.float32))
    out_ref[0] = hs[:, :H]
    out_ref[1] = hs[:, H:]


_tc_mid = pl.pallas_call(
    _tc_mid_body,
    grid=(N_PAD // BN,),
    in_specs=[
        pl.BlockSpec((2, BN, H), lambda i: (0, i, 0)),
        pl.BlockSpec((BN, H), lambda i: (i, 0)),
        pl.BlockSpec((BN, H), lambda i: (i, 0)),
        pl.BlockSpec((1, D), lambda i: (0, 0)),
        pl.BlockSpec((D, D), lambda i: (0, 0)),
    ],
    out_specs=pl.BlockSpec((2, BN, H), lambda i: (0, i, 0)),
    out_shape=jax.ShapeDtypeStruct((2, N_PAD, H), jnp.float32),
)


def _tc_last_body(agg_ref, degi_ref, b_ref, out_ref):
    nin = lax.rsqrt(jnp.maximum(degi_ref[:, 0:1], 1.0))
    out_ref[:, :H] = jnp.maximum(agg_ref[0] * nin + b_ref[0:1, :H], 0.0)
    out_ref[:, H:] = jnp.maximum(agg_ref[1] * nin + b_ref[0:1, H:], 0.0)


_tc_last = pl.pallas_call(
    _tc_last_body,
    grid=(N_PAD // BN,),
    in_specs=[
        pl.BlockSpec((2, BN, H), lambda i: (0, i, 0)),
        pl.BlockSpec((BN, H), lambda i: (i, 0)),
        pl.BlockSpec((1, D), lambda i: (0, 0)),
    ],
    out_specs=pl.BlockSpec((BN, D), lambda i: (i, 0)),
    out_shape=jax.ShapeDtypeStruct((N_PAD, D), jnp.float32),
)


@jax.jit
def _run(x, edge_index, W1, b1, W2, b2, W3, b3):
    src = edge_index[0]
    dst = edge_index[1]
    pad_e = E_PAD - E
    src_p = jnp.concatenate([src, jnp.full((pad_e,), N + 1, jnp.int32)])
    dst_p = jnp.concatenate([dst, jnp.full((pad_e,), N, jnp.int32)])
    src3 = src_p.reshape(NSUB, NCHUNK, CHUNK)
    dst3 = dst_p.reshape(NSUB, NCHUNK, CHUNK)
    edges2 = jnp.stack([src3, dst3])
    srcps = src_p.reshape(NSUB, 2, EDGES_PER_TILE // 2).swapaxes(0, 1)
    srcps = jnp.stack([srcps, srcps + N_PAD])
    dstps = dst_p.reshape(NSUB, 2, NCHUNK // 2, CHUNK).swapaxes(0, 1)
    zerosH = jnp.zeros((ROWS_PER_SUB, H), jnp.float32)
    onesH = jnp.ones((CHUNK, H), jnp.float32)

    degs = _deg_kernel(edges2, zerosH, onesH).reshape(2, N_PAD, H)
    deg_out = degs[0]
    deg_in = degs[1]

    b1r = b1.reshape(1, D)
    b2r = b2.reshape(1, D)
    b3r = b3.reshape(1, D)

    xw1 = _tc_mm1(x, W1)
    hs1 = _tc_scale(xw1, deg_out[:N])
    agg1 = _agg_kernel(hs1.reshape(2 * N_PAD, H), srcps, dstps, zerosH).reshape(2, N_PAD, H)
    hs2 = _tc_mid(agg1, deg_in, deg_out, b1r, W2)
    agg2 = _agg_kernel(hs2.reshape(2 * N_PAD, H), srcps, dstps, zerosH).reshape(2, N_PAD, H)
    hs3 = _tc_mid(agg2, deg_in, deg_out, b2r, W3)
    agg3 = _agg_kernel(hs3.reshape(2 * N_PAD, H), srcps, dstps, zerosH).reshape(2, N_PAD, H)
    return _tc_last(agg3, deg_in, b3r)[:N]


def kernel(x, edge_index, W1, b1, W2, b2, W3, b3):
    return _run(x, edge_index, W1, b1, W2, b2, W3, b3)

# --- scband reference (transcript-rebuilt; emitter-appended) ---
"""Pipeline reference for scband-stochastic-gcn-1692217114895 (READ-ONLY COPY).

The authoritative reference and input builder live on the scoring server;
editing this copy changes nothing except your own understanding.
"""

import jax, jax.numpy as jnp
import numpy as np

N = 10000
E = 160000
D_IN = 256
D_HID = 256
D_OUT = 256


def setup_inputs(seed: int = 0) -> dict:
    key = jax.random.key(seed)
    ks = jax.random.split(key, 9)
    x = jax.random.normal(ks[0], (N, D_IN), dtype=jnp.float32)
    edge_index = jax.random.randint(ks[1], (2, E), 0, N, dtype=jnp.int32)
    W1 = jax.random.normal(ks[2], (D_IN, D_HID), dtype=jnp.float32) * (1.0 / np.sqrt(D_IN))
    b1 = jnp.zeros((D_HID,), dtype=jnp.float32)
    W2 = jax.random.normal(ks[3], (D_HID, D_HID), dtype=jnp.float32) * (1.0 / np.sqrt(D_HID))
    b2 = jnp.zeros((D_HID,), dtype=jnp.float32)
    W3 = jax.random.normal(ks[4], (D_HID, D_OUT), dtype=jnp.float32) * (1.0 / np.sqrt(D_HID))
    b3 = jnp.zeros((D_OUT,), dtype=jnp.float32)
    return {"x": x, "edge_index": edge_index, "W1": W1, "b1": b1, "W2": W2, "b2": b2, "W3": W3, "b3": b3}


def reference(x, edge_index, W1, b1, W2, b2, W3, b3):
    # DGL GraphConv with norm='both': h' = D_dst^{-1/2} * A * (D_src^{-1/2} * h) @ W + b
    # (degrees clamped to min 1, as in DGL). All 3 sampled blocks approximated
    # by the same edge set (stochastic blocks share shape here).
    src = edge_index[0]
    dst = edge_index[1]
    ones = jnp.ones((E,), dtype=jnp.float32)
    deg_out = jax.ops.segment_sum(ones, src, num_segments=N)
    deg_in = jax.ops.segment_sum(ones, dst, num_segments=N)
    norm_out = jnp.power(jnp.clip(deg_out, 1.0, None), -0.5)
    norm_in = jnp.power(jnp.clip(deg_in, 1.0, None), -0.5)

    def graph_conv(h, W, b):
        h = h @ W  # in_feats == out_feats so weight-first is equivalent
        msg = h[src] * norm_out[src][:, None]
        agg = jax.ops.segment_sum(msg, dst, num_segments=N)
        return agg * norm_in[:, None] + b

    h = jax.nn.relu(graph_conv(x, W1, b1))
    h = jax.nn.relu(graph_conv(h, W2, b2))
    h = jax.nn.relu(graph_conv(h, W3, b3))
    return h

if __name__ == "__main__":
    import jax
    _d = setup_inputs()
    print(jax.jit(kernel)(*tuple(_d.values())))

</pallas_src>

<mosaic_0001>
#map = affine_map<(d0, d1) -> (0, 0, 0, 0)>
#map1 = affine_map<(d0, d1) -> (0, 0)>
module attributes {stable_mosaic.version = 14 : i64} {
  func.func @_deg_body(%arg0: i32, %arg1: i32, %arg2: memref<2x16x80x128xi32, #tpu.memory_space<hbm>>, %arg3: memref<640x128xf32, #tpu.memory_space<hbm>>, %arg4: memref<128x128xf32, #tpu.memory_space<hbm>>, %arg5: memref<2x16x640x128xf32, #tpu.memory_space<hbm>>, %arg6: memref<80x128xi32, #tpu.memory_space<vmem>>, %arg7: memref<128x128xf32, #tpu.memory_space<vmem>>, %arg8: memref<10240x128xf32, #tpu.memory_space<vmem_shared>>) attributes {dimension_semantics = [#tpu.dimension_semantics<core_parallel>, #tpu.dimension_semantics<subcore_parallel>], iteration_bounds = array<i64: 2, 16>, scalar_prefetch = 0 : i64, scratch_operands = 3 : i64, tpu.core_type = #tpu.core_type<sc_vector_subcore>, window_params = [{transform_indices = #map}, {transform_indices = #map1}, {transform_indices = #map1}, {transform_indices = #map}]} {
    "tpu.region"() ({
      %run_scoped3A = tpu.sem_alloc : memref<!tpu.dma_semaphore, #tpu.memory_space<semaphore_mem>>
      %dma_start3A = arith.constant 0 : i32
      %dma_start3A_6 = arith.constant 0 : i32
      %dma_start3A_7 = arith.constant 0 : i32
      %dma_start3A_8 = tpu.memref_slice %arg2[%arg0, %dma_start3A, %dma_start3A_6, %dma_start3A_7] : memref<2x16x80x128xi32, #tpu.memory_space<hbm>> -> memref<1x16x80x128xi32, #tpu.memory_space<hbm>>
      %dma_start3A_9 = tpu.memref_squeeze %dma_start3A_8 : memref<1x16x80x128xi32, #tpu.memory_space<hbm>> -> memref<16x80x128xi32, #tpu.memory_space<hbm>>
      %dma_start3A_10 = arith.constant 0 : i32
      %dma_start3A_11 = arith.constant 0 : i32
      %dma_start3A_12 = tpu.memref_slice %dma_start3A_9[%arg1, %dma_start3A_10, %dma_start3A_11] : memref<16x80x128xi32, #tpu.memory_space<hbm>> -> memref<1x80x128xi32, #tpu.memory_space<hbm>>
      %dma_start3A_13 = tpu.memref_squeeze %dma_start3A_12 : memref<1x80x128xi32, #tpu.memory_space<hbm>> -> memref<80x128xi32, #tpu.memory_space<hbm>>
      %dma_start3A_14 = arith.constant 0 : i32
      %dma_start3A_15 = arith.constant 0 : i32
      %dma_start3A_16 = arith.constant 0 : i32
      %dma_start3A_17 = tpu.memref_slice %arg2[%arg0, %dma_start3A_14, %dma_start3A_15, %dma_start3A_16] : memref<2x16x80x128xi32, #tpu.memory_space<hbm>> -> memref<1x16x80x128xi32, #tpu.memory_space<hbm>>
      %dma_start3A_18 = tpu.memref_squeeze %dma_start3A_17 : memref<1x16x80x128xi32, #tpu.memory_space<hbm>> -> memref<16x80x128xi32, #tpu.memory_space<hbm>>
      %dma_start3A_19 = arith.constant 0 : i32
      %dma_start3A_20 = arith.constant 0 : i32
      %dma_start3A_21 = tpu.memref_slice %dma_start3A_18[%arg1, %dma_start3A_19, %dma_start3A_20] : memref<16x80x128xi32, #tpu.memory_space<hbm>> -> memref<1x80x128xi32, #tpu.memory_space<hbm>>
      %dma_start3A_22 = tpu.memref_squeeze %dma_start3A_21 : memref<1x80x128xi32, #tpu.memory_space<hbm>> -> memref<80x128xi32, #tpu.memory_space<hbm>>
      tpu.enqueue_dma source(%dma_start3A_22 : memref<80x128xi32, #tpu.memory_space<hbm>>) target(%arg6 : memref<80x128xi32, #tpu.memory_space<vmem>>) target_semaphore(%run_scoped3A : memref<!tpu.dma_semaphore, #tpu.memory_space<semaphore_mem>>)
      %dma_wait3A = arith.constant 0 : i32
      %dma_wait3A_23 = arith.constant 0 : i32
      %dma_wait3A_24 = arith.constant 0 : i32
      %dma_wait3A_25 = tpu.memref_slice %arg2[%arg0, %dma_wait3A, %dma_wait3A_23, %dma_wait3A_24] : memref<2x16x80x128xi32, #tpu.memory_space<hbm>> -> memref<1x16x80x128xi32, #tpu.memory_space<hbm>>
      %dma_wait3A_26 = tpu.memref_squeeze %dma_wait3A_25 : memref<1x16x80x128xi32, #tpu.memory_space<hbm>> -> memref<16x80x128xi32, #tpu.memory_space<hbm>>
      %dma_wait3A_27 = arith.constant 0 : i32
      %dma_wait3A_28 = arith.constant 0 : i32
      %dma_wait3A_29 = tpu.memref_slice %dma_wait3A_26[%arg1, %dma_wait3A_27, %dma_wait3A_28] : memref<16x80x128xi32, #tpu.memory_space<hbm>> -> memref<1x80x128xi32, #tpu.memory_space<hbm>>
      %dma_wait3A_30 = tpu.memref_squeeze %dma_wait3A_29 : memref<1x80x128xi32, #tpu.memory_space<hbm>> -> memref<80x128xi32, #tpu.memory_space<hbm>>
      %dma_wait3A_31 = arith.constant 0 : i32
      %dma_wait3A_32 = arith.constant 0 : i32
      %dma_wait3A_33 = arith.constant 0 : i32
      %dma_wait3A_34 = tpu.memref_slice %arg2[%arg0, %dma_wait3A_31, %dma_wait3A_32, %dma_wait3A_33] : memref<2x16x80x128xi32, #tpu.memory_space<hbm>> -> memref<1x16x80x128xi32, #tpu.memory_space<hbm>>
      %dma_wait3A_35 = tpu.memref_squeeze %dma_wait3A_34 : memref<1x16x80x128xi32, #tpu.memory_space<hbm>> -> memref<16x80x128xi32, #tpu.memory_space<hbm>>
      %dma_wait3A_36 = arith.constant 0 : i32
      %dma_wait3A_37 = arith.constant 0 : i32
      %dma_wait3A_38 = tpu.memref_slice %dma_wait3A_35[%arg1, %dma_wait3A_36, %dma_wait3A_37] : memref<16x80x128xi32, #tpu.memory_space<hbm>> -> memref<1x80x128xi32, #tpu.memory_space<hbm>>
      %dma_wait3A_39 = tpu.memref_squeeze %dma_wait3A_38 : memref<1x80x128xi32, #tpu.memory_space<hbm>> -> memref<80x128xi32, #tpu.memory_space<hbm>>
      tpu.wait_dma2 semaphore(%run_scoped3A : memref<!tpu.dma_semaphore, #tpu.memory_space<semaphore_mem>>) src(%dma_wait3A_39 : memref<80x128xi32, #tpu.memory_space<hbm>>) dst(%arg6 : memref<80x128xi32, #tpu.memory_space<vmem>>)
      tpu.yield
    }) : () -> ()
    "tpu.region"() ({
      %run_scoped3A = tpu.sem_alloc : memref<!tpu.dma_semaphore, #tpu.memory_space<semaphore_mem>>
      tpu.enqueue_dma source(%arg4 : memref<128x128xf32, #tpu.memory_space<hbm>>) target(%arg7 : memref<128x128xf32, #tpu.memory_space<vmem>>) target_semaphore(%run_scoped3A : memref<!tpu.dma_semaphore, #tpu.memory_space<semaphore_mem>>)
      tpu.wait_dma2 semaphore(%run_scoped3A : memref<!tpu.dma_semaphore, #tpu.memory_space<semaphore_mem>>) src(%arg4 : memref<128x128xf32, #tpu.memory_space<hbm>>) dst(%arg7 : memref<128x128xf32, #tpu.memory_space<vmem>>)
      tpu.yield
    }) : () -> ()
    %mul3A = arith.constant 640 : i32
    %mul3A_0 = arith.muli %arg1, %mul3A : i32
    %multiple_of3A = tpu.assume_multiple %mul3A_0, 128 : i32
    "tpu.region"() ({
      %run_scoped3A = tpu.sem_alloc : memref<!tpu.dma_semaphore, #tpu.memory_space<semaphore_mem>>
      %dma_start3A = arith.constant 0 : i32
      %dma_start3A_6 = tpu.memref_slice %arg8[%multiple_of3A, %dma_start3A] : memref<10240x128xf32, #tpu.memory_space<vmem_shared>> -> memref<640x128xf32, #tpu.memory_space<vmem_shared>>
      tpu.enqueue_dma source(%arg3 : memref<640x128xf32, #tpu.memory_space<hbm>>) target(%dma_start3A_6 : memref<640x128xf32, #tpu.memory_space<vmem_shared>>) target_semaphore(%run_scoped3A : memref<!tpu.dma_semaphore, #tpu.memory_space<semaphore_mem>>)
      %dma_wait3A = arith.constant 0 : i32
      %dma_wait3A_7 = tpu.memref_slice %arg8[%multiple_of3A, %dma_wait3A] : memref<10240x128xf32, #tpu.memory_space<vmem_shared>> -> memref<640x128xf32, #tpu.memory_space<vmem_shared>>
      tpu.wait_dma2 semaphore(%run_scoped3A : memref<!tpu.dma_semaphore, #tpu.memory_space<semaphore_mem>>) src(%arg3 : memref<640x128xf32, #tpu.memory_space<hbm>>) dst(%dma_wait3A_7 : memref<640x128xf32, #tpu.memory_space<vmem_shared>>)
      tpu.yield
    }) : () -> ()
    %barrier3A = arith.constant 0 : index
    tpu.barrier barrier_id(%barrier3A)
    %scan3A = arith.constant 0 : i32
    %scan3A_1 = arith.constant 80 : i32
    %scan3A_2 = arith.addi %scan3A, %scan3A_1 : i32
    %scan3A_3 = arith.constant 1 : i32
    scf.for %scan3A_6 = %scan3A to %scan3A_2 step %scan3A_3  : i32 {
      %mul3A_7 = arith.constant 1 : i32
      %mul3A_8 = arith.muli %scan3A_6, %mul3A_7 : i32
      %add3A = arith.constant 0 : i32
      %add3A_9 = arith.addi %add3A, %mul3A_8 : i32
      "tpu.region"() ({
        %run_scoped3A = tpu.sem_alloc : memref<!tpu.dma_semaphore, #tpu.memory_space<semaphore_mem>>
        %dma_start3A = arith.constant 0 : i32
        %dma_start3A_10 = tpu.memref_slice %arg6[%add3A_9, %dma_start3A] : memref<80x128xi32, #tpu.memory_space<vmem>> -> memref<1x128xi32, #tpu.memory_space<vmem>>
        %dma_start3A_11 = tpu.memref_squeeze %dma_start3A_10 : memref<1x128xi32, #tpu.memory_space<vmem>> -> memref<128xi32, #tpu.memory_space<vmem>>
        %dma_start3A_12 = arith.constant 0 : i32
        %dma_start3A_13 = arith.constant 0 : i32
        %dma_start3A_14 = tpu.memref_slice %arg8[%dma_start3A_12, %dma_start3A_13] : memref<10240x128xf32, #tpu.memory_space<vmem_shared>> -> memref<10240x128xf32, #tpu.memory_space<vmem_shared>>
        tpu.enqueue_indirect_dma source(%arg7 : memref<128x128xf32, #tpu.memory_space<vmem>>) target(%dma_start3A_14 : memref<10240x128xf32, #tpu.memory_space<vmem_shared>>) offsets(%dma_start3A_11 : memref<128xi32, #tpu.memory_space<vmem>>) semaphore(%run_scoped3A : memref<!tpu.dma_semaphore, #tpu.memory_space<semaphore_mem>>) {add = true}
        %dma_wait3A = arith.constant 0 : i32
        %dma_wait3A_15 = tpu.memref_slice %arg6[%add3A_9, %dma_wait3A] : memref<80x128xi32, #tpu.memory_space<vmem>> -> memref<1x128xi32, #tpu.memory_space<vmem>>
        %dma_wait3A_16 = tpu.memref_squeeze %dma_wait3A_15 : memref<1x128xi32, #tpu.memory_space<vmem>> -> memref<128xi32, #tpu.memory_space<vmem>>
        %dma_wait3A_17 = arith.constant 0 : i32
        %dma_wait3A_18 = arith.constant 0 : i32
        %dma_wait3A_19 = tpu.memref_slice %arg8[%dma_wait3A_17, %dma_wait3A_18] : memref<10240x128xf32, #tpu.memory_space<vmem_shared>> -> memref<10240x128xf32, #tpu.memory_space<vmem_shared>>
        tpu.wait_indirect_dma semaphore(%run_scoped3A : memref<!tpu.dma_semaphore, #tpu.memory_space<semaphore_mem>>) src(%arg7 : memref<128x128xf32, #tpu.memory_space<vmem>>) dst(%dma_wait3A_19 : memref<10240x128xf32, #tpu.memory_space<vmem_shared>>)
        tpu.yield
      }) : () -> ()
    }
    %scan3A_4 = arith.constant 80 : i32
    %barrier3A_5 = arith.constant 0 : index
    tpu.barrier barrier_id(%barrier3A_5)
    "tpu.region"() ({
      %run_scoped3A = tpu.sem_alloc : memref<!tpu.dma_semaphore, #tpu.memory_space<semaphore_mem>>
      %dma_start3A = arith.constant 0 : i32
      %dma_start3A_6 = arith.constant 0 : i32
      %dma_start3A_7 = arith.constant 0 : i32
      %dma_start3A_8 = tpu.memref_slice %arg5[%arg0, %dma_start3A, %dma_start3A_6, %dma_start3A_7] : memref<2x16x640x128xf32, #tpu.memory_space<hbm>> -> memref<1x16x640x128xf32, #tpu.memory_space<hbm>>
      %dma_start3A_9 = tpu.memref_squeeze %dma_start3A_8 : memref<1x16x640x128xf32, #tpu.memory_space<hbm>> -> memref<16x640x128xf32, #tpu.memory_space<hbm>>
      %dma_start3A_10 = arith.constant 0 : i32
      %dma_start3A_11 = arith.constant 0 : i32
      %dma_start3A_12 = tpu.memref_slice %dma_start3A_9[%arg1, %dma_start3A_10, %dma_start3A_11] : memref<16x640x128xf32, #tpu.memory_space<hbm>> -> memref<1x640x128xf32, #tpu.memory_space<hbm>>
      %dma_start3A_13 = tpu.memref_squeeze %dma_start3A_12 : memref<1x640x128xf32, #tpu.memory_space<hbm>> -> memref<640x128xf32, #tpu.memory_space<hbm>>
      %dma_start3A_14 = arith.constant 0 : i32
      %dma_start3A_15 = tpu.memref_slice %arg8[%multiple_of3A, %dma_start3A_14] : memref<10240x128xf32, #tpu.memory_space<vmem_shared>> -> memref<640x128xf32, #tpu.memory_space<vmem_shared>>
      tpu.enqueue_dma source(%dma_start3A_15 : memref<640x128xf32, #tpu.memory_space<vmem_shared>>) target(%dma_start3A_13 : memref<640x128xf32, #tpu.memory_space<hbm>>) target_semaphore(%run_scoped3A : memref<!tpu.dma_semaphore, #tpu.memory_space<semaphore_mem>>)
      %dma_wait3A = arith.constant 0 : i32
      %dma_wait3A_16 = arith.constant 0 : i32
      %dma_wait3A_17 = arith.constant 0 : i32
      %dma_wait3A_18 = tpu.memref_slice %arg5[%arg0, %dma_wait3A, %dma_wait3A_16, %dma_wait3A_17] : memref<2x16x640x128xf32, #tpu.memory_space<hbm>> -> memref<1x16x640x128xf32, #tpu.memory_space<hbm>>
      %dma_wait3A_19 = tpu.memref_squeeze %dma_wait3A_18 : memref<1x16x640x128xf32, #tpu.memory_space<hbm>> -> memref<16x640x128xf32, #tpu.memory_space<hbm>>
      %dma_wait3A_20 = arith.constant 0 : i32
      %dma_wait3A_21 = arith.constant 0 : i32
      %dma_wait3A_22 = tpu.memref_slice %dma_wait3A_19[%arg1, %dma_wait3A_20, %dma_wait3A_21] : memref<16x640x128xf32, #tpu.memory_space<hbm>> -> memref<1x640x128xf32, #tpu.memory_space<hbm>>
      %dma_wait3A_23 = tpu.memref_squeeze %dma_wait3A_22 : memref<1x640x128xf32, #tpu.memory_space<hbm>> -> memref<640x128xf32, #tpu.memory_space<hbm>>
      %dma_wait3A_24 = arith.constant 0 : i32
      %dma_wait3A_25 = tpu.memref_slice %arg8[%multiple_of3A, %dma_wait3A_24] : memref<10240x128xf32, #tpu.memory_space<vmem_shared>> -> memref<640x128xf32, #tpu.memory_space<vmem_shared>>
      tpu.wait_dma2 semaphore(%run_scoped3A : memref<!tpu.dma_semaphore, #tpu.memory_space<semaphore_mem>>) src(%dma_wait3A_25 : memref<640x128xf32, #tpu.memory_space<vmem_shared>>) dst(%dma_wait3A_23 : memref<640x128xf32, #tpu.memory_space<hbm>>)
      tpu.yield
    }) : () -> ()
    return
  }
}

#map = affine_map<(d0, d1) -> (0, 0)>
#map1 = affine_map<(d0, d1) -> (0, 0, 0, 0)>
module attributes {stable_mosaic.version = 14 : i64} {
  func.func @_agg_body(%arg0: i32, %arg1: i32, %arg2: memref<20480x128xf32, #tpu.memory_space<hbm>>, %arg3: memref<2x2x16x5120xi32, #tpu.memory_space<hbm>>, %arg4: memref<2x16x40x128xi32, #tpu.memory_space<hbm>>, %arg5: memref<640x128xf32, #tpu.memory_space<hbm>>, %arg6: memref<2x16x640x128xf32, #tpu.memory_space<hbm>>, %arg7: memref<5120xi32, #tpu.memory_space<vmem>>, %arg8: memref<40x128xi32, #tpu.memory_space<vmem>>, %arg9: memref<128x128xf32, #tpu.memory_space<vmem>>, %arg10: memref<128x128xf32, #tpu.memory_space<vmem>>, %arg11: memref<10240x128xf32, #tpu.memory_space<vmem_shared>>, %arg12: memref<!tpu.dma_semaphore, #tpu.memory_space<semaphore_mem>>, %arg13: memref<!tpu.dma_semaphore, #tpu.memory_space<semaphore_mem>>) attributes {dimension_semantics = [#tpu.dimension_semantics<core_parallel>, #tpu.dimension_semantics<subcore_parallel>], iteration_bounds = array<i64: 2, 16>, scalar_prefetch = 0 : i64, scratch_operands = 7 : i64, tpu.core_type = #tpu.core_type<sc_vector_subcore>, window_params = [{transform_indices = #map}, {transform_indices = #map1}, {transform_indices = #map1}, {transform_indices = #map}, {transform_indices = #map1}]} {
    %mul3A = arith.constant 640 : i32
    %mul3A_0 = arith.muli %arg1, %mul3A : i32
    %multiple_of3A = tpu.assume_multiple %mul3A_0, 128 : i32
    "tpu.region"() ({
      %run_scoped3A_37 = tpu.sem_alloc : memref<!tpu.dma_semaphore, #tpu.memory_space<semaphore_mem>>
      %dma_start3A_38 = arith.constant 0 : i32
      %dma_start3A_39 = tpu.memref_slice %arg11[%multiple_of3A, %dma_start3A_38] : memref<10240x128xf32, #tpu.memory_space<vmem_shared>> -> memref<640x128xf32, #tpu.memory_space<vmem_shared>>
      tpu.enqueue_dma source(%arg5 : memref<640x128xf32, #tpu.memory_space<hbm>>) target(%dma_start3A_39 : memref<640x128xf32, #tpu.memory_space<vmem_shared>>) target_semaphore(%run_scoped3A_37 : memref<!tpu.dma_semaphore, #tpu.memory_space<semaphore_mem>>)
      %dma_wait3A = arith.constant 0 : i32
      %dma_wait3A_40 = tpu.memref_slice %arg11[%multiple_of3A, %dma_wait3A] : memref<10240x128xf32, #tpu.memory_space<vmem_shared>> -> memref<640x128xf32, #tpu.memory_space<vmem_shared>>
      tpu.wait_dma2 semaphore(%run_scoped3A_37 : memref<!tpu.dma_semaphore, #tpu.memory_space<semaphore_mem>>) src(%arg5 : memref<640x128xf32, #tpu.memory_space<hbm>>) dst(%dma_wait3A_40 : memref<640x128xf32, #tpu.memory_space<vmem_shared>>)
      tpu.yield
    }) : () -> ()
    %barrier3A = arith.constant 0 : index
    tpu.barrier barrier_id(%barrier3A)
    %run_scoped3A = arith.constant 0 : i32
    "tpu.region"() ({
      %run_scoped3A_37 = tpu.sem_alloc : memref<!tpu.dma_semaphore, #tpu.memory_space<semaphore_mem>>
      %dma_start3A_38 = arith.constant 0 : i32
      %dma_start3A_39 = arith.constant 0 : i32
      %dma_start3A_40 = arith.constant 0 : i32
      %dma_start3A_41 = tpu.memref_slice %arg3[%arg0, %dma_start3A_38, %dma_start3A_39, %dma_start3A_40] : memref<2x2x16x5120xi32, #tpu.memory_space<hbm>> -> memref<1x2x16x5120xi32, #tpu.memory_space<hbm>>
      %dma_start3A_42 = tpu.memref_squeeze %dma_start3A_41 : memref<1x2x16x5120xi32, #tpu.memory_space<hbm>> -> memref<2x16x5120xi32, #tpu.memory_space<hbm>>
      %dma_start3A_43 = arith.constant 0 : i32
      %dma_start3A_44 = arith.constant 0 : i32
      %dma_start3A_45 = tpu.memref_slice %dma_start3A_42[%run_scoped3A, %dma_start3A_43, %dma_start3A_44] : memref<2x16x5120xi32, #tpu.memory_space<hbm>> -> memref<1x16x5120xi32, #tpu.memory_space<hbm>>
      %dma_start3A_46 = tpu.memref_squeeze %dma_start3A_45 : memref<1x16x5120xi32, #tpu.memory_space<hbm>> -> memref<16x5120xi32, #tpu.memory_space<hbm>>
      %dma_start3A_47 = arith.constant 0 : i32
      %dma_start3A_48 = tpu.memref_slice %dma_start3A_46[%arg1, %dma_start3A_47] : memref<16x5120xi32, #tpu.memory_space<hbm>> -> memref<1x5120xi32, #tpu.memory_space<hbm>>
      %dma_start3A_49 = tpu.memref_squeeze %dma_start3A_48 : memref<1x5120xi32, #tpu.memory_space<hbm>> -> memref<5120xi32, #tpu.memory_space<hbm>>
      %dma_start3A_50 = arith.constant 0 : i32
      %dma_start3A_51 = arith.constant 0 : i32
      %dma_start3A_52 = arith.constant 0 : i32
      %dma_start3A_53 = tpu.memref_slice %arg3[%arg0, %dma_start3A_50, %dma_start3A_51, %dma_start3A_52] : memref<2x2x16x5120xi32, #tpu.memory_space<hbm>> -> memref<1x2x16x5120xi32, #tpu.memory_space<hbm>>
      %dma_start3A_54 = tpu.memref_squeeze %dma_start3A_53 : memref<1x2x16x5120xi32, #tpu.memory_space<hbm>> -> memref<2x16x5120xi32, #tpu.memory_space<hbm>>
      %dma_start3A_55 = arith.constant 0 : i32
      %dma_start3A_56 = arith.constant 0 : i32
      %dma_start3A_57 = tpu.memref_slice %dma_start3A_54[%run_scoped3A, %dma_start3A_55, %dma_start3A_56] : memref<2x16x5120xi32, #tpu.memory_space<hbm>> -> memref<1x16x5120xi32, #tpu.memory_space<hbm>>
      %dma_start3A_58 = tpu.memref_squeeze %dma_start3A_57 : memref<1x16x5120xi32, #tpu.memory_space<hbm>> -> memref<16x5120xi32, #tpu.memory_space<hbm>>
      %dma_start3A_59 = arith.constant 0 : i32
      %dma_start3A_60 = tpu.memref_slice %dma_start3A_58[%arg1, %dma_start3A_59] : memref<16x5120xi32, #tpu.memory_space<hbm>> -> memref<1x5120xi32, #tpu.memory_space<hbm>>
      %dma_start3A_61 = tpu.memref_squeeze %dma_start3A_60 : memref<1x5120xi32, #tpu.memory_space<hbm>> -> memref<5120xi32, #tpu.memory_space<hbm>>
      tpu.enqueue_dma source(%dma_start3A_61 : memref<5120xi32, #tpu.memory_space<hbm>>) target(%arg7 : memref<5120xi32, #tpu.memory_space<vmem>>) target_semaphore(%run_scoped3A_37 : memref<!tpu.dma_semaphore, #tpu.memory_space<semaphore_mem>>)
      %dma_wait3A = arith.constant 0 : i32
      %dma_wait3A_62 = arith.constant 0 : i32
      %dma_wait3A_63 = arith.constant 0 : i32
      %dma_wait3A_64 = tpu.memref_slice %arg3[%arg0, %dma_wait3A, %dma_wait3A_62, %dma_wait3A_63] : memref<2x2x16x5120xi32, #tpu.memory_space<hbm>> -> memref<1x2x16x5120xi32, #tpu.memory_space<hbm>>
      %dma_wait3A_65 = tpu.memref_squeeze %dma_wait3A_64 : memref<1x2x16x5120xi32, #tpu.memory_space<hbm>> -> memref<2x16x5120xi32, #tpu.memory_space<hbm>>
      %dma_wait3A_66 = arith.constant 0 : i32
      %dma_wait3A_67 = arith.constant 0 : i32
      %dma_wait3A_68 = tpu.memref_slice %dma_wait3A_65[%run_scoped3A, %dma_wait3A_66, %dma_wait3A_67] : memref<2x16x5120xi32, #tpu.memory_space<hbm>> -> memref<1x16x5120xi32, #tpu.memory_space<hbm>>
      %dma_wait3A_69 = tpu.memref_squeeze %dma_wait3A_68 : memref<1x16x5120xi32, #tpu.memory_space<hbm>> -> memref<16x5120xi32, #tpu.memory_space<hbm>>
      %dma_wait3A_70 = arith.constant 0 : i32
      %dma_wait3A_71 = tpu.memref_slice %dma_wait3A_69[%arg1, %dma_wait3A_70] : memref<16x5120xi32, #tpu.memory_space<hbm>> -> memref<1x5120xi32, #tpu.memory_space<hbm>>
      %dma_wait3A_72 = tpu.memref_squeeze %dma_wait3A_71 : memref<1x5120xi32, #tpu.memory_space<hbm>> -> memref<5120xi32, #tpu.memory_space<hbm>>
      %dma_wait3A_73 = arith.constant 0 : i32
      %dma_wait3A_74 = arith.constant 0 : i32
      %dma_wait3A_75 = arith.constant 0 : i32
      %dma_wait3A_76 = tpu.memref_slice %arg3[%arg0, %dma_wait3A_73, %dma_wait3A_74, %dma_wait3A_75] : memref<2x2x16x5120xi32, #tpu.memory_space<hbm>> -> memref<1x2x16x5120xi32, #tpu.memory_space<hbm>>
      %dma_wait3A_77 = tpu.memref_squeeze %dma_wait3A_76 : memref<1x2x16x5120xi32, #tpu.memory_space<hbm>> -> memref<2x16x5120xi32, #tpu.memory_space<hbm>>
      %dma_wait3A_78 = arith.constant 0 : i32
      %dma_wait3A_79 = arith.constant 0 : i32
      %dma_wait3A_80 = tpu.memref_slice %dma_wait3A_77[%run_scoped3A, %dma_wait3A_78, %dma_wait3A_79] : memref<2x16x5120xi32, #tpu.memory_space<hbm>> -> memref<1x16x5120xi32, #tpu.memory_space<hbm>>
      %dma_wait3A_81 = tpu.memref_squeeze %dma_wait3A_80 : memref<1x16x5120xi32, #tpu.memory_space<hbm>> -> memref<16x5120xi32, #tpu.memory_space<hbm>>
      %dma_wait3A_82 = arith.constant 0 : i32
      %dma_wait3A_83 = tpu.memref_slice %dma_wait3A_81[%arg1, %dma_wait3A_82] : memref<16x5120xi32, #tpu.memory_space<hbm>> -> memref<1x5120xi32, #tpu.memory_space<hbm>>
      %dma_wait3A_84 = tpu.memref_squeeze %dma_wait3A_83 : memref<1x5120xi32, #tpu.memory_space<hbm>> -> memref<5120xi32, #tpu.memory_space<hbm>>
      tpu.wait_dma2 semaphore(%run_scoped3A_37 : memref<!tpu.dma_semaphore, #tpu.memory_space<semaphore_mem>>) src(%dma_wait3A_84 : memref<5120xi32, #tpu.memory_space<hbm>>) dst(%arg7 : memref<5120xi32, #tpu.memory_space<vmem>>)
      tpu.yield
    }) : () -> ()
    %run_scoped3A_1 = arith.constant 0 : i32
    "tpu.region"() ({
      %run_scoped3A_37 = tpu.sem_alloc : memref<!tpu.dma_semaphore, #tpu.memory_space<semaphore_mem>>
      %dma_start3A_38 = arith.constant 0 : i32
      %dma_start3A_39 = arith.constant 0 : i32
      %dma_start3A_40 = arith.constant 0 : i32
      %dma_start3A_41 = tpu.memref_slice %arg4[%run_scoped3A_1, %dma_start3A_38, %dma_start3A_39, %dma_start3A_40] : memref<2x16x40x128xi32, #tpu.memory_space<hbm>> -> memref<1x16x40x128xi32, #tpu.memory_space<hbm>>
      %dma_start3A_42 = tpu.memref_squeeze %dma_start3A_41 : memref<1x16x40x128xi32, #tpu.memory_space<hbm>> -> memref<16x40x128xi32, #tpu.memory_space<hbm>>
      %dma_start3A_43 = arith.constant 0 : i32
      %dma_start3A_44 = arith.constant 0 : i32
      %dma_start3A_45 = tpu.memref_slice %dma_start3A_42[%arg1, %dma_start3A_43, %dma_start3A_44] : memref<16x40x128xi32, #tpu.memory_space<hbm>> -> memref<1x40x128xi32, #tpu.memory_space<hbm>>
      %dma_start3A_46 = tpu.memref_squeeze %dma_start3A_45 : memref<1x40x128xi32, #tpu.memory_space<hbm>> -> memref<40x128xi32, #tpu.memory_space<hbm>>
      %dma_start3A_47 = arith.constant 0 : i32
      %dma_start3A_48 = arith.constant 0 : i32
      %dma_start3A_49 = arith.constant 0 : i32
      %dma_start3A_50 = tpu.memref_slice %arg4[%run_scoped3A_1, %dma_start3A_47, %dma_start3A_48, %dma_start3A_49] : memref<2x16x40x128xi32, #tpu.memory_space<hbm>> -> memref<1x16x40x128xi32, #tpu.memory_space<hbm>>
      %dma_start3A_51 = tpu.memref_squeeze %dma_start3A_50 : memref<1x16x40x128xi32, #tpu.memory_space<hbm>> -> memref<16x40x128xi32, #tpu.memory_space<hbm>>
      %dma_start3A_52 = arith.constant 0 : i32
      %dma_start3A_53 = arith.constant 0 : i32
      %dma_start3A_54 = tpu.memref_slice %dma_start3A_51[%arg1, %dma_start3A_52, %dma_start3A_53] : memref<16x40x128xi32, #tpu.memory_space<hbm>> -> memref<1x40x128xi32, #tpu.memory_space<hbm>>
      %dma_start3A_55 = tpu.memref_squeeze %dma_start3A_54 : memref<1x40x128xi32, #tpu.memory_space<hbm>> -> memref<40x128xi32, #tpu.memory_space<hbm>>
      tpu.enqueue_dma source(%dma_start3A_55 : memref<40x128xi32, #tpu.memory_space<hbm>>) target(%arg8 : memref<40x128xi32, #tpu.memory_space<vmem>>) target_semaphore(%run_scoped3A_37 : memref<!tpu.dma_semaphore, #tpu.memory_space<semaphore_mem>>)
      %dma_wait3A = arith.constant 0 : i32
      %dma_wait3A_56 = arith.constant 0 : i32
      %dma_wait3A_57 = arith.constant 0 : i32
      %dma_wait3A_58 = tpu.memref_slice %arg4[%run_scoped3A_1, %dma_wait3A, %dma_wait3A_56, %dma_wait3A_57] : memref<2x16x40x128xi32, #tpu.memory_space<hbm>> -> memref<1x16x40x128xi32, #tpu.memory_space<hbm>>
      %dma_wait3A_59 = tpu.memref_squeeze %dma_wait3A_58 : memref<1x16x40x128xi32, #tpu.memory_space<hbm>> -> memref<16x40x128xi32, #tpu.memory_space<hbm>>
      %dma_wait3A_60 = arith.constant 0 : i32
      %dma_wait3A_61 = arith.constant 0 : i32
      %dma_wait3A_62 = tpu.memref_slice %dma_wait3A_59[%arg1, %dma_wait3A_60, %dma_wait3A_61] : memref<16x40x128xi32, #tpu.memory_space<hbm>> -> memref<1x40x128xi32, #tpu.memory_space<hbm>>
      %dma_wait3A_63 = tpu.memref_squeeze %dma_wait3A_62 : memref<1x40x128xi32, #tpu.memory_space<hbm>> -> memref<40x128xi32, #tpu.memory_space<hbm>>
      %dma_wait3A_64 = arith.constant 0 : i32
      %dma_wait3A_65 = arith.constant 0 : i32
      %dma_wait3A_66 = arith.constant 0 : i32
      %dma_wait3A_67 = tpu.memref_slice %arg4[%run_scoped3A_1, %dma_wait3A_64, %dma_wait3A_65, %dma_wait3A_66] : memref<2x16x40x128xi32, #tpu.memory_space<hbm>> -> memref<1x16x40x128xi32, #tpu.memory_space<hbm>>
      %dma_wait3A_68 = tpu.memref_squeeze %dma_wait3A_67 : memref<1x16x40x128xi32, #tpu.memory_space<hbm>> -> memref<16x40x128xi32, #tpu.memory_space<hbm>>
      %dma_wait3A_69 = arith.constant 0 : i32
      %dma_wait3A_70 = arith.constant 0 : i32
      %dma_wait3A_71 = tpu.memref_slice %dma_wait3A_68[%arg1, %dma_wait3A_69, %dma_wait3A_70] : memref<16x40x128xi32, #tpu.memory_space<hbm>> -> memref<1x40x128xi32, #tpu.memory_space<hbm>>
      %dma_wait3A_72 = tpu.memref_squeeze %dma_wait3A_71 : memref<1x40x128xi32, #tpu.memory_space<hbm>> -> memref<40x128xi32, #tpu.memory_space<hbm>>
      tpu.wait_dma2 semaphore(%run_scoped3A_37 : memref<!tpu.dma_semaphore, #tpu.memory_space<semaphore_mem>>) src(%dma_wait3A_72 : memref<40x128xi32, #tpu.memory_space<hbm>>) dst(%arg8 : memref<40x128xi32, #tpu.memory_space<vmem>>)
      tpu.yield
    }) : () -> ()
    %multiple_of3A_2 = arith.constant 0 : i32
    %multiple_of3A_3 = tpu.assume_multiple %multiple_of3A_2, 128 : i32
    %dma_start3A = tpu.memref_slice %arg7[%multiple_of3A_3] : memref<5120xi32, #tpu.memory_space<vmem>> -> memref<128xi32, #tpu.memory_space<vmem>>
    %dma_start3A_4 = arith.constant 0 : i32
    %dma_start3A_5 = arith.constant 0 : i32
    %dma_start3A_6 = tpu.memref_slice %arg2[%dma_start3A_4, %dma_start3A_5] : memref<20480x128xf32, #tpu.memory_space<hbm>> -> memref<20480x128xf32, #tpu.memory_space<hbm>>
    tpu.enqueue_indirect_dma source(%dma_start3A_6 : memref<20480x128xf32, #tpu.memory_space<hbm>>) target(%arg9 : memref<128x128xf32, #tpu.memory_space<vmem>>) offsets(%dma_start3A : memref<128xi32, #tpu.memory_space<vmem>>) semaphore(%arg12 : memref<!tpu.dma_semaphore, #tpu.memory_space<semaphore_mem>>)
    %multiple_of3A_7 = arith.constant 128 : i32
    %multiple_of3A_8 = tpu.assume_multiple %multiple_of3A_7, 128 : i32
    %dma_start3A_9 = tpu.memref_slice %arg7[%multiple_of3A_8] : memref<5120xi32, #tpu.memory_space<vmem>> -> memref<128xi32, #tpu.memory_space<vmem>>
    %dma_start3A_10 = arith.constant 0 : i32
    %dma_start3A_11 = arith.constant 0 : i32
    %dma_start3A_12 = tpu.memref_slice %arg2[%dma_start3A_10, %dma_start3A_11] : memref<20480x128xf32, #tpu.memory_space<hbm>> -> memref<20480x128xf32, #tpu.memory_space<hbm>>
    tpu.enqueue_indirect_dma source(%dma_start3A_12 : memref<20480x128xf32, #tpu.memory_space<hbm>>) target(%arg10 : memref<128x128xf32, #tpu.memory_space<vmem>>) offsets(%dma_start3A_9 : memref<128xi32, #tpu.memory_space<vmem>>) semaphore(%arg13 : memref<!tpu.dma_semaphore, #tpu.memory_space<semaphore_mem>>)
    %scan3A = arith.constant 0 : i32
    %scan3A_13 = arith.constant 20 : i32
    %scan3A_14 = arith.addi %scan3A, %scan3A_13 : i32
    %scan3A_15 = arith.constant 1 : i32
    scf.for %scan3A_37 = %scan3A to %scan3A_14 step %scan3A_15  : i32 {
      %mul3A_38 = arith.constant 1 : i32
      %mul3A_39 = arith.muli %scan3A_37, %mul3A_38 : i32
      %add3A = arith.constant 0 : i32
      %add3A_40 = arith.addi %add3A, %mul3A_39 : i32
      %mul3A_41 = arith.constant 2 : i32
      %mul3A_42 = arith.muli %mul3A_41, %add3A_40 : i32
      %add3A_43 = arith.constant 0 : i32
      %add3A_44 = arith.addi %mul3A_42, %add3A_43 : i32
      %mul3A_45 = arith.constant 128 : i32
      %mul3A_46 = arith.muli %add3A_44, %mul3A_45 : i32
      %multiple_of3A_47 = tpu.assume_multiple %mul3A_46, 128 : i32
      %dma_wait3A = tpu.memref_slice %arg7[%multiple_of3A_47] : memref<5120xi32, #tpu.memory_space<vmem>> -> memref<128xi32, #tpu.memory_space<vmem>>
      %dma_wait3A_48 = arith.constant 0 : i32
      %dma_wait3A_49 = arith.constant 0 : i32
      %dma_wait3A_50 = tpu.memref_slice %arg2[%dma_wait3A_48, %dma_wait3A_49] : memref<20480x128xf32, #tpu.memory_space<hbm>> -> memref<20480x128xf32, #tpu.memory_space<hbm>>
      tpu.wait_indirect_dma semaphore(%arg12 : memref<!tpu.dma_semaphore, #tpu.memory_space<semaphore_mem>>) src(%dma_wait3A_50 : memref<20480x128xf32, #tpu.memory_space<hbm>>) dst(%arg9 : memref<128x128xf32, #tpu.memory_space<vmem>>)
      "tpu.region"() ({
        %run_scoped3A_73 = tpu.sem_alloc : memref<!tpu.dma_semaphore, #tpu.memory_space<semaphore_mem>>
        %dma_start3A_74 = arith.constant 0 : i32
        %dma_start3A_75 = tpu.memref_slice %arg8[%add3A_44, %dma_start3A_74] : memref<40x128xi32, #tpu.memory_space<vmem>> -> memref<1x128xi32, #tpu.memory_space<vmem>>
        %dma_start3A_76 = tpu.memref_squeeze %dma_start3A_75 : memref<1x128xi32, #tpu.memory_space<vmem>> -> memref<128xi32, #tpu.memory_space<vmem>>
        %dma_start3A_77 = arith.constant 0 : i32
        %dma_start3A_78 = arith.constant 0 : i32
        %dma_start3A_79 = tpu.memref_slice %arg11[%dma_start3A_77, %dma_start3A_78] : memref<10240x128xf32, #tpu.memory_space<vmem_shared>> -> memref<10240x128xf32, #tpu.memory_space<vmem_shared>>
        tpu.enqueue_indirect_dma source(%arg9 : memref<128x128xf32, #tpu.memory_space<vmem>>) target(%dma_start3A_79 : memref<10240x128xf32, #tpu.memory_space<vmem_shared>>) offsets(%dma_start3A_76 : memref<128xi32, #tpu.memory_space<vmem>>) semaphore(%run_scoped3A_73 : memref<!tpu.dma_semaphore, #tpu.memory_space<semaphore_mem>>) {add = true}
        %dma_wait3A_80 = arith.constant 0 : i32
        %dma_wait3A_81 = tpu.memref_slice %arg8[%add3A_44, %dma_wait3A_80] : memref<40x128xi32, #tpu.memory_space<vmem>> -> memref<1x128xi32, #tpu.memory_space<vmem>>
        %dma_wait3A_82 = tpu.memref_squeeze %dma_wait3A_81 : memref<1x128xi32, #tpu.memory_space<vmem>> -> memref<128xi32, #tpu.memory_space<vmem>>
        %dma_wait3A_83 = arith.constant 0 : i32
        %dma_wait3A_84 = arith.constant 0 : i32
        %dma_wait3A_85 = tpu.memref_slice %arg11[%dma_wait3A_83, %dma_wait3A_84] : memref<10240x128xf32, #tpu.memory_space<vmem_shared>> -> memref<10240x128xf32, #tpu.memory_space<vmem_shared>>
        tpu.wait_indirect_dma semaphore(%run_scoped3A_73 : memref<!tpu.dma_semaphore, #tpu.memory_space<semaphore_mem>>) src(%arg9 : memref<128x128xf32, #tpu.memory_space<vmem>>) dst(%dma_wait3A_85 : memref<10240x128xf32, #tpu.memory_space<vmem_shared>>)
        tpu.yield
      }) : () -> ()
      %add3A_51 = arith.constant 2 : i32
      %add3A_52 = arith.addi %add3A_44, %add3A_51 : i32
      %lt3A = arith.constant 40 : i32
      %lt3A_53 = arith.cmpi slt, %add3A_52, %lt3A : i32
      %convert_element_type3A = arith.extui %lt3A_53 : i1 to i32
      %cond3A = arith.constant 0 : i32
      %cond3A_54 = arith.cmpi ne, %convert_element_type3A, %cond3A : i32
      scf.if %cond3A_54 {
        %add3A_73 = arith.constant 2 : i32
        %add3A_74 = arith.addi %add3A_44, %add3A_73 : i32
        %mul3A_75 = arith.constant 128 : i32
        %mul3A_76 = arith.muli %add3A_74, %mul3A_75 : i32
        %multiple_of3A_77 = tpu.assume_multiple %mul3A_76, 128 : i32
        %dma_start3A_78 = tpu.memref_slice %arg7[%multiple_of3A_77] : memref<5120xi32, #tpu.memory_space<vmem>> -> memref<128xi32, #tpu.memory_space<vmem>>
        %dma_start3A_79 = arith.constant 0 : i32
        %dma_start3A_80 = arith.constant 0 : i32
        %dma_start3A_81 = tpu.memref_slice %arg2[%dma_start3A_79, %dma_start3A_80] : memref<20480x128xf32, #tpu.memory_space<hbm>> -> memref<20480x128xf32, #tpu.memory_space<hbm>>
        tpu.enqueue_indirect_dma source(%dma_start3A_81 : memref<20480x128xf32, #tpu.memory_space<hbm>>) target(%arg9 : memref<128x128xf32, #tpu.memory_space<vmem>>) offsets(%dma_start3A_78 : memref<128xi32, #tpu.memory_space<vmem>>) semaphore(%arg12 : memref<!tpu.dma_semaphore, #tpu.memory_space<semaphore_mem>>)
      } else {
      }
      %mul3A_55 = arith.constant 2 : i32
      %mul3A_56 = arith.muli %mul3A_55, %add3A_40 : i32
      %add3A_57 = arith.constant 1 : i32
      %add3A_58 = arith.addi %mul3A_56, %add3A_57 : i32
      %mul3A_59 = arith.constant 128 : i32
      %mul3A_60 = arith.muli %add3A_58, %mul3A_59 : i32
      %multiple_of3A_61 = tpu.assume_multiple %mul3A_60, 128 : i32
      %dma_wait3A_62 = tpu.memref_slice %arg7[%multiple_of3A_61] : memref<5120xi32, #tpu.memory_space<vmem>> -> memref<128xi32, #tpu.memory_space<vmem>>
      %dma_wait3A_63 = arith.constant 0 : i32
      %dma_wait3A_64 = arith.constant 0 : i32
      %dma_wait3A_65 = tpu.memref_slice %arg2[%dma_wait3A_63, %dma_wait3A_64] : memref<20480x128xf32, #tpu.memory_space<hbm>> -> memref<20480x128xf32, #tpu.memory_space<hbm>>
      tpu.wait_indirect_dma semaphore(%arg13 : memref<!tpu.dma_semaphore, #tpu.memory_space<semaphore_mem>>) src(%dma_wait3A_65 : memref<20480x128xf32, #tpu.memory_space<hbm>>) dst(%arg10 : memref<128x128xf32, #tpu.memory_space<vmem>>)
      "tpu.region"() ({
        %run_scoped3A_73 = tpu.sem_alloc : memref<!tpu.dma_semaphore, #tpu.memory_space<semaphore_mem>>
        %dma_start3A_74 = arith.constant 0 : i32
        %dma_start3A_75 = tpu.memref_slice %arg8[%add3A_58, %dma_start3A_74] : memref<40x128xi32, #tpu.memory_space<vmem>> -> memref<1x128xi32, #tpu.memory_space<vmem>>
        %dma_start3A_76 = tpu.memref_squeeze %dma_start3A_75 : memref<1x128xi32, #tpu.memory_space<vmem>> -> memref<128xi32, #tpu.memory_space<vmem>>
        %dma_start3A_77 = arith.constant 0 : i32
        %dma_start3A_78 = arith.constant 0 : i32
        %dma_start3A_79 = tpu.memref_slice %arg11[%dma_start3A_77, %dma_start3A_78] : memref<10240x128xf32, #tpu.memory_space<vmem_shared>> -> memref<10240x128xf32, #tpu.memory_space<vmem_shared>>
        tpu.enqueue_indirect_dma source(%arg10 : memref<128x128xf32, #tpu.memory_space<vmem>>) target(%dma_start3A_79 : memref<10240x128xf32, #tpu.memory_space<vmem_shared>>) offsets(%dma_start3A_76 : memref<128xi32, #tpu.memory_space<vmem>>) semaphore(%run_scoped3A_73 : memref<!tpu.dma_semaphore, #tpu.memory_space<semaphore_mem>>) {add = true}
        %dma_wait3A_80 = arith.constant 0 : i32
        %dma_wait3A_81 = tpu.memref_slice %arg8[%add3A_58, %dma_wait3A_80] : memref<40x128xi32, #tpu.memory_space<vmem>> -> memref<1x128xi32, #tpu.memory_space<vmem>>
        %dma_wait3A_82 = tpu.memref_squeeze %dma_wait3A_81 : memref<1x128xi32, #tpu.memory_space<vmem>> -> memref<128xi32, #tpu.memory_space<vmem>>
        %dma_wait3A_83 = arith.constant 0 : i32
        %dma_wait3A_84 = arith.constant 0 : i32
        %dma_wait3A_85 = tpu.memref_slice %arg11[%dma_wait3A_83, %dma_wait3A_84] : memref<10240x128xf32, #tpu.memory_space<vmem_shared>> -> memref<10240x128xf32, #tpu.memory_space<vmem_shared>>
        tpu.wait_indirect_dma semaphore(%run_scoped3A_73 : memref<!tpu.dma_semaphore, #tpu.memory_space<semaphore_mem>>) src(%arg10 : memref<128x128xf32, #tpu.memory_space<vmem>>) dst(%dma_wait3A_85 : memref<10240x128xf32, #tpu.memory_space<vmem_shared>>)
        tpu.yield
      }) : () -> ()
      %add3A_66 = arith.constant 2 : i32
      %add3A_67 = arith.addi %add3A_58, %add3A_66 : i32
      %lt3A_68 = arith.constant 40 : i32
      %lt3A_69 = arith.cmpi slt, %add3A_67, %lt3A_68 : i32
      %convert_element_type3A_70 = arith.extui %lt3A_69 : i1 to i32
      %cond3A_71 = arith.constant 0 : i32
      %cond3A_72 = arith.cmpi ne, %convert_element_type3A_70, %cond3A_71 : i32
      scf.if %cond3A_72 {
        %add3A_73 = arith.constant 2 : i32
        %add3A_74 = arith.addi %add3A_58, %add3A_73 : i32
        %mul3A_75 = arith.constant 128 : i32
        %mul3A_76 = arith.muli %add3A_74, %mul3A_75 : i32
        %multiple_of3A_77 = tpu.assume_multiple %mul3A_76, 128 : i32
        %dma_start3A_78 = tpu.memref_slice %arg7[%multiple_of3A_77] : memref<5120xi32, #tpu.memory_space<vmem>> -> memref<128xi32, #tpu.memory_space<vmem>>
        %dma_start3A_79 = arith.constant 0 : i32
        %dma_start3A_80 = arith.constant 0 : i32
        %dma_start3A_81 = tpu.memref_slice %arg2[%dma_start3A_79, %dma_start3A_80] : memref<20480x128xf32, #tpu.memory_space<hbm>> -> memref<20480x128xf32, #tpu.memory_space<hbm>>
        tpu.enqueue_indirect_dma source(%dma_start3A_81 : memref<20480x128xf32, #tpu.memory_space<hbm>>) target(%arg10 : memref<128x128xf32, #tpu.memory_space<vmem>>) offsets(%dma_start3A_78 : memref<128xi32, #tpu.memory_space<vmem>>) semaphore(%arg13 : memref<!tpu.dma_semaphore, #tpu.memory_space<semaphore_mem>>)
      } else {
      }
    }
    %scan3A_16 = arith.constant 20 : i32
    %run_scoped3A_17 = arith.constant 1 : i32
    "tpu.region"() ({
      %run_scoped3A_37 = tpu.sem_alloc : memref<!tpu.dma_semaphore, #tpu.memory_space<semaphore_mem>>
      %dma_start3A_38 = arith.constant 0 : i32
      %dma_start3A_39 = arith.constant 0 : i32
      %dma_start3A_40 = arith.constant 0 : i32
      %dma_start3A_41 = tpu.memref_slice %arg3[%arg0, %dma_start3A_38, %dma_start3A_39, %dma_start3A_40] : memref<2x2x16x5120xi32, #tpu.memory_space<hbm>> -> memref<1x2x16x5120xi32, #tpu.memory_space<hbm>>
      %dma_start3A_42 = tpu.memref_squeeze %dma_start3A_41 : memref<1x2x16x5120xi32, #tpu.memory_space<hbm>> -> memref<2x16x5120xi32, #tpu.memory_space<hbm>>
      %dma_start3A_43 = arith.constant 0 : i32
      %dma_start3A_44 = arith.constant 0 : i32
      %dma_start3A_45 = tpu.memref_slice %dma_start3A_42[%run_scoped3A_17, %dma_start3A_43, %dma_start3A_44] : memref<2x16x5120xi32, #tpu.memory_space<hbm>> -> memref<1x16x5120xi32, #tpu.memory_space<hbm>>
      %dma_start3A_46 = tpu.memref_squeeze %dma_start3A_45 : memref<1x16x5120xi32, #tpu.memory_space<hbm>> -> memref<16x5120xi32, #tpu.memory_space<hbm>>
      %dma_start3A_47 = arith.constant 0 : i32
      %dma_start3A_48 = tpu.memref_slice %dma_start3A_46[%arg1, %dma_start3A_47] : memref<16x5120xi32, #tpu.memory_space<hbm>> -> memref<1x5120xi32, #tpu.memory_space<hbm>>
      %dma_start3A_49 = tpu.memref_squeeze %dma_start3A_48 : memref<1x5120xi32, #tpu.memory_space<hbm>> -> memref<5120xi32, #tpu.memory_space<hbm>>
      %dma_start3A_50 = arith.constant 0 : i32
      %dma_start3A_51 = arith.constant 0 : i32
      %dma_start3A_52 = arith.constant 0 : i32
      %dma_start3A_53 = tpu.memref_slice %arg3[%arg0, %dma_start3A_50, %dma_start3A_51, %dma_start3A_52] : memref<2x2x16x5120xi32, #tpu.memory_space<hbm>> -> memref<1x2x16x5120xi32, #tpu.memory_space<hbm>>
      %dma_start3A_54 = tpu.memref_squeeze %dma_start3A_53 : memref<1x2x16x5120xi32, #tpu.memory_space<hbm>> -> memref<2x16x5120xi32, #tpu.memory_space<hbm>>
      %dma_start3A_55 = arith.constant 0 : i32
      %dma_start3A_56 = arith.constant 0 : i32
      %dma_start3A_57 = tpu.memref_slice %dma_start3A_54[%run_scoped3A_17, %dma_start3A_55, %dma_start3A_56] : memref<2x16x5120xi32, #tpu.memory_space<hbm>> -> memref<1x16x5120xi32, #tpu.memory_space<hbm>>
      %dma_start3A_58 = tpu.memref_squeeze %dma_start3A_57 : memref<1x16x5120xi32, #tpu.memory_space<hbm>> -> memref<16x5120xi32, #tpu.memory_space<hbm>>
      %dma_start3A_59 = arith.constant 0 : i32
      %dma_start3A_60 = tpu.memref_slice %dma_start3A_58[%arg1, %dma_start3A_59] : memref<16x5120xi32, #tpu.memory_space<hbm>> -> memref<1x5120xi32, #tpu.memory_space<hbm>>
      %dma_start3A_61 = tpu.memref_squeeze %dma_start3A_60 : memref<1x5120xi32, #tpu.memory_space<hbm>> -> memref<5120xi32, #tpu.memory_space<hbm>>
      tpu.enqueue_dma source(%dma_start3A_61 : memref<5120xi32, #tpu.memory_space<hbm>>) target(%arg7 : memref<5120xi32, #tpu.memory_space<vmem>>) target_semaphore(%run_scoped3A_37 : memref<!tpu.dma_semaphore, #tpu.memory_space<semaphore_mem>>)
      %dma_wait3A = arith.constant 0 : i32
      %dma_wait3A_62 = arith.constant 0 : i32
      %dma_wait3A_63 = arith.constant 0 : i32
      %dma_wait3A_64 = tpu.memref_slice %arg3[%arg0, %dma_wait3A, %dma_wait3A_62, %dma_wait3A_63] : memref<2x2x16x5120xi32, #tpu.memory_space<hbm>> -> memref<1x2x16x5120xi32, #tpu.memory_space<hbm>>
      %dma_wait3A_65 = tpu.memref_squeeze %dma_wait3A_64 : memref<1x2x16x5120xi32, #tpu.memory_space<hbm>> -> memref<2x16x5120xi32, #tpu.memory_space<hbm>>
      %dma_wait3A_66 = arith.constant 0 : i32
      %dma_wait3A_67 = arith.constant 0 : i32
      %dma_wait3A_68 = tpu.memref_slice %dma_wait3A_65[%run_scoped3A_17, %dma_wait3A_66, %dma_wait3A_67] : memref<2x16x5120xi32, #tpu.memory_space<hbm>> -> memref<1x16x5120xi32, #tpu.memory_space<hbm>>
      %dma_wait3A_69 = tpu.memref_squeeze %dma_wait3A_68 : memref<1x16x5120xi32, #tpu.memory_space<hbm>> -> memref<16x5120xi32, #tpu.memory_space<hbm>>
      %dma_wait3A_70 = arith.constant 0 : i32
      %dma_wait3A_71 = tpu.memref_slice %dma_wait3A_69[%arg1, %dma_wait3A_70] : memref<16x5120xi32, #tpu.memory_space<hbm>> -> memref<1x5120xi32, #tpu.memory_space<hbm>>
      %dma_wait3A_72 = tpu.memref_squeeze %dma_wait3A_71 : memref<1x5120xi32, #tpu.memory_space<hbm>> -> memref<5120xi32, #tpu.memory_space<hbm>>
      %dma_wait3A_73 = arith.constant 0 : i32
      %dma_wait3A_74 = arith.constant 0 : i32
      %dma_wait3A_75 = arith.constant 0 : i32
      %dma_wait3A_76 = tpu.memref_slice %arg3[%arg0, %dma_wait3A_73, %dma_wait3A_74, %dma_wait3A_75] : memref<2x2x16x5120xi32, #tpu.memory_space<hbm>> -> memref<1x2x16x5120xi32, #tpu.memory_space<hbm>>
      %dma_wait3A_77 = tpu.memref_squeeze %dma_wait3A_76 : memref<1x2x16x5120xi32, #tpu.memory_space<hbm>> -> memref<2x16x5120xi32, #tpu.memory_space<hbm>>
      %dma_wait3A_78 = arith.constant 0 : i32
      %dma_wait3A_79 = arith.constant 0 : i32
      %dma_wait3A_80 = tpu.memref_slice %dma_wait3A_77[%run_scoped3A_17, %dma_wait3A_78, %dma_wait3A_79] : memref<2x16x5120xi32, #tpu.memory_space<hbm>> -> memref<1x16x5120xi32, #tpu.memory_space<hbm>>
      %dma_wait3A_81 = tpu.memref_squeeze %dma_wait3A_80 : memref<1x16x5120xi32, #tpu.memory_space<hbm>> -> memref<16x5120xi32, #tpu.memory_space<hbm>>
      %dma_wait3A_82 = arith.constant 0 : i32
      %dma_wait3A_83 = tpu.memref_slice %dma_wait3A_81[%arg1, %dma_wait3A_82] : memref<16x5120xi32, #tpu.memory_space<hbm>> -> memref<1x5120xi32, #tpu.memory_space<hbm>>
      %dma_wait3A_84 = tpu.memref_squeeze %dma_wait3A_83 : memref<1x5120xi32, #tpu.memory_space<hbm>> -> memref<5120xi32, #tpu.memory_space<hbm>>
      tpu.wait_dma2 semaphore(%run_scoped3A_37 : memref<!tpu.dma_semaphore, #tpu.memory_space<semaphore_mem>>) src(%dma_wait3A_84 : memref<5120xi32, #tpu.memory_space<hbm>>) dst(%arg7 : memref<5120xi32, #tpu.memory_space<vmem>>)
      tpu.yield
    }) : () -> ()
    %run_scoped3A_18 = arith.constant 1 : i32
    "tpu.region"() ({
      %run_scoped3A_37 = tpu.sem_alloc : memref<!tpu.dma_semaphore, #tpu.memory_space<semaphore_mem>>
      %dma_start3A_38 = arith.constant 0 : i32
      %dma_start3A_39 = arith.constant 0 : i32
      %dma_start3A_40 = arith.constant 0 : i32
      %dma_start3A_41 = tpu.memref_slice %arg4[%run_scoped3A_18, %dma_start3A_38, %dma_start3A_39, %dma_start3A_40] : memref<2x16x40x128xi32, #tpu.memory_space<hbm>> -> memref<1x16x40x128xi32, #tpu.memory_space<hbm>>
      %dma_start3A_42 = tpu.memref_squeeze %dma_start3A_41 : memref<1x16x40x128xi32, #tpu.memory_space<hbm>> -> memref<16x40x128xi32, #tpu.memory_space<hbm>>
      %dma_start3A_43 = arith.constant 0 : i32
      %dma_start3A_44 = arith.constant 0 : i32
      %dma_start3A_45 = tpu.memref_slice %dma_start3A_42[%arg1, %dma_start3A_43, %dma_start3A_44] : memref<16x40x128xi32, #tpu.memory_space<hbm>> -> memref<1x40x128xi32, #tpu.memory_space<hbm>>
      %dma_start3A_46 = tpu.memref_squeeze %dma_start3A_45 : memref<1x40x128xi32, #tpu.memory_space<hbm>> -> memref<40x128xi32, #tpu.memory_space<hbm>>
      %dma_start3A_47 = arith.constant 0 : i32
      %dma_start3A_48 = arith.constant 0 : i32
      %dma_start3A_49 = arith.constant 0 : i32
      %dma_start3A_50 = tpu.memref_slice %arg4[%run_scoped3A_18, %dma_start3A_47, %dma_start3A_48, %dma_start3A_49] : memref<2x16x40x128xi32, #tpu.memory_space<hbm>> -> memref<1x16x40x128xi32, #tpu.memory_space<hbm>>
      %dma_start3A_51 = tpu.memref_squeeze %dma_start3A_50 : memref<1x16x40x128xi32, #tpu.memory_space<hbm>> -> memref<16x40x128xi32, #tpu.memory_space<hbm>>
      %dma_start3A_52 = arith.constant 0 : i32
      %dma_start3A_53 = arith.constant 0 : i32
      %dma_start3A_54 = tpu.memref_slice %dma_start3A_51[%arg1, %dma_start3A_52, %dma_start3A_53] : memref<16x40x128xi32, #tpu.memory_space<hbm>> -> memref<1x40x128xi32, #tpu.memory_space<hbm>>
      %dma_start3A_55 = tpu.memref_squeeze %dma_start3A_54 : memref<1x40x128xi32, #tpu.memory_space<hbm>> -> memref<40x128xi32, #tpu.memory_space<hbm>>
      tpu.enqueue_dma source(%dma_start3A_55 : memref<40x128xi32, #tpu.memory_space<hbm>>) target(%arg8 : memref<40x128xi32, #tpu.memory_space<vmem>>) target_semaphore(%run_scoped3A_37 : memref<!tpu.dma_semaphore, #tpu.memory_space<semaphore_mem>>)
      %dma_wait3A = arith.constant 0 : i32
      %dma_wait3A_56 = arith.constant 0 : i32
      %dma_wait3A_57 = arith.constant 0 : i32
      %dma_wait3A_58 = tpu.memref_slice %arg4[%run_scoped3A_18, %dma_wait3A, %dma_wait3A_56, %dma_wait3A_57] : memref<2x16x40x128xi32, #tpu.memory_space<hbm>> -> memref<1x16x40x128xi32, #tpu.memory_space<hbm>>
      %dma_wait3A_59 = tpu.memref_squeeze %dma_wait3A_58 : memref<1x16x40x128xi32, #tpu.memory_space<hbm>> -> memref<16x40x128xi32, #tpu.memory_space<hbm>>
      %dma_wait3A_60 = arith.constant 0 : i32
      %dma_wait3A_61 = arith.constant 0 : i32
      %dma_wait3A_62 = tpu.memref_slice %dma_wait3A_59[%arg1, %dma_wait3A_60, %dma_wait3A_61] : memref<16x40x128xi32, #tpu.memory_space<hbm>> -> memref<1x40x128xi32, #tpu.memory_space<hbm>>
      %dma_wait3A_63 = tpu.memref_squeeze %dma_wait3A_62 : memref<1x40x128xi32, #tpu.memory_space<hbm>> -> memref<40x128xi32, #tpu.memory_space<hbm>>
      %dma_wait3A_64 = arith.constant 0 : i32
      %dma_wait3A_65 = arith.constant 0 : i32
      %dma_wait3A_66 = arith.constant 0 : i32
      %dma_wait3A_67 = tpu.memref_slice %arg4[%run_scoped3A_18, %dma_wait3A_64, %dma_wait3A_65, %dma_wait3A_66] : memref<2x16x40x128xi32, #tpu.memory_space<hbm>> -> memref<1x16x40x128xi32, #tpu.memory_space<hbm>>
      %dma_wait3A_68 = tpu.memref_squeeze %dma_wait3A_67 : memref<1x16x40x128xi32, #tpu.memory_space<hbm>> -> memref<16x40x128xi32, #tpu.memory_space<hbm>>
      %dma_wait3A_69 = arith.constant 0 : i32
      %dma_wait3A_70 = arith.constant 0 : i32
      %dma_wait3A_71 = tpu.memref_slice %dma_wait3A_68[%arg1, %dma_wait3A_69, %dma_wait3A_70] : memref<16x40x128xi32, #tpu.memory_space<hbm>> -> memref<1x40x128xi32, #tpu.memory_space<hbm>>
      %dma_wait3A_72 = tpu.memref_squeeze %dma_wait3A_71 : memref<1x40x128xi32, #tpu.memory_space<hbm>> -> memref<40x128xi32, #tpu.memory_space<hbm>>
      tpu.wait_dma2 semaphore(%run_scoped3A_37 : memref<!tpu.dma_semaphore, #tpu.memory_space<semaphore_mem>>) src(%dma_wait3A_72 : memref<40x128xi32, #tpu.memory_space<hbm>>) dst(%arg8 : memref<40x128xi32, #tpu.memory_space<vmem>>)
      tpu.yield
    }) : () -> ()
    %multiple_of3A_19 = arith.constant 0 : i32
    %multiple_of3A_20 = tpu.assume_multiple %multiple_of3A_19, 128 : i32
    %dma_start3A_21 = tpu.memref_slice %arg7[%multiple_of3A_20] : memref<5120xi32, #tpu.memory_space<vmem>> -> memref<128xi32, #tpu.memory_space<vmem>>
    %dma_start3A_22 = arith.constant 0 : i32
    %dma_start3A_23 = arith.constant 0 : i32
    %dma_start3A_24 = tpu.memref_slice %arg2[%dma_start3A_22, %dma_start3A_23] : memref<20480x128xf32, #tpu.memory_space<hbm>> -> memref<20480x128xf32, #tpu.memory_space<hbm>>
    tpu.enqueue_indirect_dma source(%dma_start3A_24 : memref<20480x128xf32, #tpu.memory_space<hbm>>) target(%arg9 : memref<128x128xf32, #tpu.memory_space<vmem>>) offsets(%dma_start3A_21 : memref<128xi32, #tpu.memory_space<vmem>>) semaphore(%arg12 : memref<!tpu.dma_semaphore, #tpu.memory_space<semaphore_mem>>)
    %multiple_of3A_25 = arith.constant 128 : i32
    %multiple_of3A_26 = tpu.assume_multiple %multiple_of3A_25, 128 : i32
    %dma_start3A_27 = tpu.memref_slice %arg7[%multiple_of3A_26] : memref<5120xi32, #tpu.memory_space<vmem>> -> memref<128xi32, #tpu.memory_space<vmem>>
    %dma_start3A_28 = arith.constant 0 : i32
    %dma_start3A_29 = arith.constant 0 : i32
    %dma_start3A_30 = tpu.memref_slice %arg2[%dma_start3A_28, %dma_start3A_29] : memref<20480x128xf32, #tpu.memory_space<hbm>> -> memref<20480x128xf32, #tpu.memory_space<hbm>>
    tpu.enqueue_indirect_dma source(%dma_start3A_30 : memref<20480x128xf32, #tpu.memory_space<hbm>>) target(%arg10 : memref<128x128xf32, #tpu.memory_space<vmem>>) offsets(%dma_start3A_27 : memref<128xi32, #tpu.memory_space<vmem>>) semaphore(%arg13 : memref<!tpu.dma_semaphore, #tpu.memory_space<semaphore_mem>>)
    %scan3A_31 = arith.constant 0 : i32
    %scan3A_32 = arith.constant 20 : i32
    %scan3A_33 = arith.addi %scan3A_31, %scan3A_32 : i32
    %scan3A_34 = arith.constant 1 : i32
    scf.for %scan3A_37 = %scan3A_31 to %scan3A_33 step %scan3A_34  : i32 {
      %mul3A_38 = arith.constant 1 : i32
      %mul3A_39 = arith.muli %scan3A_37, %mul3A_38 : i32
      %add3A = arith.constant 0 : i32
      %add3A_40 = arith.addi %add3A, %mul3A_39 : i32
      %mul3A_41 = arith.constant 2 : i32
      %mul3A_42 = arith.muli %mul3A_41, %add3A_40 : i32
      %add3A_43 = arith.constant 0 : i32
      %add3A_44 = arith.addi %mul3A_42, %add3A_43 : i32
      %mul3A_45 = arith.constant 128 : i32
      %mul3A_46 = arith.muli %add3A_44, %mul3A_45 : i32
      %multiple_of3A_47 = tpu.assume_multiple %mul3A_46, 128 : i32
      %dma_wait3A = tpu.memref_slice %arg7[%multiple_of3A_47] : memref<5120xi32, #tpu.memory_space<vmem>> -> memref<128xi32, #tpu.memory_space<vmem>>
      %dma_wait3A_48 = arith.constant 0 : i32
      %dma_wait3A_49 = arith.constant 0 : i32
      %dma_wait3A_50 = tpu.memref_slice %arg2[%dma_wait3A_48, %dma_wait3A_49] : memref<20480x128xf32, #tpu.memory_space<hbm>> -> memref<20480x128xf32, #tpu.memory_space<hbm>>
      tpu.wait_indirect_dma semaphore(%arg12 : memref<!tpu.dma_semaphore, #tpu.memory_space<semaphore_mem>>) src(%dma_wait3A_50 : memref<20480x128xf32, #tpu.memory_space<hbm>>) dst(%arg9 : memref<128x128xf32, #tpu.memory_space<vmem>>)
      "tpu.region"() ({
        %run_scoped3A_73 = tpu.sem_alloc : memref<!tpu.dma_semaphore, #tpu.memory_space<semaphore_mem>>
        %dma_start3A_74 = arith.constant 0 : i32
        %dma_start3A_75 = tpu.memref_slice %arg8[%add3A_44, %dma_start3A_74] : memref<40x128xi32, #tpu.memory_space<vmem>> -> memref<1x128xi32, #tpu.memory_space<vmem>>
        %dma_start3A_76 = tpu.memref_squeeze %dma_start3A_75 : memref<1x128xi32, #tpu.memory_space<vmem>> -> memref<128xi32, #tpu.memory_space<vmem>>
        %dma_start3A_77 = arith.constant 0 : i32
        %dma_start3A_78 = arith.constant 0 : i32
        %dma_start3A_79 = tpu.memref_slice %arg11[%dma_start3A_77, %dma_start3A_78] : memref<10240x128xf32, #tpu.memory_space<vmem_shared>> -> memref<10240x128xf32, #tpu.memory_space<vmem_shared>>
        tpu.enqueue_indirect_dma source(%arg9 : memref<128x128xf32, #tpu.memory_space<vmem>>) target(%dma_start3A_79 : memref<10240x128xf32, #tpu.memory_space<vmem_shared>>) offsets(%dma_start3A_76 : memref<128xi32, #tpu.memory_space<vmem>>) semaphore(%run_scoped3A_73 : memref<!tpu.dma_semaphore, #tpu.memory_space<semaphore_mem>>) {add = true}
        %dma_wait3A_80 = arith.constant 0 : i32
        %dma_wait3A_81 = tpu.memref_slice %arg8[%add3A_44, %dma_wait3A_80] : memref<40x128xi32, #tpu.memory_space<vmem>> -> memref<1x128xi32, #tpu.memory_space<vmem>>
        %dma_wait3A_82 = tpu.memref_squeeze %dma_wait3A_81 : memref<1x128xi32, #tpu.memory_space<vmem>> -> memref<128xi32, #tpu.memory_space<vmem>>
        %dma_wait3A_83 = arith.constant 0 : i32
        %dma_wait3A_84 = arith.constant 0 : i32
        %dma_wait3A_85 = tpu.memref_slice %arg11[%dma_wait3A_83, %dma_wait3A_84] : memref<10240x128xf32, #tpu.memory_space<vmem_shared>> -> memref<10240x128xf32, #tpu.memory_space<vmem_shared>>
        tpu.wait_indirect_dma semaphore(%run_scoped3A_73 : memref<!tpu.dma_semaphore, #tpu.memory_space<semaphore_mem>>) src(%arg9 : memref<128x128xf32, #tpu.memory_space<vmem>>) dst(%dma_wait3A_85 : memref<10240x128xf32, #tpu.memory_space<vmem_shared>>)
        tpu.yield
      }) : () -> ()
      %add3A_51 = arith.constant 2 : i32
      %add3A_52 = arith.addi %add3A_44, %add3A_51 : i32
      %lt3A = arith.constant 40 : i32
      %lt3A_53 = arith.cmpi slt, %add3A_52, %lt3A : i32
      %convert_element_type3A = arith.extui %lt3A_53 : i1 to i32
      %cond3A = arith.constant 0 : i32
      %cond3A_54 = arith.cmpi ne, %convert_element_type3A, %cond3A : i32
      scf.if %cond3A_54 {
        %add3A_73 = arith.constant 2 : i32
        %add3A_74 = arith.addi %add3A_44, %add3A_73 : i32
        %mul3A_75 = arith.constant 128 : i32
        %mul3A_76 = arith.muli %add3A_74, %mul3A_75 : i32
        %multiple_of3A_77 = tpu.assume_multiple %mul3A_76, 128 : i32
        %dma_start3A_78 = tpu.memref_slice %arg7[%multiple_of3A_77] : memref<5120xi32, #tpu.memory_space<vmem>> -> memref<128xi32, #tpu.memory_space<vmem>>
        %dma_start3A_79 = arith.constant 0 : i32
        %dma_start3A_80 = arith.constant 0 : i32
        %dma_start3A_81 = tpu.memref_slice %arg2[%dma_start3A_79, %dma_start3A_80] : memref<20480x128xf32, #tpu.memory_space<hbm>> -> memref<20480x128xf32, #tpu.memory_space<hbm>>
        tpu.enqueue_indirect_dma source(%dma_start3A_81 : memref<20480x128xf32, #tpu.memory_space<hbm>>) target(%arg9 : memref<128x128xf32, #tpu.memory_space<vmem>>) offsets(%dma_start3A_78 : memref<128xi32, #tpu.memory_space<vmem>>) semaphore(%arg12 : memref<!tpu.dma_semaphore, #tpu.memory_space<semaphore_mem>>)
      } else {
      }
      %mul3A_55 = arith.constant 2 : i32
      %mul3A_56 = arith.muli %mul3A_55, %add3A_40 : i32
      %add3A_57 = arith.constant 1 : i32
      %add3A_58 = arith.addi %mul3A_56, %add3A_57 : i32
      %mul3A_59 = arith.constant 128 : i32
      %mul3A_60 = arith.muli %add3A_58, %mul3A_59 : i32
      %multiple_of3A_61 = tpu.assume_multiple %mul3A_60, 128 : i32
      %dma_wait3A_62 = tpu.memref_slice %arg7[%multiple_of3A_61] : memref<5120xi32, #tpu.memory_space<vmem>> -> memref<128xi32, #tpu.memory_space<vmem>>
      %dma_wait3A_63 = arith.constant 0 : i32
      %dma_wait3A_64 = arith.constant 0 : i32
      %dma_wait3A_65 = tpu.memref_slice %arg2[%dma_wait3A_63, %dma_wait3A_64] : memref<20480x128xf32, #tpu.memory_space<hbm>> -> memref<20480x128xf32, #tpu.memory_space<hbm>>
      tpu.wait_indirect_dma semaphore(%arg13 : memref<!tpu.dma_semaphore, #tpu.memory_space<semaphore_mem>>) src(%dma_wait3A_65 : memref<20480x128xf32, #tpu.memory_space<hbm>>) dst(%arg10 : memref<128x128xf32, #tpu.memory_space<vmem>>)
      "tpu.region"() ({
        %run_scoped3A_73 = tpu.sem_alloc : memref<!tpu.dma_semaphore, #tpu.memory_space<semaphore_mem>>
        %dma_start3A_74 = arith.constant 0 : i32
        %dma_start3A_75 = tpu.memref_slice %arg8[%add3A_58, %dma_start3A_74] : memref<40x128xi32, #tpu.memory_space<vmem>> -> memref<1x128xi32, #tpu.memory_space<vmem>>
        %dma_start3A_76 = tpu.memref_squeeze %dma_start3A_75 : memref<1x128xi32, #tpu.memory_space<vmem>> -> memref<128xi32, #tpu.memory_space<vmem>>
        %dma_start3A_77 = arith.constant 0 : i32
        %dma_start3A_78 = arith.constant 0 : i32
        %dma_start3A_79 = tpu.memref_slice %arg11[%dma_start3A_77, %dma_start3A_78] : memref<10240x128xf32, #tpu.memory_space<vmem_shared>> -> memref<10240x128xf32, #tpu.memory_space<vmem_shared>>
        tpu.enqueue_indirect_dma source(%arg10 : memref<128x128xf32, #tpu.memory_space<vmem>>) target(%dma_start3A_79 : memref<10240x128xf32, #tpu.memory_space<vmem_shared>>) offsets(%dma_start3A_76 : memref<128xi32, #tpu.memory_space<vmem>>) semaphore(%run_scoped3A_73 : memref<!tpu.dma_semaphore, #tpu.memory_space<semaphore_mem>>) {add = true}
        %dma_wait3A_80 = arith.constant 0 : i32
        %dma_wait3A_81 = tpu.memref_slice %arg8[%add3A_58, %dma_wait3A_80] : memref<40x128xi32, #tpu.memory_space<vmem>> -> memref<1x128xi32, #tpu.memory_space<vmem>>
        %dma_wait3A_82 = tpu.memref_squeeze %dma_wait3A_81 : memref<1x128xi32, #tpu.memory_space<vmem>> -> memref<128xi32, #tpu.memory_space<vmem>>
        %dma_wait3A_83 = arith.constant 0 : i32
        %dma_wait3A_84 = arith.constant 0 : i32
        %dma_wait3A_85 = tpu.memref_slice %arg11[%dma_wait3A_83, %dma_wait3A_84] : memref<10240x128xf32, #tpu.memory_space<vmem_shared>> -> memref<10240x128xf32, #tpu.memory_space<vmem_shared>>
        tpu.wait_indirect_dma semaphore(%run_scoped3A_73 : memref<!tpu.dma_semaphore, #tpu.memory_space<semaphore_mem>>) src(%arg10 : memref<128x128xf32, #tpu.memory_space<vmem>>) dst(%dma_wait3A_85 : memref<10240x128xf32, #tpu.memory_space<vmem_shared>>)
        tpu.yield
      }) : () -> ()
      %add3A_66 = arith.constant 2 : i32
      %add3A_67 = arith.addi %add3A_58, %add3A_66 : i32
      %lt3A_68 = arith.constant 40 : i32
      %lt3A_69 = arith.cmpi slt, %add3A_67, %lt3A_68 : i32
      %convert_element_type3A_70 = arith.extui %lt3A_69 : i1 to i32
      %cond3A_71 = arith.constant 0 : i32
      %cond3A_72 = arith.cmpi ne, %convert_element_type3A_70, %cond3A_71 : i32
      scf.if %cond3A_72 {
        %add3A_73 = arith.constant 2 : i32
        %add3A_74 = arith.addi %add3A_58, %add3A_73 : i32
        %mul3A_75 = arith.constant 128 : i32
        %mul3A_76 = arith.muli %add3A_74, %mul3A_75 : i32
        %multiple_of3A_77 = tpu.assume_multiple %mul3A_76, 128 : i32
        %dma_start3A_78 = tpu.memref_slice %arg7[%multiple_of3A_77] : memref<5120xi32, #tpu.memory_space<vmem>> -> memref<128xi32, #tpu.memory_space<vmem>>
        %dma_start3A_79 = arith.constant 0 : i32
        %dma_start3A_80 = arith.constant 0 : i32
        %dma_start3A_81 = tpu.memref_slice %arg2[%dma_start3A_79, %dma_start3A_80] : memref<20480x128xf32, #tpu.memory_space<hbm>> -> memref<20480x128xf32, #tpu.memory_space<hbm>>
        tpu.enqueue_indirect_dma source(%dma_start3A_81 : memref<20480x128xf32, #tpu.memory_space<hbm>>) target(%arg10 : memref<128x128xf32, #tpu.memory_space<vmem>>) offsets(%dma_start3A_78 : memref<128xi32, #tpu.memory_space<vmem>>) semaphore(%arg13 : memref<!tpu.dma_semaphore, #tpu.memory_space<semaphore_mem>>)
      } else {
      }
    }
    %scan3A_35 = arith.constant 20 : i32
    %barrier3A_36 = arith.constant 0 : index
    tpu.barrier barrier_id(%barrier3A_36)
    "tpu.region"() ({
      %run_scoped3A_37 = tpu.sem_alloc : memref<!tpu.dma_semaphore, #tpu.memory_space<semaphore_mem>>
      %dma_start3A_38 = arith.constant 0 : i32
      %dma_start3A_39 = arith.constant 0 : i32
      %dma_start3A_40 = arith.constant 0 : i32
      %dma_start3A_41 = tpu.memref_slice %arg6[%arg0, %dma_start3A_38, %dma_start3A_39, %dma_start3A_40] : memref<2x16x640x128xf32, #tpu.memory_space<hbm>> -> memref<1x16x640x128xf32, #tpu.memory_space<hbm>>
      %dma_start3A_42 = tpu.memref_squeeze %dma_start3A_41 : memref<1x16x640x128xf32, #tpu.memory_space<hbm>> -> memref<16x640x128xf32, #tpu.memory_space<hbm>>
      %dma_start3A_43 = arith.constant 0 : i32
      %dma_start3A_44 = arith.constant 0 : i32
      %dma_start3A_45 = tpu.memref_slice %dma_start3A_42[%arg1, %dma_start3A_43, %dma_start3A_44] : memref<16x640x128xf32, #tpu.memory_space<hbm>> -> memref<1x640x128xf32, #tpu.memory_space<hbm>>
      %dma_start3A_46 = tpu.memref_squeeze %dma_start3A_45 : memref<1x640x128xf32, #tpu.memory_space<hbm>> -> memref<640x128xf32, #tpu.memory_space<hbm>>
      %dma_start3A_47 = arith.constant 0 : i32
      %dma_start3A_48 = tpu.memref_slice %arg11[%multiple_of3A, %dma_start3A_47] : memref<10240x128xf32, #tpu.memory_space<vmem_shared>> -> memref<640x128xf32, #tpu.memory_space<vmem_shared>>
      tpu.enqueue_dma source(%dma_start3A_48 : memref<640x128xf32, #tpu.memory_space<vmem_shared>>) target(%dma_start3A_46 : memref<640x128xf32, #tpu.memory_space<hbm>>) target_semaphore(%run_scoped3A_37 : memref<!tpu.dma_semaphore, #tpu.memory_space<semaphore_mem>>)
      %dma_wait3A = arith.constant 0 : i32
      %dma_wait3A_49 = arith.constant 0 : i32
      %dma_wait3A_50 = arith.constant 0 : i32
      %dma_wait3A_51 = tpu.memref_slice %arg6[%arg0, %dma_wait3A, %dma_wait3A_49, %dma_wait3A_50] : memref<2x16x640x128xf32, #tpu.memory_space<hbm>> -> memref<1x16x640x128xf32, #tpu.memory_space<hbm>>
      %dma_wait3A_52 = tpu.memref_squeeze %dma_wait3A_51 : memref<1x16x640x128xf32, #tpu.memory_space<hbm>> -> memref<16x640x128xf32, #tpu.memory_space<hbm>>
      %dma_wait3A_53 = arith.constant 0 : i32
      %dma_wait3A_54 = arith.constant 0 : i32
      %dma_wait3A_55 = tpu.memref_slice %dma_wait3A_52[%arg1, %dma_wait3A_53, %dma_wait3A_54] : memref<16x640x128xf32, #tpu.memory_space<hbm>> -> memref<1x640x128xf32, #tpu.memory_space<hbm>>
      %dma_wait3A_56 = tpu.memref_squeeze %dma_wait3A_55 : memref<1x640x128xf32, #tpu.memory_space<hbm>> -> memref<640x128xf32, #tpu.memory_space<hbm>>
      %dma_wait3A_57 = arith.constant 0 : i32
      %dma_wait3A_58 = tpu.memref_slice %arg11[%multiple_of3A, %dma_wait3A_57] : memref<10240x128xf32, #tpu.memory_space<vmem_shared>> -> memref<640x128xf32, #tpu.memory_space<vmem_shared>>
      tpu.wait_dma2 semaphore(%run_scoped3A_37 : memref<!tpu.dma_semaphore, #tpu.memory_space<semaphore_mem>>) src(%dma_wait3A_58 : memref<640x128xf32, #tpu.memory_space<vmem_shared>>) dst(%dma_wait3A_56 : memref<640x128xf32, #tpu.memory_space<hbm>>)
      tpu.yield
    }) : () -> ()
    return
  }
}

#map = affine_map<(d0, d1) -> (0, 0)>
#map1 = affine_map<(d0, d1) -> (0, 0, 0, 0)>
module attributes {stable_mosaic.version = 14 : i64} {
  func.func @_agg_body(%arg0: i32, %arg1: i32, %arg2: memref<20480x128xf32, #tpu.memory_space<hbm>>, %arg3: memref<2x2x16x5120xi32, #tpu.memory_space<hbm>>, %arg4: memref<2x16x40x128xi32, #tpu.memory_space<hbm>>, %arg5: memref<640x128xf32, #tpu.memory_space<hbm>>, %arg6: memref<2x16x640x128xf32, #tpu.memory_space<hbm>>, %arg7: memref<5120xi32, #tpu.memory_space<vmem>>, %arg8: memref<40x128xi32, #tpu.memory_space<vmem>>, %arg9: memref<128x128xf32, #tpu.memory_space<vmem>>, %arg10: memref<128x128xf32, #tpu.memory_space<vmem>>, %arg11: memref<10240x128xf32, #tpu.memory_space<vmem_shared>>, %arg12: memref<!tpu.dma_semaphore, #tpu.memory_space<semaphore_mem>>, %arg13: memref<!tpu.dma_semaphore, #tpu.memory_space<semaphore_mem>>) attributes {dimension_semantics = [#tpu.dimension_semantics<core_parallel>, #tpu.dimension_semantics<subcore_parallel>], iteration_bounds = array<i64: 2, 16>, scalar_prefetch = 0 : i64, scratch_operands = 7 : i64, tpu.core_type = #tpu.core_type<sc_vector_subcore>, window_params = [{transform_indices = #map}, {transform_indices = #map1}, {transform_indices = #map1}, {transform_indices = #map}, {transform_indices = #map1}]} {
    %mul3A = arith.constant 640 : i32
    %mul3A_0 = arith.muli %arg1, %mul3A : i32
    %multiple_of3A = tpu.assume_multiple %mul3A_0, 128 : i32
    "tpu.region"() ({
      %run_scoped3A_37 = tpu.sem_alloc : memref<!tpu.dma_semaphore, #tpu.memory_space<semaphore_mem>>
      %dma_start3A_38 = arith.constant 0 : i32
      %dma_start3A_39 = tpu.memref_slice %arg11[%multiple_of3A, %dma_start3A_38] : memref<10240x128xf32, #tpu.memory_space<vmem_shared>> -> memref<640x128xf32, #tpu.memory_space<vmem_shared>>
      tpu.enqueue_dma source(%arg5 : memref<640x128xf32, #tpu.memory_space<hbm>>) target(%dma_start3A_39 : memref<640x128xf32, #tpu.memory_space<vmem_shared>>) target_semaphore(%run_scoped3A_37 : memref<!tpu.dma_semaphore, #tpu.memory_space<semaphore_mem>>)
      %dma_wait3A = arith.constant 0 : i32
      %dma_wait3A_40 = tpu.memref_slice %arg11[%multiple_of3A, %dma_wait3A] : memref<10240x128xf32, #tpu.memory_space<vmem_shared>> -> memref<640x128xf32, #tpu.memory_space<vmem_shared>>
      tpu.wait_dma2 semaphore(%run_scoped3A_37 : memref<!tpu.dma_semaphore, #tpu.memory_space<semaphore_mem>>) src(%arg5 : memref<640x128xf32, #tpu.memory_space<hbm>>) dst(%dma_wait3A_40 : memref<640x128xf32, #tpu.memory_space<vmem_shared>>)
      tpu.yield
    }) : () -> ()
    %barrier3A = arith.constant 0 : index
    tpu.barrier barrier_id(%barrier3A)
    %run_scoped3A = arith.constant 0 : i32
    "tpu.region"() ({
      %run_scoped3A_37 = tpu.sem_alloc : memref<!tpu.dma_semaphore, #tpu.memory_space<semaphore_mem>>
      %dma_start3A_38 = arith.constant 0 : i32
      %dma_start3A_39 = arith.constant 0 : i32
      %dma_start3A_40 = arith.constant 0 : i32
      %dma_start3A_41 = tpu.memref_slice %arg3[%arg0, %dma_start3A_38, %dma_start3A_39, %dma_start3A_40] : memref<2x2x16x5120xi32, #tpu.memory_space<hbm>> -> memref<1x2x16x5120xi32, #tpu.memory_space<hbm>>
      %dma_start3A_42 = tpu.memref_squeeze %dma_start3A_41 : memref<1x2x16x5120xi32, #tpu.memory_space<hbm>> -> memref<2x16x5120xi32, #tpu.memory_space<hbm>>
      %dma_start3A_43 = arith.constant 0 : i32
      %dma_start3A_44 = arith.constant 0 : i32
      %dma_start3A_45 = tpu.memref_slice %dma_start3A_42[%run_scoped3A, %dma_start3A_43, %dma_start3A_44] : memref<2x16x5120xi32, #tpu.memory_space<hbm>> -> memref<1x16x5120xi32, #tpu.memory_space<hbm>>
      %dma_start3A_46 = tpu.memref_squeeze %dma_start3A_45 : memref<1x16x5120xi32, #tpu.memory_space<hbm>> -> memref<16x5120xi32, #tpu.memory_space<hbm>>
      %dma_start3A_47 = arith.constant 0 : i32
      %dma_start3A_48 = tpu.memref_slice %dma_start3A_46[%arg1, %dma_start3A_47] : memref<16x5120xi32, #tpu.memory_space<hbm>> -> memref<1x5120xi32, #tpu.memory_space<hbm>>
      %dma_start3A_49 = tpu.memref_squeeze %dma_start3A_48 : memref<1x5120xi32, #tpu.memory_space<hbm>> -> memref<5120xi32, #tpu.memory_space<hbm>>
      %dma_start3A_50 = arith.constant 0 : i32
      %dma_start3A_51 = arith.constant 0 : i32
      %dma_start3A_52 = arith.constant 0 : i32
      %dma_start3A_53 = tpu.memref_slice %arg3[%arg0, %dma_start3A_50, %dma_start3A_51, %dma_start3A_52] : memref<2x2x16x5120xi32, #tpu.memory_space<hbm>> -> memref<1x2x16x5120xi32, #tpu.memory_space<hbm>>
      %dma_start3A_54 = tpu.memref_squeeze %dma_start3A_53 : memref<1x2x16x5120xi32, #tpu.memory_space<hbm>> -> memref<2x16x5120xi32, #tpu.memory_space<hbm>>
      %dma_start3A_55 = arith.constant 0 : i32
      %dma_start3A_56 = arith.constant 0 : i32
      %dma_start3A_57 = tpu.memref_slice %dma_start3A_54[%run_scoped3A, %dma_start3A_55, %dma_start3A_56] : memref<2x16x5120xi32, #tpu.memory_space<hbm>> -> memref<1x16x5120xi32, #tpu.memory_space<hbm>>
      %dma_start3A_58 = tpu.memref_squeeze %dma_start3A_57 : memref<1x16x5120xi32, #tpu.memory_space<hbm>> -> memref<16x5120xi32, #tpu.memory_space<hbm>>
      %dma_start3A_59 = arith.constant 0 : i32
      %dma_start3A_60 = tpu.memref_slice %dma_start3A_58[%arg1, %dma_start3A_59] : memref<16x5120xi32, #tpu.memory_space<hbm>> -> memref<1x5120xi32, #tpu.memory_space<hbm>>
      %dma_start3A_61 = tpu.memref_squeeze %dma_start3A_60 : memref<1x5120xi32, #tpu.memory_space<hbm>> -> memref<5120xi32, #tpu.memory_space<hbm>>
      tpu.enqueue_dma source(%dma_start3A_61 : memref<5120xi32, #tpu.memory_space<hbm>>) target(%arg7 : memref<5120xi32, #tpu.memory_space<vmem>>) target_semaphore(%run_scoped3A_37 : memref<!tpu.dma_semaphore, #tpu.memory_space<semaphore_mem>>)
      %dma_wait3A = arith.constant 0 : i32
      %dma_wait3A_62 = arith.constant 0 : i32
      %dma_wait3A_63 = arith.constant 0 : i32
      %dma_wait3A_64 = tpu.memref_slice %arg3[%arg0, %dma_wait3A, %dma_wait3A_62, %dma_wait3A_63] : memref<2x2x16x5120xi32, #tpu.memory_space<hbm>> -> memref<1x2x16x5120xi32, #tpu.memory_space<hbm>>
      %dma_wait3A_65 = tpu.memref_squeeze %dma_wait3A_64 : memref<1x2x16x5120xi32, #tpu.memory_space<hbm>> -> memref<2x16x5120xi32, #tpu.memory_space<hbm>>
      %dma_wait3A_66 = arith.constant 0 : i32
      %dma_wait3A_67 = arith.constant 0 : i32
      %dma_wait3A_68 = tpu.memref_slice %dma_wait3A_65[%run_scoped3A, %dma_wait3A_66, %dma_wait3A_67] : memref<2x16x5120xi32, #tpu.memory_space<hbm>> -> memref<1x16x5120xi32, #tpu.memory_space<hbm>>
      %dma_wait3A_69 = tpu.memref_squeeze %dma_wait3A_68 : memref<1x16x5120xi32, #tpu.memory_space<hbm>> -> memref<16x5120xi32, #tpu.memory_space<hbm>>
      %dma_wait3A_70 = arith.constant 0 : i32
      %dma_wait3A_71 = tpu.memref_slice %dma_wait3A_69[%arg1, %dma_wait3A_70] : memref<16x5120xi32, #tpu.memory_space<hbm>> -> memref<1x5120xi32, #tpu.memory_space<hbm>>
      %dma_wait3A_72 = tpu.memref_squeeze %dma_wait3A_71 : memref<1x5120xi32, #tpu.memory_space<hbm>> -> memref<5120xi32, #tpu.memory_space<hbm>>
      %dma_wait3A_73 = arith.constant 0 : i32
      %dma_wait3A_74 = arith.constant 0 : i32
      %dma_wait3A_75 = arith.constant 0 : i32
      %dma_wait3A_76 = tpu.memref_slice %arg3[%arg0, %dma_wait3A_73, %dma_wait3A_74, %dma_wait3A_75] : memref<2x2x16x5120xi32, #tpu.memory_space<hbm>> -> memref<1x2x16x5120xi32, #tpu.memory_space<hbm>>
      %dma_wait3A_77 = tpu.memref_squeeze %dma_wait3A_76 : memref<1x2x16x5120xi32, #tpu.memory_space<hbm>> -> memref<2x16x5120xi32, #tpu.memory_space<hbm>>
      %dma_wait3A_78 = arith.constant 0 : i32
      %dma_wait3A_79 = arith.constant 0 : i32
      %dma_wait3A_80 = tpu.memref_slice %dma_wait3A_77[%run_scoped3A, %dma_wait3A_78, %dma_wait3A_79] : memref<2x16x5120xi32, #tpu.memory_space<hbm>> -> memref<1x16x5120xi32, #tpu.memory_space<hbm>>
      %dma_wait3A_81 = tpu.memref_squeeze %dma_wait3A_80 : memref<1x16x5120xi32, #tpu.memory_space<hbm>> -> memref<16x5120xi32, #tpu.memory_space<hbm>>
      %dma_wait3A_82 = arith.constant 0 : i32
      %dma_wait3A_83 = tpu.memref_slice %dma_wait3A_81[%arg1, %dma_wait3A_82] : memref<16x5120xi32, #tpu.memory_space<hbm>> -> memref<1x5120xi32, #tpu.memory_space<hbm>>
      %dma_wait3A_84 = tpu.memref_squeeze %dma_wait3A_83 : memref<1x5120xi32, #tpu.memory_space<hbm>> -> memref<5120xi32, #tpu.memory_space<hbm>>
      tpu.wait_dma2 semaphore(%run_scoped3A_37 : memref<!tpu.dma_semaphore, #tpu.memory_space<semaphore_mem>>) src(%dma_wait3A_84 : memref<5120xi32, #tpu.memory_space<hbm>>) dst(%arg7 : memref<5120xi32, #tpu.memory_space<vmem>>)
      tpu.yield
    }) : () -> ()
    %run_scoped3A_1 = arith.constant 0 : i32
    "tpu.region"() ({
      %run_scoped3A_37 = tpu.sem_alloc : memref<!tpu.dma_semaphore, #tpu.memory_space<semaphore_mem>>
      %dma_start3A_38 = arith.constant 0 : i32
      %dma_start3A_39 = arith.constant 0 : i32
      %dma_start3A_40 = arith.constant 0 : i32
      %dma_start3A_41 = tpu.memref_slice %arg4[%run_scoped3A_1, %dma_start3A_38, %dma_start3A_39, %dma_start3A_40] : memref<2x16x40x128xi32, #tpu.memory_space<hbm>> -> memref<1x16x40x128xi32, #tpu.memory_space<hbm>>
      %dma_start3A_42 = tpu.memref_squeeze %dma_start3A_41 : memref<1x16x40x128xi32, #tpu.memory_space<hbm>> -> memref<16x40x128xi32, #tpu.memory_space<hbm>>
      %dma_start3A_43 = arith.constant 0 : i32
      %dma_start3A_44 = arith.constant 0 : i32
      %dma_start3A_45 = tpu.memref_slice %dma_start3A_42[%arg1, %dma_start3A_43, %dma_start3A_44] : memref<16x40x128xi32, #tpu.memory_space<hbm>> -> memref<1x40x128xi32, #tpu.memory_space<hbm>>
      %dma_start3A_46 = tpu.memref_squeeze %dma_start3A_45 : memref<1x40x128xi32, #tpu.memory_space<hbm>> -> memref<40x128xi32, #tpu.memory_space<hbm>>
      %dma_start3A_47 = arith.constant 0 : i32
      %dma_start3A_48 = arith.constant 0 : i32
      %dma_start3A_49 = arith.constant 0 : i32
      %dma_start3A_50 = tpu.memref_slice %arg4[%run_scoped3A_1, %dma_start3A_47, %dma_start3A_48, %dma_start3A_49] : memref<2x16x40x128xi32, #tpu.memory_space<hbm>> -> memref<1x16x40x128xi32, #tpu.memory_space<hbm>>
      %dma_start3A_51 = tpu.memref_squeeze %dma_start3A_50 : memref<1x16x40x128xi32, #tpu.memory_space<hbm>> -> memref<16x40x128xi32, #tpu.memory_space<hbm>>
      %dma_start3A_52 = arith.constant 0 : i32
      %dma_start3A_53 = arith.constant 0 : i32
      %dma_start3A_54 = tpu.memref_slice %dma_start3A_51[%arg1, %dma_start3A_52, %dma_start3A_53] : memref<16x40x128xi32, #tpu.memory_space<hbm>> -> memref<1x40x128xi32, #tpu.memory_space<hbm>>
      %dma_start3A_55 = tpu.memref_squeeze %dma_start3A_54 : memref<1x40x128xi32, #tpu.memory_space<hbm>> -> memref<40x128xi32, #tpu.memory_space<hbm>>
      tpu.enqueue_dma source(%dma_start3A_55 : memref<40x128xi32, #tpu.memory_space<hbm>>) target(%arg8 : memref<40x128xi32, #tpu.memory_space<vmem>>) target_semaphore(%run_scoped3A_37 : memref<!tpu.dma_semaphore, #tpu.memory_space<semaphore_mem>>)
      %dma_wait3A = arith.constant 0 : i32
      %dma_wait3A_56 = arith.constant 0 : i32
      %dma_wait3A_57 = arith.constant 0 : i32
      %dma_wait3A_58 = tpu.memref_slice %arg4[%run_scoped3A_1, %dma_wait3A, %dma_wait3A_56, %dma_wait3A_57] : memref<2x16x40x128xi32, #tpu.memory_space<hbm>> -> memref<1x16x40x128xi32, #tpu.memory_space<hbm>>
      %dma_wait3A_59 = tpu.memref_squeeze %dma_wait3A_58 : memref<1x16x40x128xi32, #tpu.memory_space<hbm>> -> memref<16x40x128xi32, #tpu.memory_space<hbm>>
      %dma_wait3A_60 = arith.constant 0 : i32
      %dma_wait3A_61 = arith.constant 0 : i32
      %dma_wait3A_62 = tpu.memref_slice %dma_wait3A_59[%arg1, %dma_wait3A_60, %dma_wait3A_61] : memref<16x40x128xi32, #tpu.memory_space<hbm>> -> memref<1x40x128xi32, #tpu.memory_space<hbm>>
      %dma_wait3A_63 = tpu.memref_squeeze %dma_wait3A_62 : memref<1x40x128xi32, #tpu.memory_space<hbm>> -> memref<40x128xi32, #tpu.memory_space<hbm>>
      %dma_wait3A_64 = arith.constant 0 : i32
      %dma_wait3A_65 = arith.constant 0 : i32
      %dma_wait3A_66 = arith.constant 0 : i32
      %dma_wait3A_67 = tpu.memref_slice %arg4[%run_scoped3A_1, %dma_wait3A_64, %dma_wait3A_65, %dma_wait3A_66] : memref<2x16x40x128xi32, #tpu.memory_space<hbm>> -> memref<1x16x40x128xi32, #tpu.memory_space<hbm>>
      %dma_wait3A_68 = tpu.memref_squeeze %dma_wait3A_67 : memref<1x16x40x128xi32, #tpu.memory_space<hbm>> -> memref<16x40x128xi32, #tpu.memory_space<hbm>>
      %dma_wait3A_69 = arith.constant 0 : i32
      %dma_wait3A_70 = arith.constant 0 : i32
      %dma_wait3A_71 = tpu.memref_slice %dma_wait3A_68[%arg1, %dma_wait3A_69, %dma_wait3A_70] : memref<16x40x128xi32, #tpu.memory_space<hbm>> -> memref<1x40x128xi32, #tpu.memory_space<hbm>>
      %dma_wait3A_72 = tpu.memref_squeeze %dma_wait3A_71 : memref<1x40x128xi32, #tpu.memory_space<hbm>> -> memref<40x128xi32, #tpu.memory_space<hbm>>
      tpu.wait_dma2 semaphore(%run_scoped3A_37 : memref<!tpu.dma_semaphore, #tpu.memory_space<semaphore_mem>>) src(%dma_wait3A_72 : memref<40x128xi32, #tpu.memory_space<hbm>>) dst(%arg8 : memref<40x128xi32, #tpu.memory_space<vmem>>)
      tpu.yield
    }) : () -> ()
    %multiple_of3A_2 = arith.constant 0 : i32
    %multiple_of3A_3 = tpu.assume_multiple %multiple_of3A_2, 128 : i32
    %dma_start3A = tpu.memref_slice %arg7[%multiple_of3A_3] : memref<5120xi32, #tpu.memory_space<vmem>> -> memref<128xi32, #tpu.memory_space<vmem>>
    %dma_start3A_4 = arith.constant 0 : i32
    %dma_start3A_5 = arith.constant 0 : i32
    %dma_start3A_6 = tpu.memref_slice %arg2[%dma_start3A_4, %dma_start3A_5] : memref<20480x128xf32, #tpu.memory_space<hbm>> -> memref<20480x128xf32, #tpu.memory_space<hbm>>
    tpu.enqueue_indirect_dma source(%dma_start3A_6 : memref<20480x128xf32, #tpu.memory_space<hbm>>) target(%arg9 : memref<128x128xf32, #tpu.memory_space<vmem>>) offsets(%dma_start3A : memref<128xi32, #tpu.memory_space<vmem>>) semaphore(%arg12 : memref<!tpu.dma_semaphore, #tpu.memory_space<semaphore_mem>>)
    %multiple_of3A_7 = arith.constant 128 : i32
    %multiple_of3A_8 = tpu.assume_multiple %multiple_of3A_7, 128 : i32
    %dma_start3A_9 = tpu.memref_slice %arg7[%multiple_of3A_8] : memref<5120xi32, #tpu.memory_space<vmem>> -> memref<128xi32, #tpu.memory_space<vmem>>
    %dma_start3A_10 = arith.constant 0 : i32
    %dma_start3A_11 = arith.constant 0 : i32
    %dma_start3A_12 = tpu.memref_slice %arg2[%dma_start3A_10, %dma_start3A_11] : memref<20480x128xf32, #tpu.memory_space<hbm>> -> memref<20480x128xf32, #tpu.memory_space<hbm>>
    tpu.enqueue_indirect_dma source(%dma_start3A_12 : memref<20480x128xf32, #tpu.memory_space<hbm>>) target(%arg10 : memref<128x128xf32, #tpu.memory_space<vmem>>) offsets(%dma_start3A_9 : memref<128xi32, #tpu.memory_space<vmem>>) semaphore(%arg13 : memref<!tpu.dma_semaphore, #tpu.memory_space<semaphore_mem>>)
    %scan3A = arith.constant 0 : i32
    %scan3A_13 = arith.constant 20 : i32
    %scan3A_14 = arith.addi %scan3A, %scan3A_13 : i32
    %scan3A_15 = arith.constant 1 : i32
    scf.for %scan3A_37 = %scan3A to %scan3A_14 step %scan3A_15  : i32 {
      %mul3A_38 = arith.constant 1 : i32
      %mul3A_39 = arith.muli %scan3A_37, %mul3A_38 : i32
      %add3A = arith.constant 0 : i32
      %add3A_40 = arith.addi %add3A, %mul3A_39 : i32
      %mul3A_41 = arith.constant 2 : i32
      %mul3A_42 = arith.muli %mul3A_41, %add3A_40 : i32
      %add3A_43 = arith.constant 0 : i32
      %add3A_44 = arith.addi %mul3A_42, %add3A_43 : i32
      %mul3A_45 = arith.constant 128 : i32
      %mul3A_46 = arith.muli %add3A_44, %mul3A_45 : i32
      %multiple_of3A_47 = tpu.assume_multiple %mul3A_46, 128 : i32
      %dma_wait3A = tpu.memref_slice %arg7[%multiple_of3A_47] : memref<5120xi32, #tpu.memory_space<vmem>> -> memref<128xi32, #tpu.memory_space<vmem>>
      %dma_wait3A_48 = arith.constant 0 : i32
      %dma_wait3A_49 = arith.constant 0 : i32
      %dma_wait3A_50 = tpu.memref_slice %arg2[%dma_wait3A_48, %dma_wait3A_49] : memref<20480x128xf32, #tpu.memory_space<hbm>> -> memref<20480x128xf32, #tpu.memory_space<hbm>>
      tpu.wait_indirect_dma semaphore(%arg12 : memref<!tpu.dma_semaphore, #tpu.memory_space<semaphore_mem>>) src(%dma_wait3A_50 : memref<20480x128xf32, #tpu.memory_space<hbm>>) dst(%arg9 : memref<128x128xf32, #tpu.memory_space<vmem>>)
      "tpu.region"() ({
        %run_scoped3A_73 = tpu.sem_alloc : memref<!tpu.dma_semaphore, #tpu.memory_space<semaphore_mem>>
        %dma_start3A_74 = arith.constant 0 : i32
        %dma_start3A_75 = tpu.memref_slice %arg8[%add3A_44, %dma_start3A_74] : memref<40x128xi32, #tpu.memory_space<vmem>> -> memref<1x128xi32, #tpu.memory_space<vmem>>
        %dma_start3A_76 = tpu.memref_squeeze %dma_start3A_75 : memref<1x128xi32, #tpu.memory_space<vmem>> -> memref<128xi32, #tpu.memory_space<vmem>>
        %dma_start3A_77 = arith.constant 0 : i32
        %dma_start3A_78 = arith.constant 0 : i32
        %dma_start3A_79 = tpu.memref_slice %arg11[%dma_start3A_77, %dma_start3A_78] : memref<10240x128xf32, #tpu.memory_space<vmem_shared>> -> memref<10240x128xf32, #tpu.memory_space<vmem_shared>>
        tpu.enqueue_indirect_dma source(%arg9 : memref<128x128xf32, #tpu.memory_space<vmem>>) target(%dma_start3A_79 : memref<10240x128xf32, #tpu.memory_space<vmem_shared>>) offsets(%dma_start3A_76 : memref<128xi32, #tpu.memory_space<vmem>>) semaphore(%run_scoped3A_73 : memref<!tpu.dma_semaphore, #tpu.memory_space<semaphore_mem>>) {add = true}
        %dma_wait3A_80 = arith.constant 0 : i32
        %dma_wait3A_81 = tpu.memref_slice %arg8[%add3A_44, %dma_wait3A_80] : memref<40x128xi32, #tpu.memory_space<vmem>> -> memref<1x128xi32, #tpu.memory_space<vmem>>
        %dma_wait3A_82 = tpu.memref_squeeze %dma_wait3A_81 : memref<1x128xi32, #tpu.memory_space<vmem>> -> memref<128xi32, #tpu.memory_space<vmem>>
        %dma_wait3A_83 = arith.constant 0 : i32
        %dma_wait3A_84 = arith.constant 0 : i32
        %dma_wait3A_85 = tpu.memref_slice %arg11[%dma_wait3A_83, %dma_wait3A_84] : memref<10240x128xf32, #tpu.memory_space<vmem_shared>> -> memref<10240x128xf32, #tpu.memory_space<vmem_shared>>
        tpu.wait_indirect_dma semaphore(%run_scoped3A_73 : memref<!tpu.dma_semaphore, #tpu.memory_space<semaphore_mem>>) src(%arg9 : memref<128x128xf32, #tpu.memory_space<vmem>>) dst(%dma_wait3A_85 : memref<10240x128xf32, #tpu.memory_space<vmem_shared>>)
        tpu.yield
      }) : () -> ()
      %add3A_51 = arith.constant 2 : i32
      %add3A_52 = arith.addi %add3A_44, %add3A_51 : i32
      %lt3A = arith.constant 40 : i32
      %lt3A_53 = arith.cmpi slt, %add3A_52, %lt3A : i32
      %convert_element_type3A = arith.extui %lt3A_53 : i1 to i32
      %cond3A = arith.constant 0 : i32
      %cond3A_54 = arith.cmpi ne, %convert_element_type3A, %cond3A : i32
      scf.if %cond3A_54 {
        %add3A_73 = arith.constant 2 : i32
        %add3A_74 = arith.addi %add3A_44, %add3A_73 : i32
        %mul3A_75 = arith.constant 128 : i32
        %mul3A_76 = arith.muli %add3A_74, %mul3A_75 : i32
        %multiple_of3A_77 = tpu.assume_multiple %mul3A_76, 128 : i32
        %dma_start3A_78 = tpu.memref_slice %arg7[%multiple_of3A_77] : memref<5120xi32, #tpu.memory_space<vmem>> -> memref<128xi32, #tpu.memory_space<vmem>>
        %dma_start3A_79 = arith.constant 0 : i32
        %dma_start3A_80 = arith.constant 0 : i32
        %dma_start3A_81 = tpu.memref_slice %arg2[%dma_start3A_79, %dma_start3A_80] : memref<20480x128xf32, #tpu.memory_space<hbm>> -> memref<20480x128xf32, #tpu.memory_space<hbm>>
        tpu.enqueue_indirect_dma source(%dma_start3A_81 : memref<20480x128xf32, #tpu.memory_space<hbm>>) target(%arg9 : memref<128x128xf32, #tpu.memory_space<vmem>>) offsets(%dma_start3A_78 : memref<128xi32, #tpu.memory_space<vmem>>) semaphore(%arg12 : memref<!tpu.dma_semaphore, #tpu.memory_space<semaphore_mem>>)
      } else {
      }
      %mul3A_55 = arith.constant 2 : i32
      %mul3A_56 = arith.muli %mul3A_55, %add3A_40 : i32
      %add3A_57 = arith.constant 1 : i32
      %add3A_58 = arith.addi %mul3A_56, %add3A_57 : i32
      %mul3A_59 = arith.constant 128 : i32
      %mul3A_60 = arith.muli %add3A_58, %mul3A_59 : i32
      %multiple_of3A_61 = tpu.assume_multiple %mul3A_60, 128 : i32
      %dma_wait3A_62 = tpu.memref_slice %arg7[%multiple_of3A_61] : memref<5120xi32, #tpu.memory_space<vmem>> -> memref<128xi32, #tpu.memory_space<vmem>>
      %dma_wait3A_63 = arith.constant 0 : i32
      %dma_wait3A_64 = arith.constant 0 : i32
      %dma_wait3A_65 = tpu.memref_slice %arg2[%dma_wait3A_63, %dma_wait3A_64] : memref<20480x128xf32, #tpu.memory_space<hbm>> -> memref<20480x128xf32, #tpu.memory_space<hbm>>
      tpu.wait_indirect_dma semaphore(%arg13 : memref<!tpu.dma_semaphore, #tpu.memory_space<semaphore_mem>>) src(%dma_wait3A_65 : memref<20480x128xf32, #tpu.memory_space<hbm>>) dst(%arg10 : memref<128x128xf32, #tpu.memory_space<vmem>>)
      "tpu.region"() ({
        %run_scoped3A_73 = tpu.sem_alloc : memref<!tpu.dma_semaphore, #tpu.memory_space<semaphore_mem>>
        %dma_start3A_74 = arith.constant 0 : i32
        %dma_start3A_75 = tpu.memref_slice %arg8[%add3A_58, %dma_start3A_74] : memref<40x128xi32, #tpu.memory_space<vmem>> -> memref<1x128xi32, #tpu.memory_space<vmem>>
        %dma_start3A_76 = tpu.memref_squeeze %dma_start3A_75 : memref<1x128xi32, #tpu.memory_space<vmem>> -> memref<128xi32, #tpu.memory_space<vmem>>
        %dma_start3A_77 = arith.constant 0 : i32
        %dma_start3A_78 = arith.constant 0 : i32
        %dma_start3A_79 = tpu.memref_slice %arg11[%dma_start3A_77, %dma_start3A_78] : memref<10240x128xf32, #tpu.memory_space<vmem_shared>> -> memref<10240x128xf32, #tpu.memory_space<vmem_shared>>
        tpu.enqueue_indirect_dma source(%arg10 : memref<128x128xf32, #tpu.memory_space<vmem>>) target(%dma_start3A_79 : memref<10240x128xf32, #tpu.memory_space<vmem_shared>>) offsets(%dma_start3A_76 : memref<128xi32, #tpu.memory_space<vmem>>) semaphore(%run_scoped3A_73 : memref<!tpu.dma_semaphore, #tpu.memory_space<semaphore_mem>>) {add = true}
        %dma_wait3A_80 = arith.constant 0 : i32
        %dma_wait3A_81 = tpu.memref_slice %arg8[%add3A_58, %dma_wait3A_80] : memref<40x128xi32, #tpu.memory_space<vmem>> -> memref<1x128xi32, #tpu.memory_space<vmem>>
        %dma_wait3A_82 = tpu.memref_squeeze %dma_wait3A_81 : memref<1x128xi32, #tpu.memory_space<vmem>> -> memref<128xi32, #tpu.memory_space<vmem>>
        %dma_wait3A_83 = arith.constant 0 : i32
        %dma_wait3A_84 = arith.constant 0 : i32
        %dma_wait3A_85 = tpu.memref_slice %arg11[%dma_wait3A_83, %dma_wait3A_84] : memref<10240x128xf32, #tpu.memory_space<vmem_shared>> -> memref<10240x128xf32, #tpu.memory_space<vmem_shared>>
        tpu.wait_indirect_dma semaphore(%run_scoped3A_73 : memref<!tpu.dma_semaphore, #tpu.memory_space<semaphore_mem>>) src(%arg10 : memref<128x128xf32, #tpu.memory_space<vmem>>) dst(%dma_wait3A_85 : memref<10240x128xf32, #tpu.memory_space<vmem_shared>>)
        tpu.yield
      }) : () -> ()
      %add3A_66 = arith.constant 2 : i32
      %add3A_67 = arith.addi %add3A_58, %add3A_66 : i32
      %lt3A_68 = arith.constant 40 : i32
      %lt3A_69 = arith.cmpi slt, %add3A_67, %lt3A_68 : i32
      %convert_element_type3A_70 = arith.extui %lt3A_69 : i1 to i32
      %cond3A_71 = arith.constant 0 : i32
      %cond3A_72 = arith.cmpi ne, %convert_element_type3A_70, %cond3A_71 : i32
      scf.if %cond3A_72 {
        %add3A_73 = arith.constant 2 : i32
        %add3A_74 = arith.addi %add3A_58, %add3A_73 : i32
        %mul3A_75 = arith.constant 128 : i32
        %mul3A_76 = arith.muli %add3A_74, %mul3A_75 : i32
        %multiple_of3A_77 = tpu.assume_multiple %mul3A_76, 128 : i32
        %dma_start3A_78 = tpu.memref_slice %arg7[%multiple_of3A_77] : memref<5120xi32, #tpu.memory_space<vmem>> -> memref<128xi32, #tpu.memory_space<vmem>>
        %dma_start3A_79 = arith.constant 0 : i32
        %dma_start3A_80 = arith.constant 0 : i32
        %dma_start3A_81 = tpu.memref_slice %arg2[%dma_start3A_79, %dma_start3A_80] : memref<20480x128xf32, #tpu.memory_space<hbm>> -> memref<20480x128xf32, #tpu.memory_space<hbm>>
        tpu.enqueue_indirect_dma source(%dma_start3A_81 : memref<20480x128xf32, #tpu.memory_space<hbm>>) target(%arg10 : memref<128x128xf32, #tpu.memory_space<vmem>>) offsets(%dma_start3A_78 : memref<128xi32, #tpu.memory_space<vmem>>) semaphore(%arg13 : memref<!tpu.dma_semaphore, #tpu.memory_space<semaphore_mem>>)
      } else {
      }
    }
    %scan3A_16 = arith.constant 20 : i32
    %run_scoped3A_17 = arith.constant 1 : i32
    "tpu.region"() ({
      %run_scoped3A_37 = tpu.sem_alloc : memref<!tpu.dma_semaphore, #tpu.memory_space<semaphore_mem>>
      %dma_start3A_38 = arith.constant 0 : i32
      %dma_start3A_39 = arith.constant 0 : i32
      %dma_start3A_40 = arith.constant 0 : i32
      %dma_start3A_41 = tpu.memref_slice %arg3[%arg0, %dma_start3A_38, %dma_start3A_39, %dma_start3A_40] : memref<2x2x16x5120xi32, #tpu.memory_space<hbm>> -> memref<1x2x16x5120xi32, #tpu.memory_space<hbm>>
      %dma_start3A_42 = tpu.memref_squeeze %dma_start3A_41 : memref<1x2x16x5120xi32, #tpu.memory_space<hbm>> -> memref<2x16x5120xi32, #tpu.memory_space<hbm>>
      %dma_start3A_43 = arith.constant 0 : i32
      %dma_start3A_44 = arith.constant 0 : i32
      %dma_start3A_45 = tpu.memref_slice %dma_start3A_42[%run_scoped3A_17, %dma_start3A_43, %dma_start3A_44] : memref<2x16x5120xi32, #tpu.memory_space<hbm>> -> memref<1x16x5120xi32, #tpu.memory_space<hbm>>
      %dma_start3A_46 = tpu.memref_squeeze %dma_start3A_45 : memref<1x16x5120xi32, #tpu.memory_space<hbm>> -> memref<16x5120xi32, #tpu.memory_space<hbm>>
      %dma_start3A_47 = arith.constant 0 : i32
      %dma_start3A_48 = tpu.memref_slice %dma_start3A_46[%arg1, %dma_start3A_47] : memref<16x5120xi32, #tpu.memory_space<hbm>> -> memref<1x5120xi32, #tpu.memory_space<hbm>>
      %dma_start3A_49 = tpu.memref_squeeze %dma_start3A_48 : memref<1x5120xi32, #tpu.memory_space<hbm>> -> memref<5120xi32, #tpu.memory_space<hbm>>
      %dma_start3A_50 = arith.constant 0 : i32
      %dma_start3A_51 = arith.constant 0 : i32
      %dma_start3A_52 = arith.constant 0 : i32
      %dma_start3A_53 = tpu.memref_slice %arg3[%arg0, %dma_start3A_50, %dma_start3A_51, %dma_start3A_52] : memref<2x2x16x5120xi32, #tpu.memory_space<hbm>> -> memref<1x2x16x5120xi32, #tpu.memory_space<hbm>>
      %dma_start3A_54 = tpu.memref_squeeze %dma_start3A_53 : memref<1x2x16x5120xi32, #tpu.memory_space<hbm>> -> memref<2x16x5120xi32, #tpu.memory_space<hbm>>
      %dma_start3A_55 = arith.constant 0 : i32
      %dma_start3A_56 = arith.constant 0 : i32
      %dma_start3A_57 = tpu.memref_slice %dma_start3A_54[%run_scoped3A_17, %dma_start3A_55, %dma_start3A_56] : memref<2x16x5120xi32, #tpu.memory_space<hbm>> -> memref<1x16x5120xi32, #tpu.memory_space<hbm>>
      %dma_start3A_58 = tpu.memref_squeeze %dma_start3A_57 : memref<1x16x5120xi32, #tpu.memory_space<hbm>> -> memref<16x5120xi32, #tpu.memory_space<hbm>>
      %dma_start3A_59 = arith.constant 0 : i32
      %dma_start3A_60 = tpu.memref_slice %dma_start3A_58[%arg1, %dma_start3A_59] : memref<16x5120xi32, #tpu.memory_space<hbm>> -> memref<1x5120xi32, #tpu.memory_space<hbm>>
      %dma_start3A_61 = tpu.memref_squeeze %dma_start3A_60 : memref<1x5120xi32, #tpu.memory_space<hbm>> -> memref<5120xi32, #tpu.memory_space<hbm>>
      tpu.enqueue_dma source(%dma_start3A_61 : memref<5120xi32, #tpu.memory_space<hbm>>) target(%arg7 : memref<5120xi32, #tpu.memory_space<vmem>>) target_semaphore(%run_scoped3A_37 : memref<!tpu.dma_semaphore, #tpu.memory_space<semaphore_mem>>)
      %dma_wait3A = arith.constant 0 : i32
      %dma_wait3A_62 = arith.constant 0 : i32
      %dma_wait3A_63 = arith.constant 0 : i32
      %dma_wait3A_64 = tpu.memref_slice %arg3[%arg0, %dma_wait3A, %dma_wait3A_62, %dma_wait3A_63] : memref<2x2x16x5120xi32, #tpu.memory_space<hbm>> -> memref<1x2x16x5120xi32, #tpu.memory_space<hbm>>
      %dma_wait3A_65 = tpu.memref_squeeze %dma_wait3A_64 : memref<1x2x16x5120xi32, #tpu.memory_space<hbm>> -> memref<2x16x5120xi32, #tpu.memory_space<hbm>>
      %dma_wait3A_66 = arith.constant 0 : i32
      %dma_wait3A_67 = arith.constant 0 : i32
      %dma_wait3A_68 = tpu.memref_slice %dma_wait3A_65[%run_scoped3A_17, %dma_wait3A_66, %dma_wait3A_67] : memref<2x16x5120xi32, #tpu.memory_space<hbm>> -> memref<1x16x5120xi32, #tpu.memory_space<hbm>>
      %dma_wait3A_69 = tpu.memref_squeeze %dma_wait3A_68 : memref<1x16x5120xi32, #tpu.memory_space<hbm>> -> memref<16x5120xi32, #tpu.memory_space<hbm>>
      %dma_wait3A_70 = arith.constant 0 : i32
      %dma_wait3A_71 = tpu.memref_slice %dma_wait3A_69[%arg1, %dma_wait3A_70] : memref<16x5120xi32, #tpu.memory_space<hbm>> -> memref<1x5120xi32, #tpu.memory_space<hbm>>
      %dma_wait3A_72 = tpu.memref_squeeze %dma_wait3A_71 : memref<1x5120xi32, #tpu.memory_space<hbm>> -> memref<5120xi32, #tpu.memory_space<hbm>>
      %dma_wait3A_73 = arith.constant 0 : i32
      %dma_wait3A_74 = arith.constant 0 : i32
      %dma_wait3A_75 = arith.constant 0 : i32
      %dma_wait3A_76 = tpu.memref_slice %arg3[%arg0, %dma_wait3A_73, %dma_wait3A_74, %dma_wait3A_75] : memref<2x2x16x5120xi32, #tpu.memory_space<hbm>> -> memref<1x2x16x5120xi32, #tpu.memory_space<hbm>>
      %dma_wait3A_77 = tpu.memref_squeeze %dma_wait3A_76 : memref<1x2x16x5120xi32, #tpu.memory_space<hbm>> -> memref<2x16x5120xi32, #tpu.memory_space<hbm>>
      %dma_wait3A_78 = arith.constant 0 : i32
      %dma_wait3A_79 = arith.constant 0 : i32
      %dma_wait3A_80 = tpu.memref_slice %dma_wait3A_77[%run_scoped3A_17, %dma_wait3A_78, %dma_wait3A_79] : memref<2x16x5120xi32, #tpu.memory_space<hbm>> -> memref<1x16x5120xi32, #tpu.memory_space<hbm>>
      %dma_wait3A_81 = tpu.memref_squeeze %dma_wait3A_80 : memref<1x16x5120xi32, #tpu.memory_space<hbm>> -> memref<16x5120xi32, #tpu.memory_space<hbm>>
      %dma_wait3A_82 = arith.constant 0 : i32
      %dma_wait3A_83 = tpu.memref_slice %dma_wait3A_81[%arg1, %dma_wait3A_82] : memref<16x5120xi32, #tpu.memory_space<hbm>> -> memref<1x5120xi32, #tpu.memory_space<hbm>>
      %dma_wait3A_84 = tpu.memref_squeeze %dma_wait3A_83 : memref<1x5120xi32, #tpu.memory_space<hbm>> -> memref<5120xi32, #tpu.memory_space<hbm>>
      tpu.wait_dma2 semaphore(%run_scoped3A_37 : memref<!tpu.dma_semaphore, #tpu.memory_space<semaphore_mem>>) src(%dma_wait3A_84 : memref<5120xi32, #tpu.memory_space<hbm>>) dst(%arg7 : memref<5120xi32, #tpu.memory_space<vmem>>)
      tpu.yield
    }) : () -> ()
    %run_scoped3A_18 = arith.constant 1 : i32
    "tpu.region"() ({
      %run_scoped3A_37 = tpu.sem_alloc : memref<!tpu.dma_semaphore, #tpu.memory_space<semaphore_mem>>
      %dma_start3A_38 = arith.constant 0 : i32
      %dma_start3A_39 = arith.constant 0 : i32
      %dma_start3A_40 = arith.constant 0 : i32
      %dma_start3A_41 = tpu.memref_slice %arg4[%run_scoped3A_18, %dma_start3A_38, %dma_start3A_39, %dma_start3A_40] : memref<2x16x40x128xi32, #tpu.memory_space<hbm>> -> memref<1x16x40x128xi32, #tpu.memory_space<hbm>>
      %dma_start3A_42 = tpu.memref_squeeze %dma_start3A_41 : memref<1x16x40x128xi32, #tpu.memory_space<hbm>> -> memref<16x40x128xi32, #tpu.memory_space<hbm>>
      %dma_start3A_43 = arith.constant 0 : i32
      %dma_start3A_44 = arith.constant 0 : i32
      %dma_start3A_45 = tpu.memref_slice %dma_start3A_42[%arg1, %dma_start3A_43, %dma_start3A_44] : memref<16x40x128xi32, #tpu.memory_space<hbm>> -> memref<1x40x128xi32, #tpu.memory_space<hbm>>
      %dma_start3A_46 = tpu.memref_squeeze %dma_start3A_45 : memref<1x40x128xi32, #tpu.memory_space<hbm>> -> memref<40x128xi32, #tpu.memory_space<hbm>>
      %dma_start3A_47 = arith.constant 0 : i32
      %dma_start3A_48 = arith.constant 0 : i32
      %dma_start3A_49 = arith.constant 0 : i32
      %dma_start3A_50 = tpu.memref_slice %arg4[%run_scoped3A_18, %dma_start3A_47, %dma_start3A_48, %dma_start3A_49] : memref<2x16x40x128xi32, #tpu.memory_space<hbm>> -> memref<1x16x40x128xi32, #tpu.memory_space<hbm>>
      %dma_start3A_51 = tpu.memref_squeeze %dma_start3A_50 : memref<1x16x40x128xi32, #tpu.memory_space<hbm>> -> memref<16x40x128xi32, #tpu.memory_space<hbm>>
      %dma_start3A_52 = arith.constant 0 : i32
      %dma_start3A_53 = arith.constant 0 : i32
      %dma_start3A_54 = tpu.memref_slice %dma_start3A_51[%arg1, %dma_start3A_52, %dma_start3A_53] : memref<16x40x128xi32, #tpu.memory_space<hbm>> -> memref<1x40x128xi32, #tpu.memory_space<hbm>>
      %dma_start3A_55 = tpu.memref_squeeze %dma_start3A_54 : memref<1x40x128xi32, #tpu.memory_space<hbm>> -> memref<40x128xi32, #tpu.memory_space<hbm>>
      tpu.enqueue_dma source(%dma_start3A_55 : memref<40x128xi32, #tpu.memory_space<hbm>>) target(%arg8 : memref<40x128xi32, #tpu.memory_space<vmem>>) target_semaphore(%run_scoped3A_37 : memref<!tpu.dma_semaphore, #tpu.memory_space<semaphore_mem>>)
      %dma_wait3A = arith.constant 0 : i32
      %dma_wait3A_56 = arith.constant 0 : i32
      %dma_wait3A_57 = arith.constant 0 : i32
      %dma_wait3A_58 = tpu.memref_slice %arg4[%run_scoped3A_18, %dma_wait3A, %dma_wait3A_56, %dma_wait3A_57] : memref<2x16x40x128xi32, #tpu.memory_space<hbm>> -> memref<1x16x40x128xi32, #tpu.memory_space<hbm>>
      %dma_wait3A_59 = tpu.memref_squeeze %dma_wait3A_58 : memref<1x16x40x128xi32, #tpu.memory_space<hbm>> -> memref<16x40x128xi32, #tpu.memory_space<hbm>>
      %dma_wait3A_60 = arith.constant 0 : i32
      %dma_wait3A_61 = arith.constant 0 : i32
      %dma_wait3A_62 = tpu.memref_slice %dma_wait3A_59[%arg1, %dma_wait3A_60, %dma_wait3A_61] : memref<16x40x128xi32, #tpu.memory_space<hbm>> -> memref<1x40x128xi32, #tpu.memory_space<hbm>>
      %dma_wait3A_63 = tpu.memref_squeeze %dma_wait3A_62 : memref<1x40x128xi32, #tpu.memory_space<hbm>> -> memref<40x128xi32, #tpu.memory_space<hbm>>
      %dma_wait3A_64 = arith.constant 0 : i32
      %dma_wait3A_65 = arith.constant 0 : i32
      %dma_wait3A_66 = arith.constant 0 : i32
      %dma_wait3A_67 = tpu.memref_slice %arg4[%run_scoped3A_18, %dma_wait3A_64, %dma_wait3A_65, %dma_wait3A_66] : memref<2x16x40x128xi32, #tpu.memory_space<hbm>> -> memref<1x16x40x128xi32, #tpu.memory_space<hbm>>
      %dma_wait3A_68 = tpu.memref_squeeze %dma_wait3A_67 : memref<1x16x40x128xi32, #tpu.memory_space<hbm>> -> memref<16x40x128xi32, #tpu.memory_space<hbm>>
      %dma_wait3A_69 = arith.constant 0 : i32
      %dma_wait3A_70 = arith.constant 0 : i32
      %dma_wait3A_71 = tpu.memref_slice %dma_wait3A_68[%arg1, %dma_wait3A_69, %dma_wait3A_70] : memref<16x40x128xi32, #tpu.memory_space<hbm>> -> memref<1x40x128xi32, #tpu.memory_space<hbm>>
      %dma_wait3A_72 = tpu.memref_squeeze %dma_wait3A_71 : memref<1x40x128xi32, #tpu.memory_space<hbm>> -> memref<40x128xi32, #tpu.memory_space<hbm>>
      tpu.wait_dma2 semaphore(%run_scoped3A_37 : memref<!tpu.dma_semaphore, #tpu.memory_space<semaphore_mem>>) src(%dma_wait3A_72 : memref<40x128xi32, #tpu.memory_space<hbm>>) dst(%arg8 : memref<40x128xi32, #tpu.memory_space<vmem>>)
      tpu.yield
    }) : () -> ()
    %multiple_of3A_19 = arith.constant 0 : i32
    %multiple_of3A_20 = tpu.assume_multiple %multiple_of3A_19, 128 : i32
    %dma_start3A_21 = tpu.memref_slice %arg7[%multiple_of3A_20] : memref<5120xi32, #tpu.memory_space<vmem>> -> memref<128xi32, #tpu.memory_space<vmem>>
    %dma_start3A_22 = arith.constant 0 : i32
    %dma_start3A_23 = arith.constant 0 : i32
    %dma_start3A_24 = tpu.memref_slice %arg2[%dma_start3A_22, %dma_start3A_23] : memref<20480x128xf32, #tpu.memory_space<hbm>> -> memref<20480x128xf32, #tpu.memory_space<hbm>>
    tpu.enqueue_indirect_dma source(%dma_start3A_24 : memref<20480x128xf32, #tpu.memory_space<hbm>>) target(%arg9 : memref<128x128xf32, #tpu.memory_space<vmem>>) offsets(%dma_start3A_21 : memref<128xi32, #tpu.memory_space<vmem>>) semaphore(%arg12 : memref<!tpu.dma_semaphore, #tpu.memory_space<semaphore_mem>>)
    %multiple_of3A_25 = arith.constant 128 : i32
    %multiple_of3A_26 = tpu.assume_multiple %multiple_of3A_25, 128 : i32
    %dma_start3A_27 = tpu.memref_slice %arg7[%multiple_of3A_26] : memref<5120xi32, #tpu.memory_space<vmem>> -> memref<128xi32, #tpu.memory_space<vmem>>
    %dma_start3A_28 = arith.constant 0 : i32
    %dma_start3A_29 = arith.constant 0 : i32
    %dma_start3A_30 = tpu.memref_slice %arg2[%dma_start3A_28, %dma_start3A_29] : memref<20480x128xf32, #tpu.memory_space<hbm>> -> memref<20480x128xf32, #tpu.memory_space<hbm>>
    tpu.enqueue_indirect_dma source(%dma_start3A_30 : memref<20480x128xf32, #tpu.memory_space<hbm>>) target(%arg10 : memref<128x128xf32, #tpu.memory_space<vmem>>) offsets(%dma_start3A_27 : memref<128xi32, #tpu.memory_space<vmem>>) semaphore(%arg13 : memref<!tpu.dma_semaphore, #tpu.memory_space<semaphore_mem>>)
    %scan3A_31 = arith.constant 0 : i32
    %scan3A_32 = arith.constant 20 : i32
    %scan3A_33 = arith.addi %scan3A_31, %scan3A_32 : i32
    %scan3A_34 = arith.constant 1 : i32
    scf.for %scan3A_37 = %scan3A_31 to %scan3A_33 step %scan3A_34  : i32 {
      %mul3A_38 = arith.constant 1 : i32
      %mul3A_39 = arith.muli %scan3A_37, %mul3A_38 : i32
      %add3A = arith.constant 0 : i32
      %add3A_40 = arith.addi %add3A, %mul3A_39 : i32
      %mul3A_41 = arith.constant 2 : i32
      %mul3A_42 = arith.muli %mul3A_41, %add3A_40 : i32
      %add3A_43 = arith.constant 0 : i32
      %add3A_44 = arith.addi %mul3A_42, %add3A_43 : i32
      %mul3A_45 = arith.constant 128 : i32
      %mul3A_46 = arith.muli %add3A_44, %mul3A_45 : i32
      %multiple_of3A_47 = tpu.assume_multiple %mul3A_46, 128 : i32
      %dma_wait3A = tpu.memref_slice %arg7[%multiple_of3A_47] : memref<5120xi32, #tpu.memory_space<vmem>> -> memref<128xi32, #tpu.memory_space<vmem>>
      %dma_wait3A_48 = arith.constant 0 : i32
      %dma_wait3A_49 = arith.constant 0 : i32
      %dma_wait3A_50 = tpu.memref_slice %arg2[%dma_wait3A_48, %dma_wait3A_49] : memref<20480x128xf32, #tpu.memory_space<hbm>> -> memref<20480x128xf32, #tpu.memory_space<hbm>>
      tpu.wait_indirect_dma semaphore(%arg12 : memref<!tpu.dma_semaphore, #tpu.memory_space<semaphore_mem>>) src(%dma_wait3A_50 : memref<20480x128xf32, #tpu.memory_space<hbm>>) dst(%arg9 : memref<128x128xf32, #tpu.memory_space<vmem>>)
      "tpu.region"() ({
        %run_scoped3A_73 = tpu.sem_alloc : memref<!tpu.dma_semaphore, #tpu.memory_space<semaphore_mem>>
        %dma_start3A_74 = arith.constant 0 : i32
        %dma_start3A_75 = tpu.memref_slice %arg8[%add3A_44, %dma_start3A_74] : memref<40x128xi32, #tpu.memory_space<vmem>> -> memref<1x128xi32, #tpu.memory_space<vmem>>
        %dma_start3A_76 = tpu.memref_squeeze %dma_start3A_75 : memref<1x128xi32, #tpu.memory_space<vmem>> -> memref<128xi32, #tpu.memory_space<vmem>>
        %dma_start3A_77 = arith.constant 0 : i32
        %dma_start3A_78 = arith.constant 0 : i32
        %dma_start3A_79 = tpu.memref_slice %arg11[%dma_start3A_77, %dma_start3A_78] : memref<10240x128xf32, #tpu.memory_space<vmem_shared>> -> memref<10240x128xf32, #tpu.memory_space<vmem_shared>>
        tpu.enqueue_indirect_dma source(%arg9 : memref<128x128xf32, #tpu.memory_space<vmem>>) target(%dma_start3A_79 : memref<10240x128xf32, #tpu.memory_space<vmem_shared>>) offsets(%dma_start3A_76 : memref<128xi32, #tpu.memory_space<vmem>>) semaphore(%run_scoped3A_73 : memref<!tpu.dma_semaphore, #tpu.memory_space<semaphore_mem>>) {add = true}
        %dma_wait3A_80 = arith.constant 0 : i32
        %dma_wait3A_81 = tpu.memref_slice %arg8[%add3A_44, %dma_wait3A_80] : memref<40x128xi32, #tpu.memory_space<vmem>> -> memref<1x128xi32, #tpu.memory_space<vmem>>
        %dma_wait3A_82 = tpu.memref_squeeze %dma_wait3A_81 : memref<1x128xi32, #tpu.memory_space<vmem>> -> memref<128xi32, #tpu.memory_space<vmem>>
        %dma_wait3A_83 = arith.constant 0 : i32
        %dma_wait3A_84 = arith.constant 0 : i32
        %dma_wait3A_85 = tpu.memref_slice %arg11[%dma_wait3A_83, %dma_wait3A_84] : memref<10240x128xf32, #tpu.memory_space<vmem_shared>> -> memref<10240x128xf32, #tpu.memory_space<vmem_shared>>
        tpu.wait_indirect_dma semaphore(%run_scoped3A_73 : memref<!tpu.dma_semaphore, #tpu.memory_space<semaphore_mem>>) src(%arg9 : memref<128x128xf32, #tpu.memory_space<vmem>>) dst(%dma_wait3A_85 : memref<10240x128xf32, #tpu.memory_space<vmem_shared>>)
        tpu.yield
      }) : () -> ()
      %add3A_51 = arith.constant 2 : i32
      %add3A_52 = arith.addi %add3A_44, %add3A_51 : i32
      %lt3A = arith.constant 40 : i32
      %lt3A_53 = arith.cmpi slt, %add3A_52, %lt3A : i32
      %convert_element_type3A = arith.extui %lt3A_53 : i1 to i32
      %cond3A = arith.constant 0 : i32
      %cond3A_54 = arith.cmpi ne, %convert_element_type3A, %cond3A : i32
      scf.if %cond3A_54 {
        %add3A_73 = arith.constant 2 : i32
        %add3A_74 = arith.addi %add3A_44, %add3A_73 : i32
        %mul3A_75 = arith.constant 128 : i32
        %mul3A_76 = arith.muli %add3A_74, %mul3A_75 : i32
        %multiple_of3A_77 = tpu.assume_multiple %mul3A_76, 128 : i32
        %dma_start3A_78 = tpu.memref_slice %arg7[%multiple_of3A_77] : memref<5120xi32, #tpu.memory_space<vmem>> -> memref<128xi32, #tpu.memory_space<vmem>>
        %dma_start3A_79 = arith.constant 0 : i32
        %dma_start3A_80 = arith.constant 0 : i32
        %dma_start3A_81 = tpu.memref_slice %arg2[%dma_start3A_79, %dma_start3A_80] : memref<20480x128xf32, #tpu.memory_space<hbm>> -> memref<20480x128xf32, #tpu.memory_space<hbm>>
        tpu.enqueue_indirect_dma source(%dma_start3A_81 : memref<20480x128xf32, #tpu.memory_space<hbm>>) target(%arg9 : memref<128x128xf32, #tpu.memory_space<vmem>>) offsets(%dma_start3A_78 : memref<128xi32, #tpu.memory_space<vmem>>) semaphore(%arg12 : memref<!tpu.dma_semaphore, #tpu.memory_space<semaphore_mem>>)
      } else {
      }
      %mul3A_55 = arith.constant 2 : i32
      %mul3A_56 = arith.muli %mul3A_55, %add3A_40 : i32
      %add3A_57 = arith.constant 1 : i32
      %add3A_58 = arith.addi %mul3A_56, %add3A_57 : i32
      %mul3A_59 = arith.constant 128 : i32
      %mul3A_60 = arith.muli %add3A_58, %mul3A_59 : i32
      %multiple_of3A_61 = tpu.assume_multiple %mul3A_60, 128 : i32
      %dma_wait3A_62 = tpu.memref_slice %arg7[%multiple_of3A_61] : memref<5120xi32, #tpu.memory_space<vmem>> -> memref<128xi32, #tpu.memory_space<vmem>>
      %dma_wait3A_63 = arith.constant 0 : i32
      %dma_wait3A_64 = arith.constant 0 : i32
      %dma_wait3A_65 = tpu.memref_slice %arg2[%dma_wait3A_63, %dma_wait3A_64] : memref<20480x128xf32, #tpu.memory_space<hbm>> -> memref<20480x128xf32, #tpu.memory_space<hbm>>
      tpu.wait_indirect_dma semaphore(%arg13 : memref<!tpu.dma_semaphore, #tpu.memory_space<semaphore_mem>>) src(%dma_wait3A_65 : memref<20480x128xf32, #tpu.memory_space<hbm>>) dst(%arg10 : memref<128x128xf32, #tpu.memory_space<vmem>>)
      "tpu.region"() ({
        %run_scoped3A_73 = tpu.sem_alloc : memref<!tpu.dma_semaphore, #tpu.memory_space<semaphore_mem>>
        %dma_start3A_74 = arith.constant 0 : i32
        %dma_start3A_75 = tpu.memref_slice %arg8[%add3A_58, %dma_start3A_74] : memref<40x128xi32, #tpu.memory_space<vmem>> -> memref<1x128xi32, #tpu.memory_space<vmem>>
        %dma_start3A_76 = tpu.memref_squeeze %dma_start3A_75 : memref<1x128xi32, #tpu.memory_space<vmem>> -> memref<128xi32, #tpu.memory_space<vmem>>
        %dma_start3A_77 = arith.constant 0 : i32
        %dma_start3A_78 = arith.constant 0 : i32
        %dma_start3A_79 = tpu.memref_slice %arg11[%dma_start3A_77, %dma_start3A_78] : memref<10240x128xf32, #tpu.memory_space<vmem_shared>> -> memref<10240x128xf32, #tpu.memory_space<vmem_shared>>
        tpu.enqueue_indirect_dma source(%arg10 : memref<128x128xf32, #tpu.memory_space<vmem>>) target(%dma_start3A_79 : memref<10240x128xf32, #tpu.memory_space<vmem_shared>>) offsets(%dma_start3A_76 : memref<128xi32, #tpu.memory_space<vmem>>) semaphore(%run_scoped3A_73 : memref<!tpu.dma_semaphore, #tpu.memory_space<semaphore_mem>>) {add = true}
        %dma_wait3A_80 = arith.constant 0 : i32
        %dma_wait3A_81 = tpu.memref_slice %arg8[%add3A_58, %dma_wait3A_80] : memref<40x128xi32, #tpu.memory_space<vmem>> -> memref<1x128xi32, #tpu.memory_space<vmem>>
        %dma_wait3A_82 = tpu.memref_squeeze %dma_wait3A_81 : memref<1x128xi32, #tpu.memory_space<vmem>> -> memref<128xi32, #tpu.memory_space<vmem>>
        %dma_wait3A_83 = arith.constant 0 : i32
        %dma_wait3A_84 = arith.constant 0 : i32
        %dma_wait3A_85 = tpu.memref_slice %arg11[%dma_wait3A_83, %dma_wait3A_84] : memref<10240x128xf32, #tpu.memory_space<vmem_shared>> -> memref<10240x128xf32, #tpu.memory_space<vmem_shared>>
        tpu.wait_indirect_dma semaphore(%run_scoped3A_73 : memref<!tpu.dma_semaphore, #tpu.memory_space<semaphore_mem>>) src(%arg10 : memref<128x128xf32, #tpu.memory_space<vmem>>) dst(%dma_wait3A_85 : memref<10240x128xf32, #tpu.memory_space<vmem_shared>>)
        tpu.yield
      }) : () -> ()
      %add3A_66 = arith.constant 2 : i32
      %add3A_67 = arith.addi %add3A_58, %add3A_66 : i32
      %lt3A_68 = arith.constant 40 : i32
      %lt3A_69 = arith.cmpi slt, %add3A_67, %lt3A_68 : i32
      %convert_element_type3A_70 = arith.extui %lt3A_69 : i1 to i32
      %cond3A_71 = arith.constant 0 : i32
      %cond3A_72 = arith.cmpi ne, %convert_element_type3A_70, %cond3A_71 : i32
      scf.if %cond3A_72 {
        %add3A_73 = arith.constant 2 : i32
        %add3A_74 = arith.addi %add3A_58, %add3A_73 : i32
        %mul3A_75 = arith.constant 128 : i32
        %mul3A_76 = arith.muli %add3A_74, %mul3A_75 : i32
        %multiple_of3A_77 = tpu.assume_multiple %mul3A_76, 128 : i32
        %dma_start3A_78 = tpu.memref_slice %arg7[%multiple_of3A_77] : memref<5120xi32, #tpu.memory_space<vmem>> -> memref<128xi32, #tpu.memory_space<vmem>>
        %dma_start3A_79 = arith.constant 0 : i32
        %dma_start3A_80 = arith.constant 0 : i32
        %dma_start3A_81 = tpu.memref_slice %arg2[%dma_start3A_79, %dma_start3A_80] : memref<20480x128xf32, #tpu.memory_space<hbm>> -> memref<20480x128xf32, #tpu.memory_space<hbm>>
        tpu.enqueue_indirect_dma source(%dma_start3A_81 : memref<20480x128xf32, #tpu.memory_space<hbm>>) target(%arg10 : memref<128x128xf32, #tpu.memory_space<vmem>>) offsets(%dma_start3A_78 : memref<128xi32, #tpu.memory_space<vmem>>) semaphore(%arg13 : memref<!tpu.dma_semaphore, #tpu.memory_space<semaphore_mem>>)
      } else {
      }
    }
    %scan3A_35 = arith.constant 20 : i32
    %barrier3A_36 = arith.constant 0 : index
    tpu.barrier barrier_id(%barrier3A_36)
    "tpu.region"() ({
      %run_scoped3A_37 = tpu.sem_alloc : memref<!tpu.dma_semaphore, #tpu.memory_space<semaphore_mem>>
      %dma_start3A_38 = arith.constant 0 : i32
      %dma_start3A_39 = arith.constant 0 : i32
      %dma_start3A_40 = arith.constant 0 : i32
      %dma_start3A_41 = tpu.memref_slice %arg6[%arg0, %dma_start3A_38, %dma_start3A_39, %dma_start3A_40] : memref<2x16x640x128xf32, #tpu.memory_space<hbm>> -> memref<1x16x640x128xf32, #tpu.memory_space<hbm>>
      %dma_start3A_42 = tpu.memref_squeeze %dma_start3A_41 : memref<1x16x640x128xf32, #tpu.memory_space<hbm>> -> memref<16x640x128xf32, #tpu.memory_space<hbm>>
      %dma_start3A_43 = arith.constant 0 : i32
      %dma_start3A_44 = arith.constant 0 : i32
      %dma_start3A_45 = tpu.memref_slice %dma_start3A_42[%arg1, %dma_start3A_43, %dma_start3A_44] : memref<16x640x128xf32, #tpu.memory_space<hbm>> -> memref<1x640x128xf32, #tpu.memory_space<hbm>>
      %dma_start3A_46 = tpu.memref_squeeze %dma_start3A_45 : memref<1x640x128xf32, #tpu.memory_space<hbm>> -> memref<640x128xf32, #tpu.memory_space<hbm>>
      %dma_start3A_47 = arith.constant 0 : i32
      %dma_start3A_48 = tpu.memref_slice %arg11[%multiple_of3A, %dma_start3A_47] : memref<10240x128xf32, #tpu.memory_space<vmem_shared>> -> memref<640x128xf32, #tpu.memory_space<vmem_shared>>
      tpu.enqueue_dma source(%dma_start3A_48 : memref<640x128xf32, #tpu.memory_space<vmem_shared>>) target(%dma_start3A_46 : memref<640x128xf32, #tpu.memory_space<hbm>>) target_semaphore(%run_scoped3A_37 : memref<!tpu.dma_semaphore, #tpu.memory_space<semaphore_mem>>)
      %dma_wait3A = arith.constant 0 : i32
      %dma_wait3A_49 = arith.constant 0 : i32
      %dma_wait3A_50 = arith.constant 0 : i32
      %dma_wait3A_51 = tpu.memref_slice %arg6[%arg0, %dma_wait3A, %dma_wait3A_49, %dma_wait3A_50] : memref<2x16x640x128xf32, #tpu.memory_space<hbm>> -> memref<1x16x640x128xf32, #tpu.memory_space<hbm>>
      %dma_wait3A_52 = tpu.memref_squeeze %dma_wait3A_51 : memref<1x16x640x128xf32, #tpu.memory_space<hbm>> -> memref<16x640x128xf32, #tpu.memory_space<hbm>>
      %dma_wait3A_53 = arith.constant 0 : i32
      %dma_wait3A_54 = arith.constant 0 : i32
      %dma_wait3A_55 = tpu.memref_slice %dma_wait3A_52[%arg1, %dma_wait3A_53, %dma_wait3A_54] : memref<16x640x128xf32, #tpu.memory_space<hbm>> -> memref<1x640x128xf32, #tpu.memory_space<hbm>>
      %dma_wait3A_56 = tpu.memref_squeeze %dma_wait3A_55 : memref<1x640x128xf32, #tpu.memory_space<hbm>> -> memref<640x128xf32, #tpu.memory_space<hbm>>
      %dma_wait3A_57 = arith.constant 0 : i32
      %dma_wait3A_58 = tpu.memref_slice %arg11[%multiple_of3A, %dma_wait3A_57] : memref<10240x128xf32, #tpu.memory_space<vmem_shared>> -> memref<640x128xf32, #tpu.memory_space<vmem_shared>>
      tpu.wait_dma2 semaphore(%run_scoped3A_37 : memref<!tpu.dma_semaphore, #tpu.memory_space<semaphore_mem>>) src(%dma_wait3A_58 : memref<640x128xf32, #tpu.memory_space<vmem_shared>>) dst(%dma_wait3A_56 : memref<640x128xf32, #tpu.memory_space<hbm>>)
      tpu.yield
    }) : () -> ()
    return
  }
}

#map = affine_map<(d0, d1) -> (0, 0)>
#map1 = affine_map<(d0, d1) -> (0, 0, 0, 0)>
module attributes {stable_mosaic.version = 14 : i64} {
  func.func @_agg_body(%arg0: i32, %arg1: i32, %arg2: memref<20480x128xf32, #tpu.memory_space<hbm>>, %arg3: memref<2x2x16x5120xi32, #tpu.memory_space<hbm>>, %arg4: memref<2x16x40x128xi32, #tpu.memory_space<hbm>>, %arg5: memref<640x128xf32, #tpu.memory_space<hbm>>, %arg6: memref<2x16x640x128xf32, #tpu.memory_space<hbm>>, %arg7: memref<5120xi32, #tpu.memory_space<vmem>>, %arg8: memref<40x128xi32, #tpu.memory_space<vmem>>, %arg9: memref<128x128xf32, #tpu.memory_space<vmem>>, %arg10: memref<128x128xf32, #tpu.memory_space<vmem>>, %arg11: memref<10240x128xf32, #tpu.memory_space<vmem_shared>>, %arg12: memref<!tpu.dma_semaphore, #tpu.memory_space<semaphore_mem>>, %arg13: memref<!tpu.dma_semaphore, #tpu.memory_space<semaphore_mem>>) attributes {dimension_semantics = [#tpu.dimension_semantics<core_parallel>, #tpu.dimension_semantics<subcore_parallel>], iteration_bounds = array<i64: 2, 16>, scalar_prefetch = 0 : i64, scratch_operands = 7 : i64, tpu.core_type = #tpu.core_type<sc_vector_subcore>, window_params = [{transform_indices = #map}, {transform_indices = #map1}, {transform_indices = #map1}, {transform_indices = #map}, {transform_indices = #map1}]} {
    %mul3A = arith.constant 640 : i32
    %mul3A_0 = arith.muli %arg1, %mul3A : i32
    %multiple_of3A = tpu.assume_multiple %mul3A_0, 128 : i32
    "tpu.region"() ({
      %run_scoped3A_37 = tpu.sem_alloc : memref<!tpu.dma_semaphore, #tpu.memory_space<semaphore_mem>>
      %dma_start3A_38 = arith.constant 0 : i32
      %dma_start3A_39 = tpu.memref_slice %arg11[%multiple_of3A, %dma_start3A_38] : memref<10240x128xf32, #tpu.memory_space<vmem_shared>> -> memref<640x128xf32, #tpu.memory_space<vmem_shared>>
      tpu.enqueue_dma source(%arg5 : memref<640x128xf32, #tpu.memory_space<hbm>>) target(%dma_start3A_39 : memref<640x128xf32, #tpu.memory_space<vmem_shared>>) target_semaphore(%run_scoped3A_37 : memref<!tpu.dma_semaphore, #tpu.memory_space<semaphore_mem>>)
      %dma_wait3A = arith.constant 0 : i32
      %dma_wait3A_40 = tpu.memref_slice %arg11[%multiple_of3A, %dma_wait3A] : memref<10240x128xf32, #tpu.memory_space<vmem_shared>> -> memref<640x128xf32, #tpu.memory_space<vmem_shared>>
      tpu.wait_dma2 semaphore(%run_scoped3A_37 : memref<!tpu.dma_semaphore, #tpu.memory_space<semaphore_mem>>) src(%arg5 : memref<640x128xf32, #tpu.memory_space<hbm>>) dst(%dma_wait3A_40 : memref<640x128xf32, #tpu.memory_space<vmem_shared>>)
      tpu.yield
    }) : () -> ()
    %barrier3A = arith.constant 0 : index
    tpu.barrier barrier_id(%barrier3A)
    %run_scoped3A = arith.constant 0 : i32
    "tpu.region"() ({
      %run_scoped3A_37 = tpu.sem_alloc : memref<!tpu.dma_semaphore, #tpu.memory_space<semaphore_mem>>
      %dma_start3A_38 = arith.constant 0 : i32
      %dma_start3A_39 = arith.constant 0 : i32
      %dma_start3A_40 = arith.constant 0 : i32
      %dma_start3A_41 = tpu.memref_slice %arg3[%arg0, %dma_start3A_38, %dma_start3A_39, %dma_start3A_40] : memref<2x2x16x5120xi32, #tpu.memory_space<hbm>> -> memref<1x2x16x5120xi32, #tpu.memory_space<hbm>>
      %dma_start3A_42 = tpu.memref_squeeze %dma_start3A_41 : memref<1x2x16x5120xi32, #tpu.memory_space<hbm>> -> memref<2x16x5120xi32, #tpu.memory_space<hbm>>
      %dma_start3A_43 = arith.constant 0 : i32
      %dma_start3A_44 = arith.constant 0 : i32
      %dma_start3A_45 = tpu.memref_slice %dma_start3A_42[%run_scoped3A, %dma_start3A_43, %dma_start3A_44] : memref<2x16x5120xi32, #tpu.memory_space<hbm>> -> memref<1x16x5120xi32, #tpu.memory_space<hbm>>
      %dma_start3A_46 = tpu.memref_squeeze %dma_start3A_45 : memref<1x16x5120xi32, #tpu.memory_space<hbm>> -> memref<16x5120xi32, #tpu.memory_space<hbm>>
      %dma_start3A_47 = arith.constant 0 : i32
      %dma_start3A_48 = tpu.memref_slice %dma_start3A_46[%arg1, %dma_start3A_47] : memref<16x5120xi32, #tpu.memory_space<hbm>> -> memref<1x5120xi32, #tpu.memory_space<hbm>>
      %dma_start3A_49 = tpu.memref_squeeze %dma_start3A_48 : memref<1x5120xi32, #tpu.memory_space<hbm>> -> memref<5120xi32, #tpu.memory_space<hbm>>
      %dma_start3A_50 = arith.constant 0 : i32
      %dma_start3A_51 = arith.constant 0 : i32
      %dma_start3A_52 = arith.constant 0 : i32
      %dma_start3A_53 = tpu.memref_slice %arg3[%arg0, %dma_start3A_50, %dma_start3A_51, %dma_start3A_52] : memref<2x2x16x5120xi32, #tpu.memory_space<hbm>> -> memref<1x2x16x5120xi32, #tpu.memory_space<hbm>>
      %dma_start3A_54 = tpu.memref_squeeze %dma_start3A_53 : memref<1x2x16x5120xi32, #tpu.memory_space<hbm>> -> memref<2x16x5120xi32, #tpu.memory_space<hbm>>
      %dma_start3A_55 = arith.constant 0 : i32
      %dma_start3A_56 = arith.constant 0 : i32
      %dma_start3A_57 = tpu.memref_slice %dma_start3A_54[%run_scoped3A, %dma_start3A_55, %dma_start3A_56] : memref<2x16x5120xi32, #tpu.memory_space<hbm>> -> memref<1x16x5120xi32, #tpu.memory_space<hbm>>
      %dma_start3A_58 = tpu.memref_squeeze %dma_start3A_57 : memref<1x16x5120xi32, #tpu.memory_space<hbm>> -> memref<16x5120xi32, #tpu.memory_space<hbm>>
      %dma_start3A_59 = arith.constant 0 : i32
      %dma_start3A_60 = tpu.memref_slice %dma_start3A_58[%arg1, %dma_start3A_59] : memref<16x5120xi32, #tpu.memory_space<hbm>> -> memref<1x5120xi32, #tpu.memory_space<hbm>>
      %dma_start3A_61 = tpu.memref_squeeze %dma_start3A_60 : memref<1x5120xi32, #tpu.memory_space<hbm>> -> memref<5120xi32, #tpu.memory_space<hbm>>
      tpu.enqueue_dma source(%dma_start3A_61 : memref<5120xi32, #tpu.memory_space<hbm>>) target(%arg7 : memref<5120xi32, #tpu.memory_space<vmem>>) target_semaphore(%run_scoped3A_37 : memref<!tpu.dma_semaphore, #tpu.memory_space<semaphore_mem>>)
      %dma_wait3A = arith.constant 0 : i32
      %dma_wait3A_62 = arith.constant 0 : i32
      %dma_wait3A_63 = arith.constant 0 : i32
      %dma_wait3A_64 = tpu.memref_slice %arg3[%arg0, %dma_wait3A, %dma_wait3A_62, %dma_wait3A_63] : memref<2x2x16x5120xi32, #tpu.memory_space<hbm>> -> memref<1x2x16x5120xi32, #tpu.memory_space<hbm>>
      %dma_wait3A_65 = tpu.memref_squeeze %dma_wait3A_64 : memref<1x2x16x5120xi32, #tpu.memory_space<hbm>> -> memref<2x16x5120xi32, #tpu.memory_space<hbm>>
      %dma_wait3A_66 = arith.constant 0 : i32
      %dma_wait3A_67 = arith.constant 0 : i32
      %dma_wait3A_68 = tpu.memref_slice %dma_wait3A_65[%run_scoped3A, %dma_wait3A_66, %dma_wait3A_67] : memref<2x16x5120xi32, #tpu.memory_space<hbm>> -> memref<1x16x5120xi32, #tpu.memory_space<hbm>>
      %dma_wait3A_69 = tpu.memref_squeeze %dma_wait3A_68 : memref<1x16x5120xi32, #tpu.memory_space<hbm>> -> memref<16x5120xi32, #tpu.memory_space<hbm>>
      %dma_wait3A_70 = arith.constant 0 : i32
      %dma_wait3A_71 = tpu.memref_slice %dma_wait3A_69[%arg1, %dma_wait3A_70] : memref<16x5120xi32, #tpu.memory_space<hbm>> -> memref<1x5120xi32, #tpu.memory_space<hbm>>
      %dma_wait3A_72 = tpu.memref_squeeze %dma_wait3A_71 : memref<1x5120xi32, #tpu.memory_space<hbm>> -> memref<5120xi32, #tpu.memory_space<hbm>>
      %dma_wait3A_73 = arith.constant 0 : i32
      %dma_wait3A_74 = arith.constant 0 : i32
      %dma_wait3A_75 = arith.constant 0 : i32
      %dma_wait3A_76 = tpu.memref_slice %arg3[%arg0, %dma_wait3A_73, %dma_wait3A_74, %dma_wait3A_75] : memref<2x2x16x5120xi32, #tpu.memory_space<hbm>> -> memref<1x2x16x5120xi32, #tpu.memory_space<hbm>>
      %dma_wait3A_77 = tpu.memref_squeeze %dma_wait3A_76 : memref<1x2x16x5120xi32, #tpu.memory_space<hbm>> -> memref<2x16x5120xi32, #tpu.memory_space<hbm>>
      %dma_wait3A_78 = arith.constant 0 : i32
      %dma_wait3A_79 = arith.constant 0 : i32
      %dma_wait3A_80 = tpu.memref_slice %dma_wait3A_77[%run_scoped3A, %dma_wait3A_78, %dma_wait3A_79] : memref<2x16x5120xi32, #tpu.memory_space<hbm>> -> memref<1x16x5120xi32, #tpu.memory_space<hbm>>
      %dma_wait3A_81 = tpu.memref_squeeze %dma_wait3A_80 : memref<1x16x5120xi32, #tpu.memory_space<hbm>> -> memref<16x5120xi32, #tpu.memory_space<hbm>>
      %dma_wait3A_82 = arith.constant 0 : i32
      %dma_wait3A_83 = tpu.memref_slice %dma_wait3A_81[%arg1, %dma_wait3A_82] : memref<16x5120xi32, #tpu.memory_space<hbm>> -> memref<1x5120xi32, #tpu.memory_space<hbm>>
      %dma_wait3A_84 = tpu.memref_squeeze %dma_wait3A_83 : memref<1x5120xi32, #tpu.memory_space<hbm>> -> memref<5120xi32, #tpu.memory_space<hbm>>
      tpu.wait_dma2 semaphore(%run_scoped3A_37 : memref<!tpu.dma_semaphore, #tpu.memory_space<semaphore_mem>>) src(%dma_wait3A_84 : memref<5120xi32, #tpu.memory_space<hbm>>) dst(%arg7 : memref<5120xi32, #tpu.memory_space<vmem>>)
      tpu.yield
    }) : () -> ()
    %run_scoped3A_1 = arith.constant 0 : i32
    "tpu.region"() ({
      %run_scoped3A_37 = tpu.sem_alloc : memref<!tpu.dma_semaphore, #tpu.memory_space<semaphore_mem>>
      %dma_start3A_38 = arith.constant 0 : i32
      %dma_start3A_39 = arith.constant 0 : i32
      %dma_start3A_40 = arith.constant 0 : i32
      %dma_start3A_41 = tpu.memref_slice %arg4[%run_scoped3A_1, %dma_start3A_38, %dma_start3A_39, %dma_start3A_40] : memref<2x16x40x128xi32, #tpu.memory_space<hbm>> -> memref<1x16x40x128xi32, #tpu.memory_space<hbm>>
      %dma_start3A_42 = tpu.memref_squeeze %dma_start3A_41 : memref<1x16x40x128xi32, #tpu.memory_space<hbm>> -> memref<16x40x128xi32, #tpu.memory_space<hbm>>
      %dma_start3A_43 = arith.constant 0 : i32
      %dma_start3A_44 = arith.constant 0 : i32
      %dma_start3A_45 = tpu.memref_slice %dma_start3A_42[%arg1, %dma_start3A_43, %dma_start3A_44] : memref<16x40x128xi32, #tpu.memory_space<hbm>> -> memref<1x40x128xi32, #tpu.memory_space<hbm>>
      %dma_start3A_46 = tpu.memref_squeeze %dma_start3A_45 : memref<1x40x128xi32, #tpu.memory_space<hbm>> -> memref<40x128xi32, #tpu.memory_space<hbm>>
      %dma_start3A_47 = arith.constant 0 : i32
      %dma_start3A_48 = arith.constant 0 : i32
      %dma_start3A_49 = arith.constant 0 : i32
      %dma_start3A_50 = tpu.memref_slice %arg4[%run_scoped3A_1, %dma_start3A_47, %dma_start3A_48, %dma_start3A_49] : memref<2x16x40x128xi32, #tpu.memory_space<hbm>> -> memref<1x16x40x128xi32, #tpu.memory_space<hbm>>
      %dma_start3A_51 = tpu.memref_squeeze %dma_start3A_50 : memref<1x16x40x128xi32, #tpu.memory_space<hbm>> -> memref<16x40x128xi32, #tpu.memory_space<hbm>>
      %dma_start3A_52 = arith.constant 0 : i32
      %dma_start3A_53 = arith.constant 0 : i32
      %dma_start3A_54 = tpu.memref_slice %dma_start3A_51[%arg1, %dma_start3A_52, %dma_start3A_53] : memref<16x40x128xi32, #tpu.memory_space<hbm>> -> memref<1x40x128xi32, #tpu.memory_space<hbm>>
      %dma_start3A_55 = tpu.memref_squeeze %dma_start3A_54 : memref<1x40x128xi32, #tpu.memory_space<hbm>> -> memref<40x128xi32, #tpu.memory_space<hbm>>
      tpu.enqueue_dma source(%dma_start3A_55 : memref<40x128xi32, #tpu.memory_space<hbm>>) target(%arg8 : memref<40x128xi32, #tpu.memory_space<vmem>>) target_semaphore(%run_scoped3A_37 : memref<!tpu.dma_semaphore, #tpu.memory_space<semaphore_mem>>)
      %dma_wait3A = arith.constant 0 : i32
      %dma_wait3A_56 = arith.constant 0 : i32
      %dma_wait3A_57 = arith.constant 0 : i32
      %dma_wait3A_58 = tpu.memref_slice %arg4[%run_scoped3A_1, %dma_wait3A, %dma_wait3A_56, %dma_wait3A_57] : memref<2x16x40x128xi32, #tpu.memory_space<hbm>> -> memref<1x16x40x128xi32, #tpu.memory_space<hbm>>
      %dma_wait3A_59 = tpu.memref_squeeze %dma_wait3A_58 : memref<1x16x40x128xi32, #tpu.memory_space<hbm>> -> memref<16x40x128xi32, #tpu.memory_space<hbm>>
      %dma_wait3A_60 = arith.constant 0 : i32
      %dma_wait3A_61 = arith.constant 0 : i32
      %dma_wait3A_62 = tpu.memref_slice %dma_wait3A_59[%arg1, %dma_wait3A_60, %dma_wait3A_61] : memref<16x40x128xi32, #tpu.memory_space<hbm>> -> memref<1x40x128xi32, #tpu.memory_space<hbm>>
      %dma_wait3A_63 = tpu.memref_squeeze %dma_wait3A_62 : memref<1x40x128xi32, #tpu.memory_space<hbm>> -> memref<40x128xi32, #tpu.memory_space<hbm>>
      %dma_wait3A_64 = arith.constant 0 : i32
      %dma_wait3A_65 = arith.constant 0 : i32
      %dma_wait3A_66 = arith.constant 0 : i32
      %dma_wait3A_67 = tpu.memref_slice %arg4[%run_scoped3A_1, %dma_wait3A_64, %dma_wait3A_65, %dma_wait3A_66] : memref<2x16x40x128xi32, #tpu.memory_space<hbm>> -> memref<1x16x40x128xi32, #tpu.memory_space<hbm>>
      %dma_wait3A_68 = tpu.memref_squeeze %dma_wait3A_67 : memref<1x16x40x128xi32, #tpu.memory_space<hbm>> -> memref<16x40x128xi32, #tpu.memory_space<hbm>>
      %dma_wait3A_69 = arith.constant 0 : i32
      %dma_wait3A_70 = arith.constant 0 : i32
      %dma_wait3A_71 = tpu.memref_slice %dma_wait3A_68[%arg1, %dma_wait3A_69, %dma_wait3A_70] : memref<16x40x128xi32, #tpu.memory_space<hbm>> -> memref<1x40x128xi32, #tpu.memory_space<hbm>>
      %dma_wait3A_72 = tpu.memref_squeeze %dma_wait3A_71 : memref<1x40x128xi32, #tpu.memory_space<hbm>> -> memref<40x128xi32, #tpu.memory_space<hbm>>
      tpu.wait_dma2 semaphore(%run_scoped3A_37 : memref<!tpu.dma_semaphore, #tpu.memory_space<semaphore_mem>>) src(%dma_wait3A_72 : memref<40x128xi32, #tpu.memory_space<hbm>>) dst(%arg8 : memref<40x128xi32, #tpu.memory_space<vmem>>)
      tpu.yield
    }) : () -> ()
    %multiple_of3A_2 = arith.constant 0 : i32
    %multiple_of3A_3 = tpu.assume_multiple %multiple_of3A_2, 128 : i32
    %dma_start3A = tpu.memref_slice %arg7[%multiple_of3A_3] : memref<5120xi32, #tpu.memory_space<vmem>> -> memref<128xi32, #tpu.memory_space<vmem>>
    %dma_start3A_4 = arith.constant 0 : i32
    %dma_start3A_5 = arith.constant 0 : i32
    %dma_start3A_6 = tpu.memref_slice %arg2[%dma_start3A_4, %dma_start3A_5] : memref<20480x128xf32, #tpu.memory_space<hbm>> -> memref<20480x128xf32, #tpu.memory_space<hbm>>
    tpu.enqueue_indirect_dma source(%dma_start3A_6 : memref<20480x128xf32, #tpu.memory_space<hbm>>) target(%arg9 : memref<128x128xf32, #tpu.memory_space<vmem>>) offsets(%dma_start3A : memref<128xi32, #tpu.memory_space<vmem>>) semaphore(%arg12 : memref<!tpu.dma_semaphore, #tpu.memory_space<semaphore_mem>>)
    %multiple_of3A_7 = arith.constant 128 : i32
    %multiple_of3A_8 = tpu.assume_multiple %multiple_of3A_7, 128 : i32
    %dma_start3A_9 = tpu.memref_slice %arg7[%multiple_of3A_8] : memref<5120xi32, #tpu.memory_space<vmem>> -> memref<128xi32, #tpu.memory_space<vmem>>
    %dma_start3A_10 = arith.constant 0 : i32
    %dma_start3A_11 = arith.constant 0 : i32
    %dma_start3A_12 = tpu.memref_slice %arg2[%dma_start3A_10, %dma_start3A_11] : memref<20480x128xf32, #tpu.memory_space<hbm>> -> memref<20480x128xf32, #tpu.memory_space<hbm>>
    tpu.enqueue_indirect_dma source(%dma_start3A_12 : memref<20480x128xf32, #tpu.memory_space<hbm>>) target(%arg10 : memref<128x128xf32, #tpu.memory_space<vmem>>) offsets(%dma_start3A_9 : memref<128xi32, #tpu.memory_space<vmem>>) semaphore(%arg13 : memref<!tpu.dma_semaphore, #tpu.memory_space<semaphore_mem>>)
    %scan3A = arith.constant 0 : i32
    %scan3A_13 = arith.constant 20 : i32
    %scan3A_14 = arith.addi %scan3A, %scan3A_13 : i32
    %scan3A_15 = arith.constant 1 : i32
    scf.for %scan3A_37 = %scan3A to %scan3A_14 step %scan3A_15  : i32 {
      %mul3A_38 = arith.constant 1 : i32
      %mul3A_39 = arith.muli %scan3A_37, %mul3A_38 : i32
      %add3A = arith.constant 0 : i32
      %add3A_40 = arith.addi %add3A, %mul3A_39 : i32
      %mul3A_41 = arith.constant 2 : i32
      %mul3A_42 = arith.muli %mul3A_41, %add3A_40 : i32
      %add3A_43 = arith.constant 0 : i32
      %add3A_44 = arith.addi %mul3A_42, %add3A_43 : i32
      %mul3A_45 = arith.constant 128 : i32
      %mul3A_46 = arith.muli %add3A_44, %mul3A_45 : i32
      %multiple_of3A_47 = tpu.assume_multiple %mul3A_46, 128 : i32
      %dma_wait3A = tpu.memref_slice %arg7[%multiple_of3A_47] : memref<5120xi32, #tpu.memory_space<vmem>> -> memref<128xi32, #tpu.memory_space<vmem>>
      %dma_wait3A_48 = arith.constant 0 : i32
      %dma_wait3A_49 = arith.constant 0 : i32
      %dma_wait3A_50 = tpu.memref_slice %arg2[%dma_wait3A_48, %dma_wait3A_49] : memref<20480x128xf32, #tpu.memory_space<hbm>> -> memref<20480x128xf32, #tpu.memory_space<hbm>>
      tpu.wait_indirect_dma semaphore(%arg12 : memref<!tpu.dma_semaphore, #tpu.memory_space<semaphore_mem>>) src(%dma_wait3A_50 : memref<20480x128xf32, #tpu.memory_space<hbm>>) dst(%arg9 : memref<128x128xf32, #tpu.memory_space<vmem>>)
      "tpu.region"() ({
        %run_scoped3A_73 = tpu.sem_alloc : memref<!tpu.dma_semaphore, #tpu.memory_space<semaphore_mem>>
        %dma_start3A_74 = arith.constant 0 : i32
        %dma_start3A_75 = tpu.memref_slice %arg8[%add3A_44, %dma_start3A_74] : memref<40x128xi32, #tpu.memory_space<vmem>> -> memref<1x128xi32, #tpu.memory_space<vmem>>
        %dma_start3A_76 = tpu.memref_squeeze %dma_start3A_75 : memref<1x128xi32, #tpu.memory_space<vmem>> -> memref<128xi32, #tpu.memory_space<vmem>>
        %dma_start3A_77 = arith.constant 0 : i32
        %dma_start3A_78 = arith.constant 0 : i32
        %dma_start3A_79 = tpu.memref_slice %arg11[%dma_start3A_77, %dma_start3A_78] : memref<10240x128xf32, #tpu.memory_space<vmem_shared>> -> memref<10240x128xf32, #tpu.memory_space<vmem_shared>>
        tpu.enqueue_indirect_dma source(%arg9 : memref<128x128xf32, #tpu.memory_space<vmem>>) target(%dma_start3A_79 : memref<10240x128xf32, #tpu.memory_space<vmem_shared>>) offsets(%dma_start3A_76 : memref<128xi32, #tpu.memory_space<vmem>>) semaphore(%run_scoped3A_73 : memref<!tpu.dma_semaphore, #tpu.memory_space<semaphore_mem>>) {add = true}
        %dma_wait3A_80 = arith.constant 0 : i32
        %dma_wait3A_81 = tpu.memref_slice %arg8[%add3A_44, %dma_wait3A_80] : memref<40x128xi32, #tpu.memory_space<vmem>> -> memref<1x128xi32, #tpu.memory_space<vmem>>
        %dma_wait3A_82 = tpu.memref_squeeze %dma_wait3A_81 : memref<1x128xi32, #tpu.memory_space<vmem>> -> memref<128xi32, #tpu.memory_space<vmem>>
        %dma_wait3A_83 = arith.constant 0 : i32
        %dma_wait3A_84 = arith.constant 0 : i32
        %dma_wait3A_85 = tpu.memref_slice %arg11[%dma_wait3A_83, %dma_wait3A_84] : memref<10240x128xf32, #tpu.memory_space<vmem_shared>> -> memref<10240x128xf32, #tpu.memory_space<vmem_shared>>
        tpu.wait_indirect_dma semaphore(%run_scoped3A_73 : memref<!tpu.dma_semaphore, #tpu.memory_space<semaphore_mem>>) src(%arg9 : memref<128x128xf32, #tpu.memory_space<vmem>>) dst(%dma_wait3A_85 : memref<10240x128xf32, #tpu.memory_space<vmem_shared>>)
        tpu.yield
      }) : () -> ()
      %add3A_51 = arith.constant 2 : i32
      %add3A_52 = arith.addi %add3A_44, %add3A_51 : i32
      %lt3A = arith.constant 40 : i32
      %lt3A_53 = arith.cmpi slt, %add3A_52, %lt3A : i32
      %convert_element_type3A = arith.extui %lt3A_53 : i1 to i32
      %cond3A = arith.constant 0 : i32
      %cond3A_54 = arith.cmpi ne, %convert_element_type3A, %cond3A : i32
      scf.if %cond3A_54 {
        %add3A_73 = arith.constant 2 : i32
        %add3A_74 = arith.addi %add3A_44, %add3A_73 : i32
        %mul3A_75 = arith.constant 128 : i32
        %mul3A_76 = arith.muli %add3A_74, %mul3A_75 : i32
        %multiple_of3A_77 = tpu.assume_multiple %mul3A_76, 128 : i32
        %dma_start3A_78 = tpu.memref_slice %arg7[%multiple_of3A_77] : memref<5120xi32, #tpu.memory_space<vmem>> -> memref<128xi32, #tpu.memory_space<vmem>>
        %dma_start3A_79 = arith.constant 0 : i32
        %dma_start3A_80 = arith.constant 0 : i32
        %dma_start3A_81 = tpu.memref_slice %arg2[%dma_start3A_79, %dma_start3A_80] : memref<20480x128xf32, #tpu.memory_space<hbm>> -> memref<20480x128xf32, #tpu.memory_space<hbm>>
        tpu.enqueue_indirect_dma source(%dma_start3A_81 : memref<20480x128xf32, #tpu.memory_space<hbm>>) target(%arg9 : memref<128x128xf32, #tpu.memory_space<vmem>>) offsets(%dma_start3A_78 : memref<128xi32, #tpu.memory_space<vmem>>) semaphore(%arg12 : memref<!tpu.dma_semaphore, #tpu.memory_space<semaphore_mem>>)
      } else {
      }
      %mul3A_55 = arith.constant 2 : i32
      %mul3A_56 = arith.muli %mul3A_55, %add3A_40 : i32
      %add3A_57 = arith.constant 1 : i32
      %add3A_58 = arith.addi %mul3A_56, %add3A_57 : i32
      %mul3A_59 = arith.constant 128 : i32
      %mul3A_60 = arith.muli %add3A_58, %mul3A_59 : i32
      %multiple_of3A_61 = tpu.assume_multiple %mul3A_60, 128 : i32
      %dma_wait3A_62 = tpu.memref_slice %arg7[%multiple_of3A_61] : memref<5120xi32, #tpu.memory_space<vmem>> -> memref<128xi32, #tpu.memory_space<vmem>>
      %dma_wait3A_63 = arith.constant 0 : i32
      %dma_wait3A_64 = arith.constant 0 : i32
      %dma_wait3A_65 = tpu.memref_slice %arg2[%dma_wait3A_63, %dma_wait3A_64] : memref<20480x128xf32, #tpu.memory_space<hbm>> -> memref<20480x128xf32, #tpu.memory_space<hbm>>
      tpu.wait_indirect_dma semaphore(%arg13 : memref<!tpu.dma_semaphore, #tpu.memory_space<semaphore_mem>>) src(%dma_wait3A_65 : memref<20480x128xf32, #tpu.memory_space<hbm>>) dst(%arg10 : memref<128x128xf32, #tpu.memory_space<vmem>>)
      "tpu.region"() ({
        %run_scoped3A_73 = tpu.sem_alloc : memref<!tpu.dma_semaphore, #tpu.memory_space<semaphore_mem>>
        %dma_start3A_74 = arith.constant 0 : i32
        %dma_start3A_75 = tpu.memref_slice %arg8[%add3A_58, %dma_start3A_74] : memref<40x128xi32, #tpu.memory_space<vmem>> -> memref<1x128xi32, #tpu.memory_space<vmem>>
        %dma_start3A_76 = tpu.memref_squeeze %dma_start3A_75 : memref<1x128xi32, #tpu.memory_space<vmem>> -> memref<128xi32, #tpu.memory_space<vmem>>
        %dma_start3A_77 = arith.constant 0 : i32
        %dma_start3A_78 = arith.constant 0 : i32
        %dma_start3A_79 = tpu.memref_slice %arg11[%dma_start3A_77, %dma_start3A_78] : memref<10240x128xf32, #tpu.memory_space<vmem_shared>> -> memref<10240x128xf32, #tpu.memory_space<vmem_shared>>
        tpu.enqueue_indirect_dma source(%arg10 : memref<128x128xf32, #tpu.memory_space<vmem>>) target(%dma_start3A_79 : memref<10240x128xf32, #tpu.memory_space<vmem_shared>>) offsets(%dma_start3A_76 : memref<128xi32, #tpu.memory_space<vmem>>) semaphore(%run_scoped3A_73 : memref<!tpu.dma_semaphore, #tpu.memory_space<semaphore_mem>>) {add = true}
        %dma_wait3A_80 = arith.constant 0 : i32
        %dma_wait3A_81 = tpu.memref_slice %arg8[%add3A_58, %dma_wait3A_80] : memref<40x128xi32, #tpu.memory_space<vmem>> -> memref<1x128xi32, #tpu.memory_space<vmem>>
        %dma_wait3A_82 = tpu.memref_squeeze %dma_wait3A_81 : memref<1x128xi32, #tpu.memory_space<vmem>> -> memref<128xi32, #tpu.memory_space<vmem>>
        %dma_wait3A_83 = arith.constant 0 : i32
        %dma_wait3A_84 = arith.constant 0 : i32
        %dma_wait3A_85 = tpu.memref_slice %arg11[%dma_wait3A_83, %dma_wait3A_84] : memref<10240x128xf32, #tpu.memory_space<vmem_shared>> -> memref<10240x128xf32, #tpu.memory_space<vmem_shared>>
        tpu.wait_indirect_dma semaphore(%run_scoped3A_73 : memref<!tpu.dma_semaphore, #tpu.memory_space<semaphore_mem>>) src(%arg10 : memref<128x128xf32, #tpu.memory_space<vmem>>) dst(%dma_wait3A_85 : memref<10240x128xf32, #tpu.memory_space<vmem_shared>>)
        tpu.yield
      }) : () -> ()
      %add3A_66 = arith.constant 2 : i32
      %add3A_67 = arith.addi %add3A_58, %add3A_66 : i32
      %lt3A_68 = arith.constant 40 : i32
      %lt3A_69 = arith.cmpi slt, %add3A_67, %lt3A_68 : i32
      %convert_element_type3A_70 = arith.extui %lt3A_69 : i1 to i32
      %cond3A_71 = arith.constant 0 : i32
      %cond3A_72 = arith.cmpi ne, %convert_element_type3A_70, %cond3A_71 : i32
      scf.if %cond3A_72 {
        %add3A_73 = arith.constant 2 : i32
        %add3A_74 = arith.addi %add3A_58, %add3A_73 : i32
        %mul3A_75 = arith.constant 128 : i32
        %mul3A_76 = arith.muli %add3A_74, %mul3A_75 : i32
        %multiple_of3A_77 = tpu.assume_multiple %mul3A_76, 128 : i32
        %dma_start3A_78 = tpu.memref_slice %arg7[%multiple_of3A_77] : memref<5120xi32, #tpu.memory_space<vmem>> -> memref<128xi32, #tpu.memory_space<vmem>>
        %dma_start3A_79 = arith.constant 0 : i32
        %dma_start3A_80 = arith.constant 0 : i32
        %dma_start3A_81 = tpu.memref_slice %arg2[%dma_start3A_79, %dma_start3A_80] : memref<20480x128xf32, #tpu.memory_space<hbm>> -> memref<20480x128xf32, #tpu.memory_space<hbm>>
        tpu.enqueue_indirect_dma source(%dma_start3A_81 : memref<20480x128xf32, #tpu.memory_space<hbm>>) target(%arg10 : memref<128x128xf32, #tpu.memory_space<vmem>>) offsets(%dma_start3A_78 : memref<128xi32, #tpu.memory_space<vmem>>) semaphore(%arg13 : memref<!tpu.dma_semaphore, #tpu.memory_space<semaphore_mem>>)
      } else {
      }
    }
    %scan3A_16 = arith.constant 20 : i32
    %run_scoped3A_17 = arith.constant 1 : i32
    "tpu.region"() ({
      %run_scoped3A_37 = tpu.sem_alloc : memref<!tpu.dma_semaphore, #tpu.memory_space<semaphore_mem>>
      %dma_start3A_38 = arith.constant 0 : i32
      %dma_start3A_39 = arith.constant 0 : i32
      %dma_start3A_40 = arith.constant 0 : i32
      %dma_start3A_41 = tpu.memref_slice %arg3[%arg0, %dma_start3A_38, %dma_start3A_39, %dma_start3A_40] : memref<2x2x16x5120xi32, #tpu.memory_space<hbm>> -> memref<1x2x16x5120xi32, #tpu.memory_space<hbm>>
      %dma_start3A_42 = tpu.memref_squeeze %dma_start3A_41 : memref<1x2x16x5120xi32, #tpu.memory_space<hbm>> -> memref<2x16x5120xi32, #tpu.memory_space<hbm>>
      %dma_start3A_43 = arith.constant 0 : i32
      %dma_start3A_44 = arith.constant 0 : i32
      %dma_start3A_45 = tpu.memref_slice %dma_start3A_42[%run_scoped3A_17, %dma_start3A_43, %dma_start3A_44] : memref<2x16x5120xi32, #tpu.memory_space<hbm>> -> memref<1x16x5120xi32, #tpu.memory_space<hbm>>
      %dma_start3A_46 = tpu.memref_squeeze %dma_start3A_45 : memref<1x16x5120xi32, #tpu.memory_space<hbm>> -> memref<16x5120xi32, #tpu.memory_space<hbm>>
      %dma_start3A_47 = arith.constant 0 : i32
      %dma_start3A_48 = tpu.memref_slice %dma_start3A_46[%arg1, %dma_start3A_47] : memref<16x5120xi32, #tpu.memory_space<hbm>> -> memref<1x5120xi32, #tpu.memory_space<hbm>>
      %dma_start3A_49 = tpu.memref_squeeze %dma_start3A_48 : memref<1x5120xi32, #tpu.memory_space<hbm>> -> memref<5120xi32, #tpu.memory_space<hbm>>
      %dma_start3A_50 = arith.constant 0 : i32
      %dma_start3A_51 = arith.constant 0 : i32
      %dma_start3A_52 = arith.constant 0 : i32
      %dma_start3A_53 = tpu.memref_slice %arg3[%arg0, %dma_start3A_50, %dma_start3A_51, %dma_start3A_52] : memref<2x2x16x5120xi32, #tpu.memory_space<hbm>> -> memref<1x2x16x5120xi32, #tpu.memory_space<hbm>>
      %dma_start3A_54 = tpu.memref_squeeze %dma_start3A_53 : memref<1x2x16x5120xi32, #tpu.memory_space<hbm>> -> memref<2x16x5120xi32, #tpu.memory_space<hbm>>
      %dma_start3A_55 = arith.constant 0 : i32
      %dma_start3A_56 = arith.constant 0 : i32
      %dma_start3A_57 = tpu.memref_slice %dma_start3A_54[%run_scoped3A_17, %dma_start3A_55, %dma_start3A_56] : memref<2x16x5120xi32, #tpu.memory_space<hbm>> -> memref<1x16x5120xi32, #tpu.memory_space<hbm>>
      %dma_start3A_58 = tpu.memref_squeeze %dma_start3A_57 : memref<1x16x5120xi32, #tpu.memory_space<hbm>> -> memref<16x5120xi32, #tpu.memory_space<hbm>>
      %dma_start3A_59 = arith.constant 0 : i32
      %dma_start3A_60 = tpu.memref_slice %dma_start3A_58[%arg1, %dma_start3A_59] : memref<16x5120xi32, #tpu.memory_space<hbm>> -> memref<1x5120xi32, #tpu.memory_space<hbm>>
      %dma_start3A_61 = tpu.memref_squeeze %dma_start3A_60 : memref<1x5120xi32, #tpu.memory_space<hbm>> -> memref<5120xi32, #tpu.memory_space<hbm>>
      tpu.enqueue_dma source(%dma_start3A_61 : memref<5120xi32, #tpu.memory_space<hbm>>) target(%arg7 : memref<5120xi32, #tpu.memory_space<vmem>>) target_semaphore(%run_scoped3A_37 : memref<!tpu.dma_semaphore, #tpu.memory_space<semaphore_mem>>)
      %dma_wait3A = arith.constant 0 : i32
      %dma_wait3A_62 = arith.constant 0 : i32
      %dma_wait3A_63 = arith.constant 0 : i32
      %dma_wait3A_64 = tpu.memref_slice %arg3[%arg0, %dma_wait3A, %dma_wait3A_62, %dma_wait3A_63] : memref<2x2x16x5120xi32, #tpu.memory_space<hbm>> -> memref<1x2x16x5120xi32, #tpu.memory_space<hbm>>
      %dma_wait3A_65 = tpu.memref_squeeze %dma_wait3A_64 : memref<1x2x16x5120xi32, #tpu.memory_space<hbm>> -> memref<2x16x5120xi32, #tpu.memory_space<hbm>>
      %dma_wait3A_66 = arith.constant 0 : i32
      %dma_wait3A_67 = arith.constant 0 : i32
      %dma_wait3A_68 = tpu.memref_slice %dma_wait3A_65[%run_scoped3A_17, %dma_wait3A_66, %dma_wait3A_67] : memref<2x16x5120xi32, #tpu.memory_space<hbm>> -> memref<1x16x5120xi32, #tpu.memory_space<hbm>>
      %dma_wait3A_69 = tpu.memref_squeeze %dma_wait3A_68 : memref<1x16x5120xi32, #tpu.memory_space<hbm>> -> memref<16x5120xi32, #tpu.memory_space<hbm>>
      %dma_wait3A_70 = arith.constant 0 : i32
      %dma_wait3A_71 = tpu.memref_slice %dma_wait3A_69[%arg1, %dma_wait3A_70] : memref<16x5120xi32, #tpu.memory_space<hbm>> -> memref<1x5120xi32, #tpu.memory_space<hbm>>
      %dma_wait3A_72 = tpu.memref_squeeze %dma_wait3A_71 : memref<1x5120xi32, #tpu.memory_space<hbm>> -> memref<5120xi32, #tpu.memory_space<hbm>>
      %dma_wait3A_73 = arith.constant 0 : i32
      %dma_wait3A_74 = arith.constant 0 : i32
      %dma_wait3A_75 = arith.constant 0 : i32
      %dma_wait3A_76 = tpu.memref_slice %arg3[%arg0, %dma_wait3A_73, %dma_wait3A_74, %dma_wait3A_75] : memref<2x2x16x5120xi32, #tpu.memory_space<hbm>> -> memref<1x2x16x5120xi32, #tpu.memory_space<hbm>>
      %dma_wait3A_77 = tpu.memref_squeeze %dma_wait3A_76 : memref<1x2x16x5120xi32, #tpu.memory_space<hbm>> -> memref<2x16x5120xi32, #tpu.memory_space<hbm>>
      %dma_wait3A_78 = arith.constant 0 : i32
      %dma_wait3A_79 = arith.constant 0 : i32
      %dma_wait3A_80 = tpu.memref_slice %dma_wait3A_77[%run_scoped3A_17, %dma_wait3A_78, %dma_wait3A_79] : memref<2x16x5120xi32, #tpu.memory_space<hbm>> -> memref<1x16x5120xi32, #tpu.memory_space<hbm>>
      %dma_wait3A_81 = tpu.memref_squeeze %dma_wait3A_80 : memref<1x16x5120xi32, #tpu.memory_space<hbm>> -> memref<16x5120xi32, #tpu.memory_space<hbm>>
      %dma_wait3A_82 = arith.constant 0 : i32
      %dma_wait3A_83 = tpu.memref_slice %dma_wait3A_81[%arg1, %dma_wait3A_82] : memref<16x5120xi32, #tpu.memory_space<hbm>> -> memref<1x5120xi32, #tpu.memory_space<hbm>>
      %dma_wait3A_84 = tpu.memref_squeeze %dma_wait3A_83 : memref<1x5120xi32, #tpu.memory_space<hbm>> -> memref<5120xi32, #tpu.memory_space<hbm>>
      tpu.wait_dma2 semaphore(%run_scoped3A_37 : memref<!tpu.dma_semaphore, #tpu.memory_space<semaphore_mem>>) src(%dma_wait3A_84 : memref<5120xi32, #tpu.memory_space<hbm>>) dst(%arg7 : memref<5120xi32, #tpu.memory_space<vmem>>)
      tpu.yield
    }) : () -> ()
    %run_scoped3A_18 = arith.constant 1 : i32
    "tpu.region"() ({
      %run_scoped3A_37 = tpu.sem_alloc : memref<!tpu.dma_semaphore, #tpu.memory_space<semaphore_mem>>
      %dma_start3A_38 = arith.constant 0 : i32
      %dma_start3A_39 = arith.constant 0 : i32
      %dma_start3A_40 = arith.constant 0 : i32
      %dma_start3A_41 = tpu.memref_slice %arg4[%run_scoped3A_18, %dma_start3A_38, %dma_start3A_39, %dma_start3A_40] : memref<2x16x40x128xi32, #tpu.memory_space<hbm>> -> memref<1x16x40x128xi32, #tpu.memory_space<hbm>>
      %dma_start3A_42 = tpu.memref_squeeze %dma_start3A_41 : memref<1x16x40x128xi32, #tpu.memory_space<hbm>> -> memref<16x40x128xi32, #tpu.memory_space<hbm>>
      %dma_start3A_43 = arith.constant 0 : i32
      %dma_start3A_44 = arith.constant 0 : i32
      %dma_start3A_45 = tpu.memref_slice %dma_start3A_42[%arg1, %dma_start3A_43, %dma_start3A_44] : memref<16x40x128xi32, #tpu.memory_space<hbm>> -> memref<1x40x128xi32, #tpu.memory_space<hbm>>
      %dma_start3A_46 = tpu.memref_squeeze %dma_start3A_45 : memref<1x40x128xi32, #tpu.memory_space<hbm>> -> memref<40x128xi32, #tpu.memory_space<hbm>>
      %dma_start3A_47 = arith.constant 0 : i32
      %dma_start3A_48 = arith.constant 0 : i32
      %dma_start3A_49 = arith.constant 0 : i32
      %dma_start3A_50 = tpu.memref_slice %arg4[%run_scoped3A_18, %dma_start3A_47, %dma_start3A_48, %dma_start3A_49] : memref<2x16x40x128xi32, #tpu.memory_space<hbm>> -> memref<1x16x40x128xi32, #tpu.memory_space<hbm>>
      %dma_start3A_51 = tpu.memref_squeeze %dma_start3A_50 : memref<1x16x40x128xi32, #tpu.memory_space<hbm>> -> memref<16x40x128xi32, #tpu.memory_space<hbm>>
      %dma_start3A_52 = arith.constant 0 : i32
      %dma_start3A_53 = arith.constant 0 : i32
      %dma_start3A_54 = tpu.memref_slice %dma_start3A_51[%arg1, %dma_start3A_52, %dma_start3A_53] : memref<16x40x128xi32, #tpu.memory_space<hbm>> -> memref<1x40x128xi32, #tpu.memory_space<hbm>>
      %dma_start3A_55 = tpu.memref_squeeze %dma_start3A_54 : memref<1x40x128xi32, #tpu.memory_space<hbm>> -> memref<40x128xi32, #tpu.memory_space<hbm>>
      tpu.enqueue_dma source(%dma_start3A_55 : memref<40x128xi32, #tpu.memory_space<hbm>>) target(%arg8 : memref<40x128xi32, #tpu.memory_space<vmem>>) target_semaphore(%run_scoped3A_37 : memref<!tpu.dma_semaphore, #tpu.memory_space<semaphore_mem>>)
      %dma_wait3A = arith.constant 0 : i32
      %dma_wait3A_56 = arith.constant 0 : i32
      %dma_wait3A_57 = arith.constant 0 : i32
      %dma_wait3A_58 = tpu.memref_slice %arg4[%run_scoped3A_18, %dma_wait3A, %dma_wait3A_56, %dma_wait3A_57] : memref<2x16x40x128xi32, #tpu.memory_space<hbm>> -> memref<1x16x40x128xi32, #tpu.memory_space<hbm>>
      %dma_wait3A_59 = tpu.memref_squeeze %dma_wait3A_58 : memref<1x16x40x128xi32, #tpu.memory_space<hbm>> -> memref<16x40x128xi32, #tpu.memory_space<hbm>>
      %dma_wait3A_60 = arith.constant 0 : i32
      %dma_wait3A_61 = arith.constant 0 : i32
      %dma_wait3A_62 = tpu.memref_slice %dma_wait3A_59[%arg1, %dma_wait3A_60, %dma_wait3A_61] : memref<16x40x128xi32, #tpu.memory_space<hbm>> -> memref<1x40x128xi32, #tpu.memory_space<hbm>>
      %dma_wait3A_63 = tpu.memref_squeeze %dma_wait3A_62 : memref<1x40x128xi32, #tpu.memory_space<hbm>> -> memref<40x128xi32, #tpu.memory_space<hbm>>
      %dma_wait3A_64 = arith.constant 0 : i32
      %dma_wait3A_65 = arith.constant 0 : i32
      %dma_wait3A_66 = arith.constant 0 : i32
      %dma_wait3A_67 = tpu.memref_slice %arg4[%run_scoped3A_18, %dma_wait3A_64, %dma_wait3A_65, %dma_wait3A_66] : memref<2x16x40x128xi32, #tpu.memory_space<hbm>> -> memref<1x16x40x128xi32, #tpu.memory_space<hbm>>
      %dma_wait3A_68 = tpu.memref_squeeze %dma_wait3A_67 : memref<1x16x40x128xi32, #tpu.memory_space<hbm>> -> memref<16x40x128xi32, #tpu.memory_space<hbm>>
      %dma_wait3A_69 = arith.constant 0 : i32
      %dma_wait3A_70 = arith.constant 0 : i32
      %dma_wait3A_71 = tpu.memref_slice %dma_wait3A_68[%arg1, %dma_wait3A_69, %dma_wait3A_70] : memref<16x40x128xi32, #tpu.memory_space<hbm>> -> memref<1x40x128xi32, #tpu.memory_space<hbm>>
      %dma_wait3A_72 = tpu.memref_squeeze %dma_wait3A_71 : memref<1x40x128xi32, #tpu.memory_space<hbm>> -> memref<40x128xi32, #tpu.memory_space<hbm>>
      tpu.wait_dma2 semaphore(%run_scoped3A_37 : memref<!tpu.dma_semaphore, #tpu.memory_space<semaphore_mem>>) src(%dma_wait3A_72 : memref<40x128xi32, #tpu.memory_space<hbm>>) dst(%arg8 : memref<40x128xi32, #tpu.memory_space<vmem>>)
      tpu.yield
    }) : () -> ()
    %multiple_of3A_19 = arith.constant 0 : i32
    %multiple_of3A_20 = tpu.assume_multiple %multiple_of3A_19, 128 : i32
    %dma_start3A_21 = tpu.memref_slice %arg7[%multiple_of3A_20] : memref<5120xi32, #tpu.memory_space<vmem>> -> memref<128xi32, #tpu.memory_space<vmem>>
    %dma_start3A_22 = arith.constant 0 : i32
    %dma_start3A_23 = arith.constant 0 : i32
    %dma_start3A_24 = tpu.memref_slice %arg2[%dma_start3A_22, %dma_start3A_23] : memref<20480x128xf32, #tpu.memory_space<hbm>> -> memref<20480x128xf32, #tpu.memory_space<hbm>>
    tpu.enqueue_indirect_dma source(%dma_start3A_24 : memref<20480x128xf32, #tpu.memory_space<hbm>>) target(%arg9 : memref<128x128xf32, #tpu.memory_space<vmem>>) offsets(%dma_start3A_21 : memref<128xi32, #tpu.memory_space<vmem>>) semaphore(%arg12 : memref<!tpu.dma_semaphore, #tpu.memory_space<semaphore_mem>>)
    %multiple_of3A_25 = arith.constant 128 : i32
    %multiple_of3A_26 = tpu.assume_multiple %multiple_of3A_25, 128 : i32
    %dma_start3A_27 = tpu.memref_slice %arg7[%multiple_of3A_26] : memref<5120xi32, #tpu.memory_space<vmem>> -> memref<128xi32, #tpu.memory_space<vmem>>
    %dma_start3A_28 = arith.constant 0 : i32
    %dma_start3A_29 = arith.constant 0 : i32
    %dma_start3A_30 = tpu.memref_slice %arg2[%dma_start3A_28, %dma_start3A_29] : memref<20480x128xf32, #tpu.memory_space<hbm>> -> memref<20480x128xf32, #tpu.memory_space<hbm>>
    tpu.enqueue_indirect_dma source(%dma_start3A_30 : memref<20480x128xf32, #tpu.memory_space<hbm>>) target(%arg10 : memref<128x128xf32, #tpu.memory_space<vmem>>) offsets(%dma_start3A_27 : memref<128xi32, #tpu.memory_space<vmem>>) semaphore(%arg13 : memref<!tpu.dma_semaphore, #tpu.memory_space<semaphore_mem>>)
    %scan3A_31 = arith.constant 0 : i32
    %scan3A_32 = arith.constant 20 : i32
    %scan3A_33 = arith.addi %scan3A_31, %scan3A_32 : i32
    %scan3A_34 = arith.constant 1 : i32
    scf.for %scan3A_37 = %scan3A_31 to %scan3A_33 step %scan3A_34  : i32 {
      %mul3A_38 = arith.constant 1 : i32
      %mul3A_39 = arith.muli %scan3A_37, %mul3A_38 : i32
      %add3A = arith.constant 0 : i32
      %add3A_40 = arith.addi %add3A, %mul3A_39 : i32
      %mul3A_41 = arith.constant 2 : i32
      %mul3A_42 = arith.muli %mul3A_41, %add3A_40 : i32
      %add3A_43 = arith.constant 0 : i32
      %add3A_44 = arith.addi %mul3A_42, %add3A_43 : i32
      %mul3A_45 = arith.constant 128 : i32
      %mul3A_46 = arith.muli %add3A_44, %mul3A_45 : i32
      %multiple_of3A_47 = tpu.assume_multiple %mul3A_46, 128 : i32
      %dma_wait3A = tpu.memref_slice %arg7[%multiple_of3A_47] : memref<5120xi32, #tpu.memory_space<vmem>> -> memref<128xi32, #tpu.memory_space<vmem>>
      %dma_wait3A_48 = arith.constant 0 : i32
      %dma_wait3A_49 = arith.constant 0 : i32
      %dma_wait3A_50 = tpu.memref_slice %arg2[%dma_wait3A_48, %dma_wait3A_49] : memref<20480x128xf32, #tpu.memory_space<hbm>> -> memref<20480x128xf32, #tpu.memory_space<hbm>>
      tpu.wait_indirect_dma semaphore(%arg12 : memref<!tpu.dma_semaphore, #tpu.memory_space<semaphore_mem>>) src(%dma_wait3A_50 : memref<20480x128xf32, #tpu.memory_space<hbm>>) dst(%arg9 : memref<128x128xf32, #tpu.memory_space<vmem>>)
      "tpu.region"() ({
        %run_scoped3A_73 = tpu.sem_alloc : memref<!tpu.dma_semaphore, #tpu.memory_space<semaphore_mem>>
        %dma_start3A_74 = arith.constant 0 : i32
        %dma_start3A_75 = tpu.memref_slice %arg8[%add3A_44, %dma_start3A_74] : memref<40x128xi32, #tpu.memory_space<vmem>> -> memref<1x128xi32, #tpu.memory_space<vmem>>
        %dma_start3A_76 = tpu.memref_squeeze %dma_start3A_75 : memref<1x128xi32, #tpu.memory_space<vmem>> -> memref<128xi32, #tpu.memory_space<vmem>>
        %dma_start3A_77 = arith.constant 0 : i32
        %dma_start3A_78 = arith.constant 0 : i32
        %dma_start3A_79 = tpu.memref_slice %arg11[%dma_start3A_77, %dma_start3A_78] : memref<10240x128xf32, #tpu.memory_space<vmem_shared>> -> memref<10240x128xf32, #tpu.memory_space<vmem_shared>>
        tpu.enqueue_indirect_dma source(%arg9 : memref<128x128xf32, #tpu.memory_space<vmem>>) target(%dma_start3A_79 : memref<10240x128xf32, #tpu.memory_space<vmem_shared>>) offsets(%dma_start3A_76 : memref<128xi32, #tpu.memory_space<vmem>>) semaphore(%run_scoped3A_73 : memref<!tpu.dma_semaphore, #tpu.memory_space<semaphore_mem>>) {add = true}
        %dma_wait3A_80 = arith.constant 0 : i32
        %dma_wait3A_81 = tpu.memref_slice %arg8[%add3A_44, %dma_wait3A_80] : memref<40x128xi32, #tpu.memory_space<vmem>> -> memref<1x128xi32, #tpu.memory_space<vmem>>
        %dma_wait3A_82 = tpu.memref_squeeze %dma_wait3A_81 : memref<1x128xi32, #tpu.memory_space<vmem>> -> memref<128xi32, #tpu.memory_space<vmem>>
        %dma_wait3A_83 = arith.constant 0 : i32
        %dma_wait3A_84 = arith.constant 0 : i32
        %dma_wait3A_85 = tpu.memref_slice %arg11[%dma_wait3A_83, %dma_wait3A_84] : memref<10240x128xf32, #tpu.memory_space<vmem_shared>> -> memref<10240x128xf32, #tpu.memory_space<vmem_shared>>
        tpu.wait_indirect_dma semaphore(%run_scoped3A_73 : memref<!tpu.dma_semaphore, #tpu.memory_space<semaphore_mem>>) src(%arg9 : memref<128x128xf32, #tpu.memory_space<vmem>>) dst(%dma_wait3A_85 : memref<10240x128xf32, #tpu.memory_space<vmem_shared>>)
        tpu.yield
      }) : () -> ()
      %add3A_51 = arith.constant 2 : i32
      %add3A_52 = arith.addi %add3A_44, %add3A_51 : i32
      %lt3A = arith.constant 40 : i32
      %lt3A_53 = arith.cmpi slt, %add3A_52, %lt3A : i32
      %convert_element_type3A = arith.extui %lt3A_53 : i1 to i32
      %cond3A = arith.constant 0 : i32
      %cond3A_54 = arith.cmpi ne, %convert_element_type3A, %cond3A : i32
      scf.if %cond3A_54 {
        %add3A_73 = arith.constant 2 : i32
        %add3A_74 = arith.addi %add3A_44, %add3A_73 : i32
        %mul3A_75 = arith.constant 128 : i32
        %mul3A_76 = arith.muli %add3A_74, %mul3A_75 : i32
        %multiple_of3A_77 = tpu.assume_multiple %mul3A_76, 128 : i32
        %dma_start3A_78 = tpu.memref_slice %arg7[%multiple_of3A_77] : memref<5120xi32, #tpu.memory_space<vmem>> -> memref<128xi32, #tpu.memory_space<vmem>>
        %dma_start3A_79 = arith.constant 0 : i32
        %dma_start3A_80 = arith.constant 0 : i32
        %dma_start3A_81 = tpu.memref_slice %arg2[%dma_start3A_79, %dma_start3A_80] : memref<20480x128xf32, #tpu.memory_space<hbm>> -> memref<20480x128xf32, #tpu.memory_space<hbm>>
        tpu.enqueue_indirect_dma source(%dma_start3A_81 : memref<20480x128xf32, #tpu.memory_space<hbm>>) target(%arg9 : memref<128x128xf32, #tpu.memory_space<vmem>>) offsets(%dma_start3A_78 : memref<128xi32, #tpu.memory_space<vmem>>) semaphore(%arg12 : memref<!tpu.dma_semaphore, #tpu.memory_space<semaphore_mem>>)
      } else {
      }
      %mul3A_55 = arith.constant 2 : i32
      %mul3A_56 = arith.muli %mul3A_55, %add3A_40 : i32
      %add3A_57 = arith.constant 1 : i32
      %add3A_58 = arith.addi %mul3A_56, %add3A_57 : i32
      %mul3A_59 = arith.constant 128 : i32
      %mul3A_60 = arith.muli %add3A_58, %mul3A_59 : i32
      %multiple_of3A_61 = tpu.assume_multiple %mul3A_60, 128 : i32
      %dma_wait3A_62 = tpu.memref_slice %arg7[%multiple_of3A_61] : memref<5120xi32, #tpu.memory_space<vmem>> -> memref<128xi32, #tpu.memory_space<vmem>>
      %dma_wait3A_63 = arith.constant 0 : i32
      %dma_wait3A_64 = arith.constant 0 : i32
      %dma_wait3A_65 = tpu.memref_slice %arg2[%dma_wait3A_63, %dma_wait3A_64] : memref<20480x128xf32, #tpu.memory_space<hbm>> -> memref<20480x128xf32, #tpu.memory_space<hbm>>
      tpu.wait_indirect_dma semaphore(%arg13 : memref<!tpu.dma_semaphore, #tpu.memory_space<semaphore_mem>>) src(%dma_wait3A_65 : memref<20480x128xf32, #tpu.memory_space<hbm>>) dst(%arg10 : memref<128x128xf32, #tpu.memory_space<vmem>>)
      "tpu.region"() ({
        %run_scoped3A_73 = tpu.sem_alloc : memref<!tpu.dma_semaphore, #tpu.memory_space<semaphore_mem>>
        %dma_start3A_74 = arith.constant 0 : i32
        %dma_start3A_75 = tpu.memref_slice %arg8[%add3A_58, %dma_start3A_74] : memref<40x128xi32, #tpu.memory_space<vmem>> -> memref<1x128xi32, #tpu.memory_space<vmem>>
        %dma_start3A_76 = tpu.memref_squeeze %dma_start3A_75 : memref<1x128xi32, #tpu.memory_space<vmem>> -> memref<128xi32, #tpu.memory_space<vmem>>
        %dma_start3A_77 = arith.constant 0 : i32
        %dma_start3A_78 = arith.constant 0 : i32
        %dma_start3A_79 = tpu.memref_slice %arg11[%dma_start3A_77, %dma_start3A_78] : memref<10240x128xf32, #tpu.memory_space<vmem_shared>> -> memref<10240x128xf32, #tpu.memory_space<vmem_shared>>
        tpu.enqueue_indirect_dma source(%arg10 : memref<128x128xf32, #tpu.memory_space<vmem>>) target(%dma_start3A_79 : memref<10240x128xf32, #tpu.memory_space<vmem_shared>>) offsets(%dma_start3A_76 : memref<128xi32, #tpu.memory_space<vmem>>) semaphore(%run_scoped3A_73 : memref<!tpu.dma_semaphore, #tpu.memory_space<semaphore_mem>>) {add = true}
        %dma_wait3A_80 = arith.constant 0 : i32
        %dma_wait3A_81 = tpu.memref_slice %arg8[%add3A_58, %dma_wait3A_80] : memref<40x128xi32, #tpu.memory_space<vmem>> -> memref<1x128xi32, #tpu.memory_space<vmem>>
        %dma_wait3A_82 = tpu.memref_squeeze %dma_wait3A_81 : memref<1x128xi32, #tpu.memory_space<vmem>> -> memref<128xi32, #tpu.memory_space<vmem>>
        %dma_wait3A_83 = arith.constant 0 : i32
        %dma_wait3A_84 = arith.constant 0 : i32
        %dma_wait3A_85 = tpu.memref_slice %arg11[%dma_wait3A_83, %dma_wait3A_84] : memref<10240x128xf32, #tpu.memory_space<vmem_shared>> -> memref<10240x128xf32, #tpu.memory_space<vmem_shared>>
        tpu.wait_indirect_dma semaphore(%run_scoped3A_73 : memref<!tpu.dma_semaphore, #tpu.memory_space<semaphore_mem>>) src(%arg10 : memref<128x128xf32, #tpu.memory_space<vmem>>) dst(%dma_wait3A_85 : memref<10240x128xf32, #tpu.memory_space<vmem_shared>>)
        tpu.yield
      }) : () -> ()
      %add3A_66 = arith.constant 2 : i32
      %add3A_67 = arith.addi %add3A_58, %add3A_66 : i32
      %lt3A_68 = arith.constant 40 : i32
      %lt3A_69 = arith.cmpi slt, %add3A_67, %lt3A_68 : i32
      %convert_element_type3A_70 = arith.extui %lt3A_69 : i1 to i32
      %cond3A_71 = arith.constant 0 : i32
      %cond3A_72 = arith.cmpi ne, %convert_element_type3A_70, %cond3A_71 : i32
      scf.if %cond3A_72 {
        %add3A_73 = arith.constant 2 : i32
        %add3A_74 = arith.addi %add3A_58, %add3A_73 : i32
        %mul3A_75 = arith.constant 128 : i32
        %mul3A_76 = arith.muli %add3A_74, %mul3A_75 : i32
        %multiple_of3A_77 = tpu.assume_multiple %mul3A_76, 128 : i32
        %dma_start3A_78 = tpu.memref_slice %arg7[%multiple_of3A_77] : memref<5120xi32, #tpu.memory_space<vmem>> -> memref<128xi32, #tpu.memory_space<vmem>>
        %dma_start3A_79 = arith.constant 0 : i32
        %dma_start3A_80 = arith.constant 0 : i32
        %dma_start3A_81 = tpu.memref_slice %arg2[%dma_start3A_79, %dma_start3A_80] : memref<20480x128xf32, #tpu.memory_space<hbm>> -> memref<20480x128xf32, #tpu.memory_space<hbm>>
        tpu.enqueue_indirect_dma source(%dma_start3A_81 : memref<20480x128xf32, #tpu.memory_space<hbm>>) target(%arg10 : memref<128x128xf32, #tpu.memory_space<vmem>>) offsets(%dma_start3A_78 : memref<128xi32, #tpu.memory_space<vmem>>) semaphore(%arg13 : memref<!tpu.dma_semaphore, #tpu.memory_space<semaphore_mem>>)
      } else {
      }
    }
    %scan3A_35 = arith.constant 20 : i32
    %barrier3A_36 = arith.constant 0 : index
    tpu.barrier barrier_id(%barrier3A_36)
    "tpu.region"() ({
      %run_scoped3A_37 = tpu.sem_alloc : memref<!tpu.dma_semaphore, #tpu.memory_space<semaphore_mem>>
      %dma_start3A_38 = arith.constant 0 : i32
      %dma_start3A_39 = arith.constant 0 : i32
      %dma_start3A_40 = arith.constant 0 : i32
      %dma_start3A_41 = tpu.memref_slice %arg6[%arg0, %dma_start3A_38, %dma_start3A_39, %dma_start3A_40] : memref<2x16x640x128xf32, #tpu.memory_space<hbm>> -> memref<1x16x640x128xf32, #tpu.memory_space<hbm>>
      %dma_start3A_42 = tpu.memref_squeeze %dma_start3A_41 : memref<1x16x640x128xf32, #tpu.memory_space<hbm>> -> memref<16x640x128xf32, #tpu.memory_space<hbm>>
      %dma_start3A_43 = arith.constant 0 : i32
      %dma_start3A_44 = arith.constant 0 : i32
      %dma_start3A_45 = tpu.memref_slice %dma_start3A_42[%arg1, %dma_start3A_43, %dma_start3A_44] : memref<16x640x128xf32, #tpu.memory_space<hbm>> -> memref<1x640x128xf32, #tpu.memory_space<hbm>>
      %dma_start3A_46 = tpu.memref_squeeze %dma_start3A_45 : memref<1x640x128xf32, #tpu.memory_space<hbm>> -> memref<640x128xf32, #tpu.memory_space<hbm>>
      %dma_start3A_47 = arith.constant 0 : i32
      %dma_start3A_48 = tpu.memref_slice %arg11[%multiple_of3A, %dma_start3A_47] : memref<10240x128xf32, #tpu.memory_space<vmem_shared>> -> memref<640x128xf32, #tpu.memory_space<vmem_shared>>
      tpu.enqueue_dma source(%dma_start3A_48 : memref<640x128xf32, #tpu.memory_space<vmem_shared>>) target(%dma_start3A_46 : memref<640x128xf32, #tpu.memory_space<hbm>>) target_semaphore(%run_scoped3A_37 : memref<!tpu.dma_semaphore, #tpu.memory_space<semaphore_mem>>)
      %dma_wait3A = arith.constant 0 : i32
      %dma_wait3A_49 = arith.constant 0 : i32
      %dma_wait3A_50 = arith.constant 0 : i32
      %dma_wait3A_51 = tpu.memref_slice %arg6[%arg0, %dma_wait3A, %dma_wait3A_49, %dma_wait3A_50] : memref<2x16x640x128xf32, #tpu.memory_space<hbm>> -> memref<1x16x640x128xf32, #tpu.memory_space<hbm>>
      %dma_wait3A_52 = tpu.memref_squeeze %dma_wait3A_51 : memref<1x16x640x128xf32, #tpu.memory_space<hbm>> -> memref<16x640x128xf32, #tpu.memory_space<hbm>>
      %dma_wait3A_53 = arith.constant 0 : i32
      %dma_wait3A_54 = arith.constant 0 : i32
      %dma_wait3A_55 = tpu.memref_slice %dma_wait3A_52[%arg1, %dma_wait3A_53, %dma_wait3A_54] : memref<16x640x128xf32, #tpu.memory_space<hbm>> -> memref<1x640x128xf32, #tpu.memory_space<hbm>>
      %dma_wait3A_56 = tpu.memref_squeeze %dma_wait3A_55 : memref<1x640x128xf32, #tpu.memory_space<hbm>> -> memref<640x128xf32, #tpu.memory_space<hbm>>
      %dma_wait3A_57 = arith.constant 0 : i32
      %dma_wait3A_58 = tpu.memref_slice %arg11[%multiple_of3A, %dma_wait3A_57] : memref<10240x128xf32, #tpu.memory_space<vmem_shared>> -> memref<640x128xf32, #tpu.memory_space<vmem_shared>>
      tpu.wait_dma2 semaphore(%run_scoped3A_37 : memref<!tpu.dma_semaphore, #tpu.memory_space<semaphore_mem>>) src(%dma_wait3A_58 : memref<640x128xf32, #tpu.memory_space<vmem_shared>>) dst(%dma_wait3A_56 : memref<640x128xf32, #tpu.memory_space<hbm>>)
      tpu.yield
    }) : () -> ()
    return
  }
}

module attributes {stable_mosaic.version = 14 : i64} {
  func.func @_tc_mm1_body(%arg0: i32, %arg1: memref<2000x256xf32, #tpu.memory_space<vmem>>, %arg2: memref<256x256xf32, #tpu.memory_space<vmem>>, %arg3: memref<2x2000x128xf32, #tpu.memory_space<vmem>>) attributes {dimension_semantics = [#tpu.dimension_semantics<arbitrary>], iteration_bounds = array<i64: 5>, scalar_prefetch = 0 : i64, scratch_operands = 0 : i64, tpu.core_type = #tpu.core_type<tc>, window_params = [{transform_indices = @transform_0, window_bounds = array<i64: 2000, 256>}, {pipeline_mode = #tpu.pipeline_mode<synchronous>, transform_indices = @transform_1, window_bounds = array<i64: 256, 256>}, {transform_indices = @transform_2, window_bounds = array<i64: 2, 2000, 128>}]} {
    %get3A = arith.constant 0 : index
    %get3A_0 = arith.constant 0 : index
    %get3A_1 = vector.load %arg1[%get3A, %get3A_0] : memref<2000x256xf32, #tpu.memory_space<vmem>>, vector<2000x256xf32>
    %get3A_2 = arith.constant 0 : index
    %get3A_3 = arith.constant 0 : index
    %get3A_4 = vector.load %arg2[%get3A_2, %get3A_3] : memref<256x256xf32, #tpu.memory_space<vmem>>, vector<256x256xf32>
    %dot_general3A = arith.constant dense<0.000000e+00> : vector<2000x256xf32>
    %dot_general3A_5 = tpu.matmul %get3A_1, %get3A_4, %dot_general3A {dimension_numbers = #tpu.dot_dimension_numbers<[1], [0], [0], [1], [0, 0, 1, 1], [], []>, transpose_lhs_hint = false} : vector<2000x256xf32>, vector<256x256xf32>, vector<2000x256xf32> -> vector<2000x256xf32>
    %slice3A = vector.extract_strided_slice %dot_general3A_5 {offsets = [0, 0], sizes = [2000, 128], strides = [1, 1]} : vector<2000x256xf32> to vector<2000x128xf32>
    %swap3A = arith.constant 0 : index
    %swap3A_6 = arith.constant 0 : index
    %swap3A_7 = arith.constant 0 : index
    %swap3A_8 = vector.load %arg3[%swap3A, %swap3A_6, %swap3A_7] : memref<2x2000x128xf32, #tpu.memory_space<vmem>>, vector<1x2000x128xf32>
    %swap3A_9 = vector.shape_cast %swap3A_8 : vector<1x2000x128xf32> to vector<2000x128xf32>
    %swap3A_10 = vector.shape_cast %slice3A : vector<2000x128xf32> to vector<1x2000x128xf32>
    tpu.vector_store %arg3[%swap3A, %swap3A_6, %swap3A_7], %swap3A_10 {strides = array<i32>} : memref<2x2000x128xf32, #tpu.memory_space<vmem>>, vector<1x2000x128xf32>,
    %slice3A_11 = vector.extract_strided_slice %dot_general3A_5 {offsets = [0, 128], sizes = [2000, 128], strides = [1, 1]} : vector<2000x256xf32> to vector<2000x128xf32>
    %swap3A_12 = arith.constant 1 : index
    %swap3A_13 = arith.constant 0 : index
    %swap3A_14 = arith.constant 0 : index
    %swap3A_15 = vector.load %arg3[%swap3A_12, %swap3A_13, %swap3A_14] : memref<2x2000x128xf32, #tpu.memory_space<vmem>>, vector<1x2000x128xf32>
    %swap3A_16 = vector.shape_cast %swap3A_15 : vector<1x2000x128xf32> to vector<2000x128xf32>
    %swap3A_17 = vector.shape_cast %slice3A_11 : vector<2000x128xf32> to vector<1x2000x128xf32>
    tpu.vector_store %arg3[%swap3A_12, %swap3A_13, %swap3A_14], %swap3A_17 {strides = array<i32>} : memref<2x2000x128xf32, #tpu.memory_space<vmem>>, vector<1x2000x128xf32>,
    return
  }
  func.func @transform_0(%arg0: i32) -> (i32, i32) {
    %c0_i32 = arith.constant 0 : i32
    %c0_i32_0 = arith.constant 0 : i32
    return %arg0, %c0_i32 : i32, i32
  }
  func.func @transform_1(%arg0: i32) -> (i32, i32) {
    %c0_i32 = arith.constant 0 : i32
    %c0_i32_0 = arith.constant 0 : i32
    %c0_i32_1 = arith.constant 0 : i32
    return %c0_i32, %c0_i32_0 : i32, i32
  }
  func.func @transform_2(%arg0: i32) -> (i32, i32, i32) {
    %c0_i32 = arith.constant 0 : i32
    %c0_i32_0 = arith.constant 0 : i32
    %c0_i32_1 = arith.constant 0 : i32
    return %c0_i32, %arg0, %c0_i32_0 : i32, i32, i32
  }
}

module attributes {stable_mosaic.version = 14 : i64} {
  func.func @_tc_scale_body(%arg0: i32, %arg1: memref<2x2000x128xf32, #tpu.memory_space<vmem>>, %arg2: memref<2000x128xf32, #tpu.memory_space<vmem>>, %arg3: memref<2x2000x128xf32, #tpu.memory_space<vmem>>) attributes {dimension_semantics = [#tpu.dimension_semantics<arbitrary>], iteration_bounds = array<i64: 5>, scalar_prefetch = 0 : i64, scratch_operands = 0 : i64, tpu.core_type = #tpu.core_type<tc>, window_params = [{transform_indices = @transform_0, window_bounds = array<i64: 2, 2000, 128>}, {transform_indices = @transform_1, window_bounds = array<i64: 2000, 128>}, {transform_indices = @transform_2, window_bounds = array<i64: 2, 2000, 128>}]} {
    %get3A = arith.constant 0 : index
    %get3A_0 = arith.constant 0 : index
    %get3A_1 = vector.load %arg2[%get3A, %get3A_0] : memref<2000x128xf32, #tpu.memory_space<vmem>>, vector<2000x1xf32>
    %max3A = arith.constant 1.000000e+00 : f32
    %max3A_2 = vector.broadcast %max3A : f32 to vector<2000x1xf32>
    %max3A_3 = arith.maximumf %get3A_1, %max3A_2 : vector<2000x1xf32>
    %rsqrt3A = math.rsqrt %max3A_3 : vector<2000x1xf32>
    %get3A_4 = arith.constant 0 : index
    %get3A_5 = arith.constant 0 : index
    %get3A_6 = arith.constant 0 : index
    %get3A_7 = vector.load %arg1[%get3A_4, %get3A_5, %get3A_6] : memref<2x2000x128xf32, #tpu.memory_space<vmem>>, vector<1x2000x128xf32>
    %get3A_8 = vector.shape_cast %get3A_7 : vector<1x2000x128xf32> to vector<2000x128xf32>
    %mul3A = vector.broadcast %rsqrt3A : vector<2000x1xf32> to vector<2000x128xf32>
    %mul3A_9 = arith.mulf %get3A_8, %mul3A : vector<2000x128xf32>
    %swap3A = arith.constant 0 : index
    %swap3A_10 = arith.constant 0 : index
    %swap3A_11 = arith.constant 0 : index
    %swap3A_12 = vector.load %arg3[%swap3A, %swap3A_10, %swap3A_11] : memref<2x2000x128xf32, #tpu.memory_space<vmem>>, vector<1x2000x128xf32>
    %swap3A_13 = vector.shape_cast %swap3A_12 : vector<1x2000x128xf32> to vector<2000x128xf32>
    %swap3A_14 = vector.shape_cast %mul3A_9 : vector<2000x128xf32> to vector<1x2000x128xf32>
    tpu.vector_store %arg3[%swap3A, %swap3A_10, %swap3A_11], %swap3A_14 {strides = array<i32>} : memref<2x2000x128xf32, #tpu.memory_space<vmem>>, vector<1x2000x128xf32>,
    %get3A_15 = arith.constant 1 : index
    %get3A_16 = arith.constant 0 : index
    %get3A_17 = arith.constant 0 : index
    %get3A_18 = vector.load %arg1[%get3A_15, %get3A_16, %get3A_17] : memref<2x2000x128xf32, #tpu.memory_space<vmem>>, vector<1x2000x128xf32>
    %get3A_19 = vector.shape_cast %get3A_18 : vector<1x2000x128xf32> to vector<2000x128xf32>
    %mul3A_20 = vector.broadcast %rsqrt3A : vector<2000x1xf32> to vector<2000x128xf32>
    %mul3A_21 = arith.mulf %get3A_19, %mul3A_20 : vector<2000x128xf32>
    %swap3A_22 = arith.constant 1 : index
    %swap3A_23 = arith.constant 0 : index
    %swap3A_24 = arith.constant 0 : index
    %swap3A_25 = vector.load %arg3[%swap3A_22, %swap3A_23, %swap3A_24] : memref<2x2000x128xf32, #tpu.memory_space<vmem>>, vector<1x2000x128xf32>
    %swap3A_26 = vector.shape_cast %swap3A_25 : vector<1x2000x128xf32> to vector<2000x128xf32>
    %swap3A_27 = vector.shape_cast %mul3A_21 : vector<2000x128xf32> to vector<1x2000x128xf32>
    tpu.vector_store %arg3[%swap3A_22, %swap3A_23, %swap3A_24], %swap3A_27 {strides = array<i32>} : memref<2x2000x128xf32, #tpu.memory_space<vmem>>, vector<1x2000x128xf32>,
    return
  }
  func.func @transform_0(%arg0: i32) -> (i32, i32, i32) {
    %c0_i32 = arith.constant 0 : i32
    %c0_i32_0 = arith.constant 0 : i32
    %c0_i32_1 = arith.constant 0 : i32
    return %c0_i32, %arg0, %c0_i32_0 : i32, i32, i32
  }
  func.func @transform_1(%arg0: i32) -> (i32, i32) {
    %c0_i32 = arith.constant 0 : i32
    %c0_i32_0 = arith.constant 0 : i32
    return %arg0, %c0_i32 : i32, i32
  }
  func.func @transform_2(%arg0: i32) -> (i32, i32, i32) {
    %c0_i32 = arith.constant 0 : i32
    %c0_i32_0 = arith.constant 0 : i32
    %c0_i32_1 = arith.constant 0 : i32
    return %c0_i32, %arg0, %c0_i32_0 : i32, i32, i32
  }
}

module attributes {stable_mosaic.version = 14 : i64} {
  func.func @_tc_last_body(%arg0: i32, %arg1: memref<2x2048x128xf32, #tpu.memory_space<vmem>>, %arg2: memref<2048x128xf32, #tpu.memory_space<vmem>>, %arg3: memref<1x256xf32, #tpu.memory_space<vmem>>, %arg4: memref<2048x256xf32, #tpu.memory_space<vmem>>) attributes {dimension_semantics = [#tpu.dimension_semantics<arbitrary>], iteration_bounds = array<i64: 5>, scalar_prefetch = 0 : i64, scratch_operands = 0 : i64, tpu.core_type = #tpu.core_type<tc>, window_params = [{transform_indices = @transform_0, window_bounds = array<i64: 2, 2048, 128>}, {transform_indices = @transform_1, window_bounds = array<i64: 2048, 128>}, {pipeline_mode = #tpu.pipeline_mode<synchronous>, transform_indices = @transform_2, window_bounds = array<i64: 1, 256>}, {transform_indices = @transform_3, window_bounds = array<i64: 2048, 256>}]} {
    %get3A = arith.constant 0 : index
    %get3A_0 = arith.constant 0 : index
    %get3A_1 = vector.load %arg2[%get3A, %get3A_0] : memref<2048x128xf32, #tpu.memory_space<vmem>>, vector<2048x1xf32>
    %max3A = arith.constant 1.000000e+00 : f32
    %max3A_2 = vector.broadcast %max3A : f32 to vector<2048x1xf32>
    %max3A_3 = arith.maximumf %get3A_1, %max3A_2 : vector<2048x1xf32>
    %rsqrt3A = math.rsqrt %max3A_3 : vector<2048x1xf32>
    %get3A_4 = arith.constant 0 : index
    %get3A_5 = arith.constant 0 : index
    %get3A_6 = arith.constant 0 : index
    %get3A_7 = vector.load %arg1[%get3A_4, %get3A_5, %get3A_6] : memref<2x2048x128xf32, #tpu.memory_space<vmem>>, vector<1x2048x128xf32>
    %get3A_8 = vector.shape_cast %get3A_7 : vector<1x2048x128xf32> to vector<2048x128xf32>
    %mul3A = vector.broadcast %rsqrt3A : vector<2048x1xf32> to vector<2048x128xf32>
    %mul3A_9 = arith.mulf %get3A_8, %mul3A : vector<2048x128xf32>
    %get3A_10 = arith.constant 0 : index
    %get3A_11 = arith.constant 0 : index
    %get3A_12 = vector.load %arg3[%get3A_10, %get3A_11] : memref<1x256xf32, #tpu.memory_space<vmem>>, vector<1x128xf32>
    %add3A = vector.broadcast %get3A_12 : vector<1x128xf32> to vector<2048x128xf32>
    %add3A_13 = arith.addf %mul3A_9, %add3A : vector<2048x128xf32>
    %max3A_14 = arith.constant 0.000000e+00 : f32
    %max3A_15 = vector.broadcast %max3A_14 : f32 to vector<2048x128xf32>
    %max3A_16 = arith.maximumf %add3A_13, %max3A_15 : vector<2048x128xf32>
    %swap3A = arith.constant 0 : index
    %swap3A_17 = arith.constant 0 : index
    %swap3A_18 = vector.load %arg4[%swap3A, %swap3A_17] : memref<2048x256xf32, #tpu.memory_space<vmem>>, vector<2048x128xf32>
    tpu.vector_store %arg4[%swap3A, %swap3A_17], %max3A_16 {strides = array<i32>} : memref<2048x256xf32, #tpu.memory_space<vmem>>, vector<2048x128xf32>,
    %get3A_19 = arith.constant 1 : index
    %get3A_20 = arith.constant 0 : index
    %get3A_21 = arith.constant 0 : index
    %get3A_22 = vector.load %arg1[%get3A_19, %get3A_20, %get3A_21] : memref<2x2048x128xf32, #tpu.memory_space<vmem>>, vector<1x2048x128xf32>
    %get3A_23 = vector.shape_cast %get3A_22 : vector<1x2048x128xf32> to vector<2048x128xf32>
    %mul3A_24 = vector.broadcast %rsqrt3A : vector<2048x1xf32> to vector<2048x128xf32>
    %mul3A_25 = arith.mulf %get3A_23, %mul3A_24 : vector<2048x128xf32>
    %get3A_26 = arith.constant 0 : index
    %get3A_27 = arith.constant 128 : index
    %get3A_28 = vector.load %arg3[%get3A_26, %get3A_27] : memref<1x256xf32, #tpu.memory_space<vmem>>, vector<1x128xf32>
    %add3A_29 = vector.broadcast %get3A_28 : vector<1x128xf32> to vector<2048x128xf32>
    %add3A_30 = arith.addf %mul3A_25, %add3A_29 : vector<2048x128xf32>
    %max3A_31 = arith.constant 0.000000e+00 : f32
    %max3A_32 = vector.broadcast %max3A_31 : f32 to vector<2048x128xf32>
    %max3A_33 = arith.maximumf %add3A_30, %max3A_32 : vector<2048x128xf32>
    %swap3A_34 = arith.constant 0 : index
    %swap3A_35 = arith.constant 128 : index
    %swap3A_36 = vector.load %arg4[%swap3A_34, %swap3A_35] : memref<2048x256xf32, #tpu.memory_space<vmem>>, vector<2048x128xf32>
    tpu.vector_store %arg4[%swap3A_34, %swap3A_35], %max3A_33 {strides = array<i32>} : memref<2048x256xf32, #tpu.memory_space<vmem>>, vector<2048x128xf32>,
    return
  }
  func.func @transform_0(%arg0: i32) -> (i32, i32, i32) {
    %c0_i32 = arith.constant 0 : i32
    %c0_i32_0 = arith.constant 0 : i32
    %c0_i32_1 = arith.constant 0 : i32
    return %c0_i32, %arg0, %c0_i32_0 : i32, i32, i32
  }
  func.func @transform_1(%arg0: i32) -> (i32, i32) {
    %c0_i32 = arith.constant 0 : i32
    %c0_i32_0 = arith.constant 0 : i32
    return %arg0, %c0_i32 : i32, i32
  }
  func.func @transform_2(%arg0: i32) -> (i32, i32) {
    %c0_i32 = arith.constant 0 : i32
    %c0_i32_0 = arith.constant 0 : i32
    %c0_i32_1 = arith.constant 0 : i32
    return %c0_i32, %c0_i32_0 : i32, i32
  }
  func.func @transform_3(%arg0: i32) -> (i32, i32) {
    %c0_i32 = arith.constant 0 : i32
    %c0_i32_0 = arith.constant 0 : i32
    return %arg0, %c0_i32 : i32, i32
  }
}

module attributes {stable_mosaic.version = 14 : i64} {
  func.func @_tc_mid_body(%arg0: i32, %arg1: memref<2x2048x128xf32, #tpu.memory_space<vmem>>, %arg2: memref<2048x128xf32, #tpu.memory_space<vmem>>, %arg3: memref<2048x128xf32, #tpu.memory_space<vmem>>, %arg4: memref<1x256xf32, #tpu.memory_space<vmem>>, %arg5: memref<256x256xf32, #tpu.memory_space<vmem>>, %arg6: memref<2x2048x128xf32, #tpu.memory_space<vmem>>) attributes {dimension_semantics = [#tpu.dimension_semantics<arbitrary>], iteration_bounds = array<i64: 5>, scalar_prefetch = 0 : i64, scratch_operands = 0 : i64, tpu.core_type = #tpu.core_type<tc>, window_params = [{transform_indices = @transform_0, window_bounds = array<i64: 2, 2048, 128>}, {transform_indices = @transform_1, window_bounds = array<i64: 2048, 128>}, {transform_indices = @transform_2, window_bounds = array<i64: 2048, 128>}, {pipeline_mode = #tpu.pipeline_mode<synchronous>, transform_indices = @transform_3, window_bounds = array<i64: 1, 256>}, {pipeline_mode = #tpu.pipeline_mode<synchronous>, transform_indices = @transform_4, window_bounds = array<i64: 256, 256>}, {transform_indices = @transform_5, window_bounds = array<i64: 2, 2048, 128>}]} {
    %get3A = arith.constant 0 : index
    %get3A_0 = arith.constant 0 : index
    %get3A_1 = vector.load %arg2[%get3A, %get3A_0] : memref<2048x128xf32, #tpu.memory_space<vmem>>, vector<2048x1xf32>
    %max3A = arith.constant 1.000000e+00 : f32
    %max3A_2 = vector.broadcast %max3A : f32 to vector<2048x1xf32>
    %max3A_3 = arith.maximumf %get3A_1, %max3A_2 : vector<2048x1xf32>
    %rsqrt3A = math.rsqrt %max3A_3 : vector<2048x1xf32>
    %get3A_4 = arith.constant 0 : index
    %get3A_5 = arith.constant 0 : index
    %get3A_6 = vector.load %arg3[%get3A_4, %get3A_5] : memref<2048x128xf32, #tpu.memory_space<vmem>>, vector<2048x1xf32>
    %max3A_7 = arith.constant 1.000000e+00 : f32
    %max3A_8 = vector.broadcast %max3A_7 : f32 to vector<2048x1xf32>
    %max3A_9 = arith.maximumf %get3A_6, %max3A_8 : vector<2048x1xf32>
    %rsqrt3A_10 = math.rsqrt %max3A_9 : vector<2048x1xf32>
    %get3A_11 = arith.constant 0 : index
    %get3A_12 = arith.constant 0 : index
    %get3A_13 = arith.constant 0 : index
    %get3A_14 = vector.load %arg1[%get3A_11, %get3A_12, %get3A_13] : memref<2x2048x128xf32, #tpu.memory_space<vmem>>, vector<1x2048x128xf32>
    %get3A_15 = vector.shape_cast %get3A_14 : vector<1x2048x128xf32> to vector<2048x128xf32>
    %mul3A = vector.broadcast %rsqrt3A : vector<2048x1xf32> to vector<2048x128xf32>
    %mul3A_16 = arith.mulf %get3A_15, %mul3A : vector<2048x128xf32>
    %get3A_17 = arith.constant 0 : index
    %get3A_18 = arith.constant 0 : index
    %get3A_19 = vector.load %arg4[%get3A_17, %get3A_18] : memref<1x256xf32, #tpu.memory_space<vmem>>, vector<1x128xf32>
    %add3A = vector.broadcast %get3A_19 : vector<1x128xf32> to vector<2048x128xf32>
    %add3A_20 = arith.addf %mul3A_16, %add3A : vector<2048x128xf32>
    %max3A_21 = arith.constant 0.000000e+00 : f32
    %max3A_22 = vector.broadcast %max3A_21 : f32 to vector<2048x128xf32>
    %max3A_23 = arith.maximumf %add3A_20, %max3A_22 : vector<2048x128xf32>
    %mul3A_24 = vector.broadcast %rsqrt3A_10 : vector<2048x1xf32> to vector<2048x128xf32>
    %mul3A_25 = arith.mulf %max3A_23, %mul3A_24 : vector<2048x128xf32>
    %get3A_26 = arith.constant 1 : index
    %get3A_27 = arith.constant 0 : index
    %get3A_28 = arith.constant 0 : index
    %get3A_29 = vector.load %arg1[%get3A_26, %get3A_27, %get3A_28] : memref<2x2048x128xf32, #tpu.memory_space<vmem>>, vector<1x2048x128xf32>
    %get3A_30 = vector.shape_cast %get3A_29 : vector<1x2048x128xf32> to vector<2048x128xf32>
    %mul3A_31 = vector.broadcast %rsqrt3A : vector<2048x1xf32> to vector<2048x128xf32>
    %mul3A_32 = arith.mulf %get3A_30, %mul3A_31 : vector<2048x128xf32>
    %get3A_33 = arith.constant 0 : index
    %get3A_34 = arith.constant 128 : index
    %get3A_35 = vector.load %arg4[%get3A_33, %get3A_34] : memref<1x256xf32, #tpu.memory_space<vmem>>, vector<1x128xf32>
    %add3A_36 = vector.broadcast %get3A_35 : vector<1x128xf32> to vector<2048x128xf32>
    %add3A_37 = arith.addf %mul3A_32, %add3A_36 : vector<2048x128xf32>
    %max3A_38 = arith.constant 0.000000e+00 : f32
    %max3A_39 = vector.broadcast %max3A_38 : f32 to vector<2048x128xf32>
    %max3A_40 = arith.maximumf %add3A_37, %max3A_39 : vector<2048x128xf32>
    %mul3A_41 = vector.broadcast %rsqrt3A_10 : vector<2048x1xf32> to vector<2048x128xf32>
    %mul3A_42 = arith.mulf %max3A_40, %mul3A_41 : vector<2048x128xf32>
    %get3A_43 = arith.constant 0 : index
    %get3A_44 = arith.constant 0 : index
    %get3A_45 = vector.load %arg5[%get3A_43, %get3A_44] : memref<256x256xf32, #tpu.memory_space<vmem>>, vector<128x256xf32>
    %dot_general3A = arith.constant dense<0.000000e+00> : vector<2048x256xf32>
    %dot_general3A_46 = tpu.matmul %mul3A_25, %get3A_45, %dot_general3A {dimension_numbers = #tpu.dot_dimension_numbers<[1], [0], [0], [1], [0, 0, 1, 1], [], []>, transpose_lhs_hint = false} : vector<2048x128xf32>, vector<128x256xf32>, vector<2048x256xf32> -> vector<2048x256xf32>
    %get3A_47 = arith.constant 128 : index
    %get3A_48 = arith.constant 0 : index
    %get3A_49 = vector.load %arg5[%get3A_47, %get3A_48] : memref<256x256xf32, #tpu.memory_space<vmem>>, vector<128x256xf32>
    %dot_general3A_50 = arith.constant dense<0.000000e+00> : vector<2048x256xf32>
    %dot_general3A_51 = tpu.matmul %mul3A_42, %get3A_49, %dot_general3A_50 {dimension_numbers = #tpu.dot_dimension_numbers<[1], [0], [0], [1], [0, 0, 1, 1], [], []>, transpose_lhs_hint = false} : vector<2048x128xf32>, vector<128x256xf32>, vector<2048x256xf32> -> vector<2048x256xf32>
    %add3A_52 = arith.addf %dot_general3A_46, %dot_general3A_51 : vector<2048x256xf32>
    %slice3A = vector.extract_strided_slice %add3A_52 {offsets = [0, 0], sizes = [2048, 128], strides = [1, 1]} : vector<2048x256xf32> to vector<2048x128xf32>
    %swap3A = arith.constant 0 : index
    %swap3A_53 = arith.constant 0 : index
    %swap3A_54 = arith.constant 0 : index
    %swap3A_55 = vector.load %arg6[%swap3A, %swap3A_53, %swap3A_54] : memref<2x2048x128xf32, #tpu.memory_space<vmem>>, vector<1x2048x128xf32>
    %swap3A_56 = vector.shape_cast %swap3A_55 : vector<1x2048x128xf32> to vector<2048x128xf32>
    %swap3A_57 = vector.shape_cast %slice3A : vector<2048x128xf32> to vector<1x2048x128xf32>
    tpu.vector_store %arg6[%swap3A, %swap3A_53, %swap3A_54], %swap3A_57 {strides = array<i32>} : memref<2x2048x128xf32, #tpu.memory_space<vmem>>, vector<1x2048x128xf32>,
    %slice3A_58 = vector.extract_strided_slice %add3A_52 {offsets = [0, 128], sizes = [2048, 128], strides = [1, 1]} : vector<2048x256xf32> to vector<2048x128xf32>
    %swap3A_59 = arith.constant 1 : index
    %swap3A_60 = arith.constant 0 : index
    %swap3A_61 = arith.constant 0 : index
    %swap3A_62 = vector.load %arg6[%swap3A_59, %swap3A_60, %swap3A_61] : memref<2x2048x128xf32, #tpu.memory_space<vmem>>, vector<1x2048x128xf32>
    %swap3A_63 = vector.shape_cast %swap3A_62 : vector<1x2048x128xf32> to vector<2048x128xf32>
    %swap3A_64 = vector.shape_cast %slice3A_58 : vector<2048x128xf32> to vector<1x2048x128xf32>
    tpu.vector_store %arg6[%swap3A_59, %swap3A_60, %swap3A_61], %swap3A_64 {strides = array<i32>} : memref<2x2048x128xf32, #tpu.memory_space<vmem>>, vector<1x2048x128xf32>,
    return
  }
  func.func @transform_0(%arg0: i32) -> (i32, i32, i32) {
    %c0_i32 = arith.constant 0 : i32
    %c0_i32_0 = arith.constant 0 : i32
    %c0_i32_1 = arith.constant 0 : i32
    return %c0_i32, %arg0, %c0_i32_0 : i32, i32, i32
  }
  func.func @transform_1(%arg0: i32) -> (i32, i32) {
    %c0_i32 = arith.constant 0 : i32
    %c0_i32_0 = arith.constant 0 : i32
    return %arg0, %c0_i32 : i32, i32
  }
  func.func @transform_2(%arg0: i32) -> (i32, i32) {
    %c0_i32 = arith.constant 0 : i32
    %c0_i32_0 = arith.constant 0 : i32
    return %arg0, %c0_i32 : i32, i32
  }
  func.func @transform_3(%arg0: i32) -> (i32, i32) {
    %c0_i32 = arith.constant 0 : i32
    %c0_i32_0 = arith.constant 0 : i32
    %c0_i32_1 = arith.constant 0 : i32
    return %c0_i32, %c0_i32_0 : i32, i32
  }
  func.func @transform_4(%arg0: i32) -> (i32, i32) {
    %c0_i32 = arith.constant 0 : i32
    %c0_i32_0 = arith.constant 0 : i32
    %c0_i32_1 = arith.constant 0 : i32
    return %c0_i32, %c0_i32_0 : i32, i32
  }
  func.func @transform_5(%arg0: i32) -> (i32, i32, i32) {
    %c0_i32 = arith.constant 0 : i32
    %c0_i32_0 = arith.constant 0 : i32
    %c0_i32_1 = arith.constant 0 : i32
    return %c0_i32, %arg0, %c0_i32_0 : i32, i32, i32
  }
}

</mosaic_0001>

<sc_bundles>
// kernel: _run.11.cloned.1.call-start
scs
__scs_entry_jumppad:
0x0: {  	(pc) =	sbr.rel $0x88, $3  }
0x1: {  	(tag) =	ssettag $0x0;
	lr =	simm.s32 $0x1  }
0x2: {  	[smem:$0x3F99] =	sst lr;
	_ =	strace $0xD0000000  }
0x3: {  	_ = 	snop  }
0x4: {  	_ = 	snop  }
0x5: {  	_ = 	snop  }
0x6: {  	_ = 	snop  }
0x7: {  	_ = 	snop  }
__scs_overlays_trampoline_lowered:
0x8: {  	[smem:$0x3FA8] =	sst s0  }
0x9: {  	[smem:$0x3FA9] =	sst s1  }
0xa: {  	[smem:$0x3FAA] =	sst s2  }
0xb: {  	[smem:$0x3FAB] =	sst s3  }
0xc: {  	[smem:$0x3FAC] =	sst s4  }
0xd: {  	[smem:$0x3FAD] =	sst s5  }
0xe: {  	[smem:$0x3FAE] =	sst s6  }
0xf: {  	[smem:$0x3FAF] =	sst s7  }
0x10: {  	[smem:$0x3FB0] =	sst s8  }
0x11: {  	[smem:$0x3FB1] =	sst s9;
	s0 =	simm.s32 @!p0 $0x0  }
0x12: {  	s1 =	sld [smem:$0x3F97];
	s0 =	simm.s32 @p0 $0x1  }
0x13: {  	[smem:$0x3FB2] =	sst s0;
	s0 =	simm.s32 @!p1 $0x0  }
0x14: {  	s2 =	sld [smem:$0x3F96];
	s0 =	simm.s32 @p1 $0x1  }
0x15: {  	[smem:$0x3FB3] =	sst s0;
	s0 =	simm.s32 @!p2 $0x0  }
0x16: {  	s3 =	sld [smem:$0x3FDB];
	s0 =	simm.s32 @p2 $0x1  }
0x17: {  	s4 =	simm.s32 $0x1BF5;
	[smem:$0x3FB5] =	sst s0  }
0x18: {  	s0 =	sld [smem:$0x3F98];
	_ =	swait.ge [sflag:s4], $0x0  }
0x19: {  	s7 =	sld [smem:$0x3F99]  }
0x1a: {  	s8 =	sadd.s32 $0xFFFFE003, lr  }
0x1b: {  	s9 =	sadd.s32 $0xFFFFFEF7, lr;
	s5 =	simm.s32 $0xFFFFFFFF;
	p2 =	slt.u32 s8, $0xFFFFF086  }
0x1c: {  	p1 =	slt.u32 s9, $0xF7A;
	s5 =	simm.s32 @!p2 $0x0  }
0x1d: {  	s5 =	simm.s32 @p1 $0x1;
	p0 =	seq.s32 s7, s2  }
0x1e: {  	s7 =	smul.u32 @!p0 $0xF7A, s2;
	p2 =	seq.s32 @!p0 s5, $0x0  }
0x1f: {  	s9 =	smul.u32 $0xF7A, s1;
	s8 =	simm.s32 @!p0 $0x1BF5;
	p2 =	por !p2, p0  }
0x20: {  	[sflag:s8] =	ssyncset.s32 @!p0 $0xFFFFF086;
	s6 =	sadd.s32 @!p0 s3, s7;
	s7 =	simm.s32 @!p0 $0x108  }
0x21: {  	s3 =	sadd.s32 s3, s9;
	s6 =	sadd.s32 @!p0 $0x88, s6;
	s7 =	simm.s32 @p2 $0x1082  }
0x22: {  	[simem:s7], [sflag:s8] =	dma.local @!p0 [hbm:s6], $0xF7A  }
0x23: {  	s9 =	sor.u32 $0xD0000000, s2;
	s6 =	simm.s32 $0x108;
	_ =	swait.ge @!p0 [sflag:s8], $0x0  }
0x24: {  	s3 =	sadd.s32 $0x88, s3;
	s6 =	simm.s32 @!p1 $0x1082;
	[sflag:s4] =	ssyncset.s32 $0xFFFFF086  }
0x25: {  	[simem:s6], [sflag:s4] =	dma.local [hbm:s3], $0xF7A  }
0x26: {  	[smem:$0x3F99] =	sst s1;
	(tag) =	ssettag s2;
	_ =	strace s9  }
0x27: {  	s1 =	sld [smem:$0x3FA9]  }
0x28: {  	s2 =	sld [smem:$0x3FAA]  }
0x29: {  	s4 =	sld [smem:$0x3FAC]  }
0x2a: {  	p0 =	seq.s32 s5, $0x0;
	s5 =	sld [smem:$0x3FAD]  }
0x2b: {  	s6 =	sld [smem:$0x3FAE]  }
0x2c: {  	s7 =	sld [smem:$0x3FAF]  }
0x2d: {  	s3 =	simm.s32 $0x108;
	s8 =	sld [smem:$0x3FB0]  }
0x2e: {  	s3 =	simm.s32 @!p0 $0x1082;
	s9 =	sld [smem:$0x3FB1]  }
0x2f: {  	lr =	sadd.s32 s0, s3;
	s0 =	sld [smem:$0x3FA8]  }
0x30: {  	s3 =	sld [smem:$0x3FAB]  }
0x31: {  	[smem:$0x3FB4] =	sst s10  }
0x32: {  	s10 =	sld [smem:$0x3FB2];
	_ =	sdelay $0x3  }
0x33: {  	p0 =	seq.s32 s10, $0x1;
	s10 =	sld [smem:$0x3FB4];
	_ =	sdelay $0x3  }
0x34: {  	[smem:$0x3FB4] =	sst s10  }
0x35: {  	s10 =	sld [smem:$0x3FB3];
	_ =	sdelay $0x3  }
0x36: {  	p1 =	seq.s32 s10, $0x1;
	s10 =	sld [smem:$0x3FB4];
	_ =	sdelay $0x3  }
0x37: {  	[smem:$0x3FB4] =	sst s10  }
0x38: {  	s10 =	sld [smem:$0x3FB5]  }
0x39: {  	_ = 	snop;
	(pc) =	sbr.ind lr, $3  }
0x3a: {  	_ = 	snop  }
0x3b: {  	_ = 	snop  }
0x3c: {  	p2 =	seq.s32 s10, $0x1;
	s10 =	sld [smem:$0x3FB4]  }
0x3d: {  	_ =	shalt  }
0x3e: {  	_ =	shalt  }
0x3f: {  	_ =	shalt  }
0x40: {  	_ =	shalt  }
0x41: {  	_ =	shalt  }
0x42: {  	_ =	shalt  }
0x43: {  	_ =	shalt  }
0x44: {  	_ =	shalt  }
0x45: {  	_ =	shalt  }
0x46: {  	_ =	shalt  }
0x47: {  	_ =	shalt  }
0x48: {  	_ =	shalt  }
0x49: {  	_ =	shalt  }
0x4a: {  	_ =	shalt  }
0x4b: {  	_ =	shalt  }
0x4c: {  	_ =	shalt  }
0x4d: {  	_ =	shalt  }
0x4e: {  	_ =	shalt  }
0x4f: {  	_ =	shalt  }
0x50: {  	_ =	shalt  }
0x51: {  	_ =	shalt  }
0x52: {  	_ =	shalt  }
0x53: {  	_ =	shalt  }
0x54: {  	_ =	shalt  }
0x55: {  	_ =	shalt  }
0x56: {  	_ =	shalt  }
0x57: {  	_ =	shalt  }
0x58: {  	_ =	shalt  }
0x59: {  	_ =	shalt  }
0x5a: {  	_ =	shalt  }
0x5b: {  	_ =	shalt  }
0x5c: {  	_ =	shalt  }
0x5d: {  	_ =	shalt  }
0x5e: {  	_ =	shalt  }
0x5f: {  	_ =	shalt  }
0x60: {  	_ =	shalt  }
0x61: {  	_ =	shalt  }
0x62: {  	_ =	shalt  }
0x63: {  	_ =	shalt  }
0x64: {  	_ =	shalt  }
0x65: {  	_ =	shalt  }
0x66: {  	_ =	shalt  }
0x67: {  	_ =	shalt  }
0x68: {  	_ =	shalt  }
0x69: {  	_ =	shalt  }
0x6a: {  	_ =	shalt  }
0x6b: {  	_ =	shalt  }
0x6c: {  	_ =	shalt  }
0x6d: {  	_ =	shalt  }
0x6e: {  	_ =	shalt  }
0x6f: {  	_ =	shalt  }
0x70: {  	_ =	shalt  }
0x71: {  	_ =	shalt  }
0x72: {  	_ =	shalt  }
0x73: {  	_ =	shalt  }
0x74: {  	_ =	shalt  }
0x75: {  	_ =	shalt  }
0x76: {  	_ =	shalt  }
0x77: {  	_ =	shalt  }
0x78: {  	_ =	shalt  }
0x79: {  	_ =	shalt  }
0x7a: {  	_ =	shalt  }
0x7b: {  	_ =	shalt  }
0x7c: {  	_ =	shalt  }
0x7d: {  	_ =	shalt  }
0x7e: {  	_ =	shalt  }
0x7f: {  	_ =	shalt  }
0x80: {  	_ =	shalt  }
0x81: {  	_ =	shalt  }
0x82: {  	_ =	shalt  }
0x83: {  	_ =	shalt  }
0x84: {  	_ =	shalt  }
0x85: {  	_ =	shalt  }
0x86: {  	_ =	shalt  }
0x87: {  	_ =	shalt  }
.Lfunc_end0:
.L_simem_size_0:
called_computation_lowered:
.L_overlay_start_0:
0x88: {  	s2 =	sld [smem:$0x3FD9]  }
0x89: {  	s3 =	sld [smem:$0x3FFE];
	_ =	sdelay $0x1  }
0x8a: {  	s1 =	srdreg.scid  }
0x8b: {  	s0 =	sand.u32 $0x1, s1  }
0x8c: {  	s17 =	sshll.u32 s0, $0xA;
	s2 =	sadd.s32 s3, s2  }
0x8d: {  	s2 =	sadd.s32 s2, s17  }
0x8e: {  	[smem:$0x3FC0] =	sst s2  }
0x8f: {  	_ = 	snop  }
0x90: {  	s2 =	sld [smem:$0x3FD0];
	(tm) =	ssettm $0x1  }
0x91: {  	s18 =	sld [smem:$0x3FFB];
	_ =	sdelay $0x3  }
0x92: {  	_ =	strace s18  }
0x93: {  	s3 =	sld [smem:$0x3FFC];
	_ =	sdelay $0x3  }
0x94: {  	_ =	strace s3  }
0x95: {  	s3 =	sld [smem:$0x3FFD];
	_ =	sdelay $0x3  }
0x96: {  	_ =	strace s3  }
0x97: {  	_ =	strace $0x8FFFFFFF  }
0x98: {  	s19 =	sld [smem:$0x3FDB];
	_ =	sdelay $0x1  }
0x99: {  	s4 =	simm.s32 $_scs_section_size  }
0x9a: {  	s5 =	simm.s32 $_size__tile_overlayer_lowered;
	s6 =	simm.s32 $_tile_overlayer_lowered  }
0x9b: {  	s22 =	simm.s32 $0x1BFF;
	s21 =	sshll.u32 s6, $0x1;
	s3 =	sadd.s32 s4, s19  }
0x9c: {  	s7 =	simm.s32 $0x0;
	s20 =	sshll.u32 s5, $0x1;
	s5 =	sadd.s32 s21, s3  }
0x9d: {  	[timem:s7], [sflag:s22] =	dma.local [hbm:s5], s20  }
0x9e: {  	_ =	swait.ge [sflag:s22], s20  }
0x9f: {  	s4 =	ssub.s32 $0x0, s20;
	[sflag:s22] =	ssyncset.done $0x0  }
0xa0: {  	[sflag:s22] =	ssyncadd.s32 s4;
	_ =	sdelay $0x1  }
0xa1: {  	s23 =	simm.s32 $0x1B8B  }
0xa2: {  	_ =	swait.ge [sflag:s23], $0x1  }
0xa3: {  	[sflag:s23] =	ssyncset.done $0x0  }
0xa4: {  	s25 =	simm.s32 $0x1B8E;
	s24 =	sld [smem:$0x3FFE];
	[sflag:s23] =	ssyncadd.s32 $0xFFFFFFFF  }
0xa5: {  	s26 =	simm.s32 $execute0_lowered;
	[smem:$0x3FD2] =	sst s25  }
0xa6: {  	s5 =	sshll.u32 s26, $0x1;
	_ =	strace $0x80000046;
	[dreg:$0x1] =	wrdreg $0xFFFFFFFF  }
0xa7: {  	s28 =	simm.s32 $_size_execute0_lowered;
	s3 =	sadd.s32 s3, s5;
	[dreg:$0x0] =	wrdreg $0x0  }
0xa8: {  	s5 =	sshll.u32 s28, $0x1;
	[dreg:$0x2] =	wrdreg s3  }
0xa9: {  	[dreg:$0x3] =	wrdreg s5  }
0xaa: {  	[dreg:$0x4] =	wrdreg $0xC0  }
0xab: {  	_ =	task [dreg:s7], $0x5FFFF  }
0xac: {  	[dreg:$0x1] =	wrdreg $0xFFFFFFFF  }
0xad: {  	[dreg:$0x0] =	wrdreg $0x60  }
0xae: {  	[dreg:$0x2] =	wrdreg s2  }
0xaf: {  	[dreg:$0x3] =	wrdreg s24  }
0xb0: {  	[dreg:$0x4] =	wrdreg $0x68000  }
0xb1: {  	[dreg:$0x5] =	wrdreg $0x9  }
0xb2: {  	_ =	task.clear_ibuf [dreg:s7], $0x6FFFF;
	_ =	strace $0x90000046  }
0xb3: {  	s29 =	simm.s32 $0x9;
	_ =	strace $0x80000048  }
0xb4: {  	_ =	swait.ge [sflag:s29], $0x1  }
0xb5: {  	[sflag:s29] =	ssyncadd.s32 $0xFFFFFFFF  }
0xb6: {  	_ =	strace $0x90000048  }
0xb7: {  	_ =	sfence  }
0xb8: {  	s30 =	sld [smem:$0x0];
	_ =	sdelay $0x2  }
0xb9: {  	s31 =	sshll.u32 s1, $0xD;
	s1 =	sshrl.u32 s1, $0x2  }
0xba: {  	s3 =	sand.u32 $0x4000, s31;
	s1 =	sadd.s32 s1, s30  }
0xbb: {  	s0 =	sor.u32 s3, s0;
	s1 =	sshll.u32 s1, $0x11  }
0xbc: {  	s0 =	sor.u32 s1, s0  }
0xbd: {  	s0 =	sadd.s32 $0x8F2B, s0  }
0xbe: {  	[sflag:s0] =	ssyncadd.remote.s32 $0x1  }
0xbf: {  	_ =	sfence.sel $0xFFFF  }
0xc0: {  	[dreg:$0x0] =	wrdreg $0xFFFFFFFF;
	(pc) =	sbr.abs _section_cstart, $3  }
0xc1: {  	[dreg:$0x1] =	wrdreg $0xFFFFFFFF  }
0xc2: {  	_ =	task.clear_ibuf [dreg:s7], $0x2FFFF;
	_ =	strace $0x9FFFFFFF  }
0xc3: {  	(tm) =	ssettm $0x7FFFFFFF  }
tec
execute0_lowered:
.L_overlay_start_1:
0x0: {  	(tag) =	ssettag $0x1  }
0x1: {  	s6 =	rddreg [dreg:$0x0]  }
0x2: {  	s7 =	rddreg [dreg:$0x1]  }
0x3: {  	s1 =	rddreg [dreg:$0x2];
	s2 =	srdreg.scid  }
0x4: {  	s0 =	rddreg [dreg:$0x3];
	s3 =	simm.s32 $0x0;
	s8 =	sand.u32 $0x1, s2  }
0x5: {  	[smem:$0x7FF] =	sst s3;
	s9 =	smul.u32 $0x28000, s8  }
0x6: {  	s2 =	stileid.u32;
	s10 =	smul.u32 $0x5000, s8  }
0x7: {  	s4 =	sadd.s32 $0x3800, s7;
	s5 =	sadd.s32 $0x3000, s7;
	s11 =	smul.u32 $0x500, s2  }
0x8: {  	_ =	strace $0x80000047;
	s8 =	ssub.s32 $0x2, s8;
	s12 =	smul.u32 $0x50000, s2  }
0x9: {  	s14 =	smul.u32 $0x2800, s2;
	s31 =	sshll.u32 s2, $0x6;
	s28 =	sshrl.u32 s8, $0x1  }
0xa: {  	s7 =	sadd.s32 s9, s7;
	s6 =	sadd.s32 s6, s10;
	s8 =	ssub.s32 s8, s28  }
0xb: {  	s29 =	sshrl.u32 s12, $0x2;
	s9 =	simm.s32 $0x2800;
	s10 =	sor.u32 $0x1C01, s31  }
0xc: {  	s12 =	simm.s32 $0x80;
	s6 =	sadd.s32 s11, s6;
	s30 =	sadd.s32 s29, s1  }
0xd: {  	s13 =	sadd.s32 $0x6000, s7;
	s7 =	smax.u32 s8, $0x1;
	s8 =	simm.s32 $0x1  }
0xe: {  	s11 =	sshrl.u32 s30, $0x3;
	s13 =	sadd.s32 s14, s13;
	s14 =	simm.s32 $0x0  }
.LBB2_1:
0xf: {  	[tilespmem:s3], [sflag:$0x1] =	stream.linear.gather [hbm4b:s6+s3], $0x2800, $0x38;
	[tilespmem:$0x1A800] =	vst v63  }
0x10: {  	_ =	swait.ge [sflag:s8], $0x2800  }
0x11: {  	[sflag:s8] =	ssyncset.done $0x0  }
0x12: {  	[sflag:s8] =	ssyncadd.s32 $0xFFFFD800  }
0x13: {  	[tilespmem:s9], [sflag:$0x1] =	stream.linear.gather [hbm4b:s5+s3], $0x4000, $0x38;
	[tilespmem:$0x1A800] =	vst v63  }
0x14: {  	_ =	swait.ge [sflag:s8], $0x4000  }
0x15: {  	[sflag:s8] =	ssyncset.done $0x0  }
0x16: {  	[sflag:s8] =	ssyncadd.s32 $0xFFFFC000  }
0x17: {  	[spmem:s11], [sflag:s10] =	dma.local [hbm:s4], $0x2800  }
0x18: {  	_ =	swait.ge [sflag:s8], $0x2800  }
0x19: {  	[sflag:s8] =	ssyncset.done $0x0  }
0x1a: {  	[sflag:s8] =	ssyncadd.s32 $0xFFFFD800  }
0x1b: {  	s15 =	simm.s32 $0x0;
	[bflag:$0x0] =	sbarrier.arrive $0xFFFF  }
0x1c: {  	[spmem:s1] =	stream.indirect.scatter.add.f32 [tilespmem:s9], [sflag:$0x1], $0x80, s15, s12, $0xb8;
	[tilespmem:$0x1A800] =	vst v63  }
0x1d: {  	_ =	swait.ge [sflag:s8], $0x4000  }
0x1e: {  	s15 =	simm.s32 $0x200;
	[sflag:s8] =	ssyncset.done $0x0  }
.LBB2_2:
0x1f: {  	s16 =	sshra.s32 s15, $0x2;
	[sflag:s8] =	ssyncadd.s32 $0xFFFFC000;
	p0 =	sne.s32 s15, $0x9E00  }
0x20: {  	[spmem:s1] =	stream.indirect.scatter.add.f32 [tilespmem:s9], [sflag:$0x1], $0x80, s16, s12, $0xb8;
	[tilespmem:$0x1A800] =	vst v63  }
.Ltmp0:
0x21: {  	_ = 	snop;
	(pc) =	sbr.rel @p0 .LBB2_2-.Ltmp0, $4  }
0x22: {  	_ = 	snop  }
0x23: {  	s15 =	sadd.s32 $0x200, s15  }
0x24: {  	_ =	swait.ge [sflag:s8], $0x4000  }
0x25: {  	[sflag:s8] =	ssyncset.done $0x0  }
0x26: {  	s14 =	sadd.s32 $0x1, s14  }
0x27: {  	[sflag:s8] =	ssyncadd.s32 $0xFFFFC000;
	p0 =	sne.s32 s14, s7  }
.Ltmp1:
0x28: {  	[bflag:$0x0] =	sbarrier.arrive $0xFFFF;
	(pc) =	sbr.rel @p0 .LBB2_1-.Ltmp1, $4  }
0x29: {  	[hbm:s13], [sflag:s10] =	dma.local [spmem:s11], $0x2800  }
0x2a: {  	_ =	swait.ge [sflag:s8], $0x2800  }
0x2b: {  	[sflag:s8] =	ssyncset.done $0x0  }
0x2c: {  	[sflag:s8] =	ssyncadd.s32 $0xFFFFD800  }
0x2d: {  	_ =	sfence.sel $0x180000  }
0x2e: {  	[bflag:$0x0] =	sbarrier.arrive $0xFFFF  }
0x2f: {  	p0 =	sne.s32 s2, $0x0;
	_ =	strace $0x90000047  }
0x30: {  	s0 =	sadd.s32 @!p0 $0x100000, s0;
	[bflag:$0x2] =	sbarrier.arrive $0xFFFF  }
0x31: {  	[sflag:s0] =	ssyncadd.tile.s32 @!p0 $0x1;
	_ =	shalt  }
.Lfunc_end2:
_tile_overlayer_lowered:
.L_overlay_start_2:
0x32: {  	(tag) =	ssettag $0x2  }
0x33: {  	s0 =	rddreg [dreg:$0x0];
	s2 =	stileid.u32  }
0x34: {  	s1 =	rddreg [dreg:$0x1];
	p0 =	sne.s32 s2, $0x0  }
0x35: {  	s3 =	rddreg [dreg:$0x2];
	[bflag:$0x3] =	sbarrier.arrive $0xFFFF;
	s2 =	simm.s32 @!p0 $0x1C01  }
0x36: {  	[timem:s3], [sflag:s2] =	dma.local @!p0 [hbm:s0], s1  }
0x37: {  	s0 =	simm.s32 @!p0 $0x1  }
0x38: {  	_ =	swait.ge @!p0 [sflag:s0], s1  }
0x39: {  	s1 =	ssub.s32 @!p0 $0x0, s1;
	[sflag:s0] =	ssyncset.done @!p0 $0x0  }
0x3a: {  	[sflag:s0] =	ssyncadd.s32 @!p0 s1  }
0x3b: {  	[bflag:$0x3] =	sbarrier.arrive $0xFFFF  }
0x3c: {  	_ =	shalt  }

// kernel: _run.14.cloned.1.call-start
scs
__scs_entry_jumppad:
0x0: {  	(pc) =	sbr.rel $0x88, $3  }
0x1: {  	(tag) =	ssettag $0x0;
	lr =	simm.s32 $0x1  }
0x2: {  	[smem:$0x3F99] =	sst lr;
	_ =	strace $0xD0000000  }
0x3: {  	_ = 	snop  }
0x4: {  	_ = 	snop  }
0x5: {  	_ = 	snop  }
0x6: {  	_ = 	snop  }
0x7: {  	_ = 	snop  }
__scs_overlays_trampoline_lowered:
0x8: {  	[smem:$0x3FA8] =	sst s0  }
0x9: {  	[smem:$0x3FA9] =	sst s1  }
0xa: {  	[smem:$0x3FAA] =	sst s2  }
0xb: {  	[smem:$0x3FAB] =	sst s3  }
0xc: {  	[smem:$0x3FAC] =	sst s4  }
0xd: {  	[smem:$0x3FAD] =	sst s5  }
0xe: {  	[smem:$0x3FAE] =	sst s6  }
0xf: {  	[smem:$0x3FAF] =	sst s7  }
0x10: {  	[smem:$0x3FB0] =	sst s8  }
0x11: {  	[smem:$0x3FB1] =	sst s9;
	s0 =	simm.s32 @!p0 $0x0  }
0x12: {  	s1 =	sld [smem:$0x3F97];
	s0 =	simm.s32 @p0 $0x1  }
0x13: {  	[smem:$0x3FB2] =	sst s0;
	s0 =	simm.s32 @!p1 $0x0  }
0x14: {  	s2 =	sld [smem:$0x3F96];
	s0 =	simm.s32 @p1 $0x1  }
0x15: {  	[smem:$0x3FB3] =	sst s0;
	s0 =	simm.s32 @!p2 $0x0  }
0x16: {  	s3 =	sld [smem:$0x3FDB];
	s0 =	simm.s32 @p2 $0x1  }
0x17: {  	s4 =	simm.s32 $0x1BF5;
	[smem:$0x3FB5] =	sst s0  }
0x18: {  	s0 =	sld [smem:$0x3F98];
	_ =	swait.ge [sflag:s4], $0x0  }
0x19: {  	s7 =	sld [smem:$0x3F99]  }
0x1a: {  	s8 =	sadd.s32 $0xFFFFE003, lr  }
0x1b: {  	s9 =	sadd.s32 $0xFFFFFEF7, lr;
	s5 =	simm.s32 $0xFFFFFFFF;
	p2 =	slt.u32 s8, $0xFFFFF086  }
0x1c: {  	p1 =	slt.u32 s9, $0xF7A;
	s5 =	simm.s32 @!p2 $0x0  }
0x1d: {  	s5 =	simm.s32 @p1 $0x1;
	p0 =	seq.s32 s7, s2  }
0x1e: {  	s7 =	smul.u32 @!p0 $0xF7A, s2;
	p2 =	seq.s32 @!p0 s5, $0x0  }
0x1f: {  	s9 =	smul.u32 $0xF7A, s1;
	s8 =	simm.s32 @!p0 $0x1BF5;
	p2 =	por !p2, p0  }
0x20: {  	[sflag:s8] =	ssyncset.s32 @!p0 $0xFFFFF086;
	s6 =	sadd.s32 @!p0 s3, s7;
	s7 =	simm.s32 @!p0 $0x108  }
0x21: {  	s3 =	sadd.s32 s3, s9;
	s6 =	sadd.s32 @!p0 $0x88, s6;
	s7 =	simm.s32 @p2 $0x1082  }
0x22: {  	[simem:s7], [sflag:s8] =	dma.local @!p0 [hbm:s6], $0xF7A  }
0x23: {  	s9 =	sor.u32 $0xD0000000, s2;
	s6 =	simm.s32 $0x108;
	_ =	swait.ge @!p0 [sflag:s8], $0x0  }
0x24: {  	s3 =	sadd.s32 $0x88, s3;
	s6 =	simm.s32 @!p1 $0x1082;
	[sflag:s4] =	ssyncset.s32 $0xFFFFF086  }
0x25: {  	[simem:s6], [sflag:s4] =	dma.local [hbm:s3], $0xF7A  }
0x26: {  	[smem:$0x3F99] =	sst s1;
	(tag) =	ssettag s2;
	_ =	strace s9  }
0x27: {  	s1 =	sld [smem:$0x3FA9]  }
0x28: {  	s2 =	sld [smem:$0x3FAA]  }
0x29: {  	s4 =	sld [smem:$0x3FAC]  }
0x2a: {  	p0 =	seq.s32 s5, $0x0;
	s5 =	sld [smem:$0x3FAD]  }
0x2b: {  	s6 =	sld [smem:$0x3FAE]  }
0x2c: {  	s7 =	sld [smem:$0x3FAF]  }
0x2d: {  	s3 =	simm.s32 $0x108;
	s8 =	sld [smem:$0x3FB0]  }
0x2e: {  	s3 =	simm.s32 @!p0 $0x1082;
	s9 =	sld [smem:$0x3FB1]  }
0x2f: {  	lr =	sadd.s32 s0, s3;
	s0 =	sld [smem:$0x3FA8]  }
0x30: {  	s3 =	sld [smem:$0x3FAB]  }
0x31: {  	[smem:$0x3FB4] =	sst s10  }
0x32: {  	s10 =	sld [smem:$0x3FB2];
	_ =	sdelay $0x3  }
0x33: {  	p0 =	seq.s32 s10, $0x1;
	s10 =	sld [smem:$0x3FB4];
	_ =	sdelay $0x3  }
0x34: {  	[smem:$0x3FB4] =	sst s10  }
0x35: {  	s10 =	sld [smem:$0x3FB3];
	_ =	sdelay $0x3  }
0x36: {  	p1 =	seq.s32 s10, $0x1;
	s10 =	sld [smem:$0x3FB4];
	_ =	sdelay $0x3  }
0x37: {  	[smem:$0x3FB4] =	sst s10  }
0x38: {  	s10 =	sld [smem:$0x3FB5]  }
0x39: {  	_ = 	snop;
	(pc) =	sbr.ind lr, $3  }
0x3a: {  	_ = 	snop  }
0x3b: {  	_ = 	snop  }
0x3c: {  	p2 =	seq.s32 s10, $0x1;
	s10 =	sld [smem:$0x3FB4]  }
0x3d: {  	_ =	shalt  }
0x3e: {  	_ =	shalt  }
0x3f: {  	_ =	shalt  }
0x40: {  	_ =	shalt  }
0x41: {  	_ =	shalt  }
0x42: {  	_ =	shalt  }
0x43: {  	_ =	shalt  }
0x44: {  	_ =	shalt  }
0x45: {  	_ =	shalt  }
0x46: {  	_ =	shalt  }
0x47: {  	_ =	shalt  }
0x48: {  	_ =	shalt  }
0x49: {  	_ =	shalt  }
0x4a: {  	_ =	shalt  }
0x4b: {  	_ =	shalt  }
0x4c: {  	_ =	shalt  }
0x4d: {  	_ =	shalt  }
0x4e: {  	_ =	shalt  }
0x4f: {  	_ =	shalt  }
0x50: {  	_ =	shalt  }
0x51: {  	_ =	shalt  }
0x52: {  	_ =	shalt  }
0x53: {  	_ =	shalt  }
0x54: {  	_ =	shalt  }
0x55: {  	_ =	shalt  }
0x56: {  	_ =	shalt  }
0x57: {  	_ =	shalt  }
0x58: {  	_ =	shalt  }
0x59: {  	_ =	shalt  }
0x5a: {  	_ =	shalt  }
0x5b: {  	_ =	shalt  }
0x5c: {  	_ =	shalt  }
0x5d: {  	_ =	shalt  }
0x5e: {  	_ =	shalt  }
0x5f: {  	_ =	shalt  }
0x60: {  	_ =	shalt  }
0x61: {  	_ =	shalt  }
0x62: {  	_ =	shalt  }
0x63: {  	_ =	shalt  }
0x64: {  	_ =	shalt  }
0x65: {  	_ =	shalt  }
0x66: {  	_ =	shalt  }
0x67: {  	_ =	shalt  }
0x68: {  	_ =	shalt  }
0x69: {  	_ =	shalt  }
0x6a: {  	_ =	shalt  }
0x6b: {  	_ =	shalt  }
0x6c: {  	_ =	shalt  }
0x6d: {  	_ =	shalt  }
0x6e: {  	_ =	shalt  }
0x6f: {  	_ =	shalt  }
0x70: {  	_ =	shalt  }
0x71: {  	_ =	shalt  }
0x72: {  	_ =	shalt  }
0x73: {  	_ =	shalt  }
0x74: {  	_ =	shalt  }
0x75: {  	_ =	shalt  }
0x76: {  	_ =	shalt  }
0x77: {  	_ =	shalt  }
0x78: {  	_ =	shalt  }
0x79: {  	_ =	shalt  }
0x7a: {  	_ =	shalt  }
0x7b: {  	_ =	shalt  }
0x7c: {  	_ =	shalt  }
0x7d: {  	_ =	shalt  }
0x7e: {  	_ =	shalt  }
0x7f: {  	_ =	shalt  }
0x80: {  	_ =	shalt  }
0x81: {  	_ =	shalt  }
0x82: {  	_ =	shalt  }
0x83: {  	_ =	shalt  }
0x84: {  	_ =	shalt  }
0x85: {  	_ =	shalt  }
0x86: {  	_ =	shalt  }
0x87: {  	_ =	shalt  }
.Lfunc_end0:
.L_simem_size_0:
called_computation.1_lowered:
.L_overlay_start_0:
0x88: {  	s2 =	sld [smem:$0x3FD9]  }
0x89: {  	s3 =	sld [smem:$0x3FFE];
	_ =	sdelay $0x1  }
0x8a: {  	s1 =	srdreg.scid  }
0x8b: {  	s0 =	sand.u32 $0x1, s1  }
0x8c: {  	s16 =	sshll.u32 s0, $0xA;
	s2 =	sadd.s32 s3, s2  }
0x8d: {  	s2 =	sadd.s32 s2, s16  }
0x8e: {  	[smem:$0x3FC0] =	sst s2  }
0x8f: {  	_ = 	snop  }
0x90: {  	(tm) =	ssettm $0x1  }
0x91: {  	s17 =	sld [smem:$0x3FFB];
	_ =	sdelay $0x3  }
0x92: {  	_ =	strace s17  }
0x93: {  	s2 =	sld [smem:$0x3FFC];
	_ =	sdelay $0x3  }
0x94: {  	_ =	strace s2  }
0x95: {  	s2 =	sld [smem:$0x3FFD];
	_ =	sdelay $0x3  }
0x96: {  	_ =	strace s2  }
0x97: {  	_ =	strace $0x8FFFFFFF  }
0x98: {  	s18 =	sld [smem:$0x3FDB];
	_ =	sdelay $0x1  }
0x99: {  	s19 =	simm.s32 $_scs_section_size  }
0x9a: {  	s4 =	simm.s32 $_size__tile_overlayer_lowered;
	s5 =	simm.s32 $_tile_overlayer_lowered  }
0x9b: {  	s22 =	simm.s32 $0x1BFF;
	s21 =	sshll.u32 s5, $0x1;
	s2 =	sadd.s32 s19, s18  }
0x9c: {  	s6 =	simm.s32 $0x0;
	s20 =	sshll.u32 s4, $0x1;
	s4 =	sadd.s32 s21, s2  }
0x9d: {  	[timem:s6], [sflag:s22] =	dma.local [hbm:s4], s20  }
0x9e: {  	_ =	swait.ge [sflag:s22], s20  }
0x9f: {  	s3 =	ssub.s32 $0x0, s20;
	[sflag:s22] =	ssyncset.done $0x0  }
0xa0: {  	[sflag:s22] =	ssyncadd.s32 s3;
	_ =	sdelay $0x1  }
0xa1: {  	s23 =	simm.s32 $0x1B8B  }
0xa2: {  	_ =	swait.ge [sflag:s23], $0x1  }
0xa3: {  	[sflag:s23] =	ssyncset.done $0x0  }
0xa4: {  	s25 =	simm.s32 $0x1B8E;
	s24 =	sld [smem:$0x3FFE];
	[sflag:s23] =	ssyncadd.s32 $0xFFFFFFFF  }
0xa5: {  	s26 =	simm.s32 $execute0_lowered;
	[smem:$0x3FD2] =	sst s25  }
0xa6: {  	s4 =	sshll.u32 s26, $0x1;
	_ =	strace $0x80000049;
	[dreg:$0x1] =	wrdreg $0xFFFFFFFF  }
0xa7: {  	s28 =	simm.s32 $_size_execute0_lowered;
	s2 =	sadd.s32 s2, s4;
	[dreg:$0x0] =	wrdreg $0x0  }
0xa8: {  	s4 =	sshll.u32 s28, $0x1;
	[dreg:$0x2] =	wrdreg s2  }
0xa9: {  	[dreg:$0x3] =	wrdreg s4  }
0xaa: {  	[dreg:$0x4] =	wrdreg $0xC0  }
0xab: {  	_ =	task [dreg:s6], $0x5FFFF  }
0xac: {  	[dreg:$0x1] =	wrdreg $0xFFFFFFFF  }
0xad: {  	[dreg:$0x0] =	wrdreg $0x60  }
0xae: {  	[dreg:$0x2] =	wrdreg s24  }
0xaf: {  	[dreg:$0x3] =	wrdreg $0xA8000  }
0xb0: {  	[dreg:$0x4] =	wrdreg $0x9  }
0xb1: {  	_ =	task.clear_ibuf [dreg:s6], $0x5FFFF;
	_ =	strace $0x90000049  }
0xb2: {  	s29 =	simm.s32 $0x9;
	_ =	strace $0x8000004B  }
0xb3: {  	_ =	swait.ge [sflag:s29], $0x1  }
0xb4: {  	[sflag:s29] =	ssyncadd.s32 $0xFFFFFFFF  }
0xb5: {  	_ =	strace $0x9000004B  }
0xb6: {  	_ =	sfence  }
0xb7: {  	s30 =	sld [smem:$0x0];
	_ =	sdelay $0x2  }
0xb8: {  	s31 =	sshll.u32 s1, $0xD;
	s1 =	sshrl.u32 s1, $0x2  }
0xb9: {  	s3 =	sand.u32 $0x4000, s31;
	s1 =	sadd.s32 s1, s30  }
0xba: {  	s0 =	sor.u32 s3, s0;
	s1 =	sshll.u32 s1, $0x11  }
0xbb: {  	s0 =	sor.u32 s1, s0  }
0xbc: {  	s0 =	sadd.s32 $0x8F2B, s0  }
0xbd: {  	[sflag:s0] =	ssyncadd.remote.s32 $0x1  }
0xbe: {  	_ =	sfence.sel $0xFFFF  }
0xbf: {  	[dreg:$0x0] =	wrdreg $0xFFFFFFFF;
	(pc) =	sbr.abs _section_cstart, $3  }
0xc0: {  	[dreg:$0x1] =	wrdreg $0xFFFFFFFF  }
0xc1: {  	_ =	task.clear_ibuf [dreg:s6], $0x2FFFF;
	_ =	strace $0x9FFFFFFF  }
0xc2: {  	(tm) =	ssettm $0x7FFFFFFF  }
0xc3: {  	_ =	shalt  }
tec
execute0_lowered:
.L_overlay_start_1:
0x0: {  	(tag) =	ssettag $0x1  }
0x1: {  	s8 =	rddreg [dreg:$0x0]  }
0x2: {  	s1 =	rddreg [dreg:$0x1]  }
0x3: {  	s2 =	srdreg.scid;
	s0 =	rddreg [dreg:$0x2]  }
0x4: {  	s3 =	simm.s32 $0x0;
	s16 =	simm.s32 $0x6800;
	s17 =	simm.s32 $0x1  }
0x5: {  	s18 =	simm.s32 $0x2;
	s19 =	simm.s32 $0x2700;
	s5 =	sand.u32 $0x1, s2  }
0x6: {  	s20 =	simm.s32 $0x2780;
	s2 =	stileid.u32;
	s6 =	smul.u32 $0x5000, s5  }
0x7: {  	[smem:$0x7FF] =	sst s3;
	s4 =	sadd.s32 $0x65000, s8;
	s21 =	smul.u32 $0x280, s2  }
0x8: {  	s22 =	sadd.s32 $0x58800, s8;
	_ =	strace $0x8000004A;
	s24 =	smul.u32 $0x28000, s5  }
0x9: {  	s10 =	ssub.s32 $0x2, s5;
	s5 =	sadd.s32 $0x3800, s8;
	s12 =	smul.u32 $0x50000, s2  }
0xa: {  	s25 =	sshrl.u32 s2, $0x3;
	s29 =	sshll.u32 s2, $0x7;
	s14 =	sshll.u32 s2, $0x6  }
0xb: {  	s11 =	sshrl.u32 s10, $0x1;
	s28 =	smul.u32 $0xA000, s25;
	s15 =	sand.u32 $0x380, s29  }
0xc: {  	s7 =	sadd.s32 s6, s8;
	s9 =	sadd.s32 s21, s8;
	s13 =	sadd.s32 s24, s8  }
0xd: {  	s10 =	ssub.s32 s10, s11;
	s26 =	sshrl.u32 s12, $0x2;
	s6 =	sor.u32 $0x1C03, s14  }
0xe: {  	s24 =	smul.u32 $0x2800, s2;
	s14 =	simm.s32 $0x1400;
	s21 =	sadd.s32 s21, s22  }
0xf: {  	s11 =	sadd.s32 s26, s1;
	s30 =	sadd.s32 $0x5B000, s7;
	s31 =	sor.u32 s15, s28  }
0x10: {  	s7 =	sadd.s32 $0x56000, s9;
	s23 =	sadd.s32 $0xB5000, s13;
	s8 =	smax.u32 s10, $0x1  }
0x11: {  	s10 =	simm.s32 $0x3;
	s13 =	simm.s32 $0x400;
	s15 =	simm.s32 $0x2800  }
0x12: {  	s12 =	sshrl.u32 s31, $0x3;
	s9 =	sshrl.u32 s11, $0x3;
	s22 =	sadd.s32 s24, s23  }
0x13: {  	s23 =	simm.s32 $0x0;
	s11 =	sadd.s32 s12, s30;
	s12 =	simm.s32 $0x80  }
.LBB2_1:
0x14: {  	[spmem:s9], [sflag:s6] =	dma.local [hbm:s5], $0x2800  }
0x15: {  	_ =	swait.ge [sflag:s10], $0x2800  }
0x16: {  	[sflag:s10] =	ssyncset.done $0x0  }
0x17: {  	[sflag:s10] =	ssyncadd.s32 $0xFFFFD800  }
0x18: {  	[bflag:$0x0] =	sbarrier.arrive $0xFFFF  }
0x19: {  	[tilespmem:s3], [sflag:$0x3] =	stream.strided.gather [hbm4b:s11+s12], $0x1400, s13, s12, $0x38;
	[tilespmem:$0x1E800] =	vst v63  }
0x1a: {  	_ =	swait.ge [sflag:s10], $0x1400  }
0x1b: {  	[sflag:s10] =	ssyncset.done $0x0  }
0x1c: {  	[sflag:s10] =	ssyncadd.s32 $0xFFFFEC00  }
0x1d: {  	[tilespmem:s14], [sflag:$0x3] =	stream.linear.gather [hbm4b:s7+s3], $0x1400, $0x38;
	[tilespmem:$0x1E800] =	vst v63  }
0x1e: {  	_ =	swait.ge [sflag:s10], $0x1400  }
0x1f: {  	[sflag:s10] =	ssyncset.done $0x0  }
0x20: {  	[sflag:s10] =	ssyncadd.s32 $0xFFFFEC00  }
0x21: {  	[tilespmem:s15], [sflag:$0x1] =	stream.indirect.gather [hbm4b:s4+s12], $0x80, s3, s12, $0xb8;
	[tilespmem:$0x1E800] =	vst v63  }
0x22: {  	_ = 	snop  }
0x23: {  	[tilespmem:s16], [sflag:$0x2] =	stream.indirect.gather [hbm4b:s4+s12], $0x80, s12, s12, $0xb8;
	[tilespmem:$0x1E800] =	vst v63  }
0x24: {  	_ =	swait.ge [sflag:s17], $0x4000  }
0x25: {  	[sflag:s17] =	ssyncset.done $0x0  }
0x26: {  	s24 =	simm.s32 $0x1400;
	[sflag:s17] =	ssyncadd.s32 $0xFFFFC000  }
0x27: {  	[spmem:s1] =	stream.indirect.scatter.add.f32 [tilespmem:s15], [sflag:$0x3], $0x80, s24, s12, $0xb8;
	[tilespmem:$0x1E800] =	vst v63  }
0x28: {  	_ =	swait.ge [sflag:s10], $0x4000  }
0x29: {  	[sflag:s10] =	ssyncset.done $0x0  }
0x2a: {  	s30 =	simm.s32 $0x100;
	[sflag:s10] =	ssyncadd.s32 $0xFFFFC000  }
0x2b: {  	[tilespmem:s15], [sflag:$0x1] =	stream.indirect.gather [hbm4b:s4+s12], $0x80, s30, s12, $0xb8;
	[tilespmem:$0x1E800] =	vst v63  }
0x2c: {  	_ =	swait.ge [sflag:s18], $0x4000  }
0x2d: {  	[sflag:s18] =	ssyncset.done $0x0  }
0x2e: {  	s31 =	simm.s32 $0x1480;
	[sflag:s18] =	ssyncadd.s32 $0xFFFFC000  }
0x2f: {  	[spmem:s1] =	stream.indirect.scatter.add.f32 [tilespmem:s16], [sflag:$0x3], $0x80, s31, s12, $0xb8;
	[tilespmem:$0x1E800] =	vst v63  }
0x30: {  	_ =	swait.ge [sflag:s10], $0x4000  }
0x31: {  	[sflag:s10] =	ssyncset.done $0x0  }
0x32: {  	s25 =	simm.s32 $0x180;
	s24 =	simm.s32 $0x400;
	[sflag:s10] =	ssyncadd.s32 $0xFFFFC000  }
.LBB2_2:
0x33: {  	[tilespmem:s16], [sflag:$0x2] =	stream.indirect.gather [hbm4b:s4+s12], $0x80, s25, s12, $0xb8;
	[tilespmem:$0x1E800] =	vst v63  }
0x34: {  	s25 =	smov.u32 s24  }
0x35: {  	p0 =	sne.s32 s24, $0x4800;
	s24 =	sadd.s32 $0x400, s24;
	_ =	swait.ge [sflag:s17], $0x4000  }
0x36: {  	s25 =	sshra.s32 s25, $0x2;
	[sflag:s17] =	ssyncset.done $0x0  }
0x37: {  	s26 =	sadd.s32 $0x1400, s25;
	[sflag:s17] =	ssyncadd.s32 $0xFFFFC000  }
0x38: {  	[spmem:s1] =	stream.indirect.scatter.add.f32 [tilespmem:s15], [sflag:$0x3], $0x80, s26, s12, $0xb8;
	[tilespmem:$0x1E800] =	vst v63  }
0x39: {  	_ =	swait.ge [sflag:s10], $0x4000  }
0x3a: {  	[sflag:s10] =	ssyncset.done $0x0  }
0x3b: {  	s26 =	sadd.s32 $0x100, s25;
	[sflag:s10] =	ssyncadd.s32 $0xFFFFC000  }
0x3c: {  	[tilespmem:s15], [sflag:$0x1] =	stream.indirect.gather [hbm4b:s4+s12], $0x80, s26, s12, $0xb8;
	[tilespmem:$0x1E800] =	vst v63  }
0x3d: {  	_ =	swait.ge [sflag:s18], $0x4000  }
0x3e: {  	[sflag:s18] =	ssyncset.done $0x0  }
.Ltmp0:
0x3f: {  	s26 =	sadd.s32 $0x1480, s25;
	[sflag:s18] =	ssyncadd.s32 $0xFFFFC000;
	(pc) =	sbr.rel @p0 .LBB2_2-.Ltmp0, $4  }
0x40: {  	[spmem:s1] =	stream.indirect.scatter.add.f32 [tilespmem:s16], [sflag:$0x3], $0x80, s26, s12, $0xb8;
	[tilespmem:$0x1E800] =	vst v63  }
0x41: {  	_ =	swait.ge [sflag:s10], $0x4000  }
0x42: {  	[sflag:s10] =	ssyncset.done $0x0  }
0x43: {  	s25 =	sadd.s32 $0x180, s25;
	[sflag:s10] =	ssyncadd.s32 $0xFFFFC000  }
0x44: {  	[tilespmem:s16], [sflag:$0x2] =	stream.indirect.gather [hbm4b:s4+s12], $0x80, s25, s12, $0xb8;
	[tilespmem:$0x1E800] =	vst v63  }
0x45: {  	_ =	swait.ge [sflag:s17], $0x4000  }
0x46: {  	[sflag:s17] =	ssyncset.done $0x0  }
0x47: {  	[sflag:s17] =	ssyncadd.s32 $0xFFFFC000  }
0x48: {  	[spmem:s1] =	stream.indirect.scatter.add.f32 [tilespmem:s15], [sflag:$0x3], $0x80, s19, s12, $0xb8;
	[tilespmem:$0x1E800] =	vst v63  }
0x49: {  	_ =	swait.ge [sflag:s10], $0x4000  }
0x4a: {  	[sflag:s10] =	ssyncset.done $0x0  }
0x4b: {  	[sflag:s10] =	ssyncadd.s32 $0xFFFFC000  }
0x4c: {  	_ =	swait.ge [sflag:s18], $0x4000  }
0x4d: {  	[sflag:s18] =	ssyncset.done $0x0  }
0x4e: {  	[sflag:s18] =	ssyncadd.s32 $0xFFFFC000  }
0x4f: {  	[spmem:s1] =	stream.indirect.scatter.add.f32 [tilespmem:s16], [sflag:$0x3], $0x80, s20, s12, $0xb8;
	[tilespmem:$0x1E800] =	vst v63  }
0x50: {  	_ =	swait.ge [sflag:s10], $0x4000  }
0x51: {  	[sflag:s10] =	ssyncset.done $0x0  }
0x52: {  	s24 =	sadd.s32 $0x2800, s11;
	s28 =	simm.s32 $0x0;
	[sflag:s10] =	ssyncadd.s32 $0xFFFFC000  }
0x53: {  	[tilespmem:s28], [sflag:$0x3] =	stream.strided.gather [hbm4b:s24+s12], $0x1400, s13, s12, $0x38;
	[tilespmem:$0x1E800] =	vst v63  }
0x54: {  	_ =	swait.ge [sflag:s10], $0x1400  }
0x55: {  	[sflag:s10] =	ssyncset.done $0x0  }
0x56: {  	[sflag:s10] =	ssyncadd.s32 $0xFFFFEC00  }
0x57: {  	[tilespmem:s14], [sflag:$0x3] =	stream.linear.gather [hbm4b:s21+s28], $0x1400, $0x38;
	[tilespmem:$0x1E800] =	vst v63  }
0x58: {  	_ =	swait.ge [sflag:s10], $0x1400  }
0x59: {  	[sflag:s10] =	ssyncset.done $0x0  }
0x5a: {  	[sflag:s10] =	ssyncadd.s32 $0xFFFFEC00  }
0x5b: {  	[tilespmem:s15], [sflag:$0x1] =	stream.indirect.gather [hbm4b:s4+s12], $0x80, s28, s12, $0xb8;
	[tilespmem:$0x1E800] =	vst v63  }
0x5c: {  	_ = 	snop  }
0x5d: {  	[tilespmem:s16], [sflag:$0x2] =	stream.indirect.gather [hbm4b:s4+s12], $0x80, s12, s12, $0xb8;
	[tilespmem:$0x1E800] =	vst v63  }
0x5e: {  	_ =	swait.ge [sflag:s17], $0x4000  }
0x5f: {  	[sflag:s17] =	ssyncset.done $0x0  }
0x60: {  	s29 =	simm.s32 $0x1400;
	[sflag:s17] =	ssyncadd.s32 $0xFFFFC000  }
0x61: {  	[spmem:s1] =	stream.indirect.scatter.add.f32 [tilespmem:s15], [sflag:$0x3], $0x80, s29, s12, $0xb8;
	[tilespmem:$0x1E800] =	vst v63  }
0x62: {  	_ =	swait.ge [sflag:s10], $0x4000  }
0x63: {  	[sflag:s10] =	ssyncset.done $0x0  }
0x64: {  	s30 =	simm.s32 $0x100;
	[sflag:s10] =	ssyncadd.s32 $0xFFFFC000  }
0x65: {  	[tilespmem:s15], [sflag:$0x1] =	stream.indirect.gather [hbm4b:s4+s12], $0x80, s30, s12, $0xb8;
	[tilespmem:$0x1E800] =	vst v63  }
0x66: {  	_ =	swait.ge [sflag:s18], $0x4000  }
0x67: {  	[sflag:s18] =	ssyncset.done $0x0  }
0x68: {  	s31 =	simm.s32 $0x1480;
	[sflag:s18] =	ssyncadd.s32 $0xFFFFC000  }
0x69: {  	[spmem:s1] =	stream.indirect.scatter.add.f32 [tilespmem:s16], [sflag:$0x3], $0x80, s31, s12, $0xb8;
	[tilespmem:$0x1E800] =	vst v63  }
0x6a: {  	_ =	swait.ge [sflag:s10], $0x4000  }
0x6b: {  	[sflag:s10] =	ssyncset.done $0x0  }
0x6c: {  	s25 =	simm.s32 $0x180;
	s24 =	simm.s32 $0x400;
	[sflag:s10] =	ssyncadd.s32 $0xFFFFC000  }
.LBB2_4:
0x6d: {  	[tilespmem:s16], [sflag:$0x2] =	stream.indirect.gather [hbm4b:s4+s12], $0x80, s25, s12, $0xb8;
	[tilespmem:$0x1E800] =	vst v63  }
0x6e: {  	s25 =	smov.u32 s24  }
0x6f: {  	p0 =	sne.s32 s24, $0x4800;
	s24 =	sadd.s32 $0x400, s24;
	_ =	swait.ge [sflag:s17], $0x4000  }
0x70: {  	s25 =	sshra.s32 s25, $0x2;
	[sflag:s17] =	ssyncset.done $0x0  }
0x71: {  	s26 =	sadd.s32 $0x1400, s25;
	[sflag:s17] =	ssyncadd.s32 $0xFFFFC000  }
0x72: {  	[spmem:s1] =	stream.indirect.scatter.add.f32 [tilespmem:s15], [sflag:$0x3], $0x80, s26, s12, $0xb8;
	[tilespmem:$0x1E800] =	vst v63  }
0x73: {  	_ =	swait.ge [sflag:s10], $0x4000  }
0x74: {  	[sflag:s10] =	ssyncset.done $0x0  }
0x75: {  	s26 =	sadd.s32 $0x100, s25;
	[sflag:s10] =	ssyncadd.s32 $0xFFFFC000  }
0x76: {  	[tilespmem:s15], [sflag:$0x1] =	stream.indirect.gather [hbm4b:s4+s12], $0x80, s26, s12, $0xb8;
	[tilespmem:$0x1E800] =	vst v63  }
0x77: {  	_ =	swait.ge [sflag:s18], $0x4000  }
0x78: {  	[sflag:s18] =	ssyncset.done $0x0  }
.Ltmp1:
0x79: {  	s26 =	sadd.s32 $0x1480, s25;
	[sflag:s18] =	ssyncadd.s32 $0xFFFFC000;
	(pc) =	sbr.rel @p0 .LBB2_4-.Ltmp1, $4  }
0x7a: {  	[spmem:s1] =	stream.indirect.scatter.add.f32 [tilespmem:s16], [sflag:$0x3], $0x80, s26, s12, $0xb8;
	[tilespmem:$0x1E800] =	vst v63  }
0x7b: {  	_ =	swait.ge [sflag:s10], $0x4000  }
0x7c: {  	[sflag:s10] =	ssyncset.done $0x0  }
0x7d: {  	s25 =	sadd.s32 $0x180, s25;
	[sflag:s10] =	ssyncadd.s32 $0xFFFFC000  }
0x7e: {  	[tilespmem:s16], [sflag:$0x2] =	stream.indirect.gather [hbm4b:s4+s12], $0x80, s25, s12, $0xb8;
	[tilespmem:$0x1E800] =	vst v63  }
0x7f: {  	_ =	swait.ge [sflag:s17], $0x4000  }
0x80: {  	[sflag:s17] =	ssyncset.done $0x0  }
0x81: {  	[sflag:s17] =	ssyncadd.s32 $0xFFFFC000  }
0x82: {  	[spmem:s1] =	stream.indirect.scatter.add.f32 [tilespmem:s15], [sflag:$0x3], $0x80, s19, s12, $0xb8;
	[tilespmem:$0x1E800] =	vst v63  }
0x83: {  	_ =	swait.ge [sflag:s10], $0x4000  }
0x84: {  	[sflag:s10] =	ssyncset.done $0x0  }
0x85: {  	[sflag:s10] =	ssyncadd.s32 $0xFFFFC000  }
0x86: {  	_ =	swait.ge [sflag:s18], $0x4000  }
0x87: {  	[sflag:s18] =	ssyncset.done $0x0  }
0x88: {  	[sflag:s18] =	ssyncadd.s32 $0xFFFFC000  }
0x89: {  	[spmem:s1] =	stream.indirect.scatter.add.f32 [tilespmem:s16], [sflag:$0x3], $0x80, s20, s12, $0xb8;
	[tilespmem:$0x1E800] =	vst v63  }
0x8a: {  	_ =	swait.ge [sflag:s10], $0x4000  }
0x8b: {  	s23 =	sadd.s32 $0x1, s23;
	[sflag:s10] =	ssyncset.done $0x0  }
0x8c: {  	p0 =	sne.s32 s23, s8;
	[sflag:s10] =	ssyncadd.s32 $0xFFFFC000  }
.Ltmp2:
0x8d: {  	[bflag:$0x0] =	sbarrier.arrive $0xFFFF;
	(pc) =	sbr.rel @p0 .LBB2_1-.Ltmp2, $4  }
0x8e: {  	[hbm:s22], [sflag:s6] =	dma.local [spmem:s9], $0x2800  }
0x8f: {  	_ =	swait.ge [sflag:s10], $0x2800  }
0x90: {  	[sflag:s10] =	ssyncset.done $0x0  }
0x91: {  	[sflag:s10] =	ssyncadd.s32 $0xFFFFD800  }
0x92: {  	_ =	sfence.sel $0x180000  }
0x93: {  	[bflag:$0x0] =	sbarrier.arrive $0xFFFF  }
0x94: {  	p0 =	sne.s32 s2, $0x0;
	_ =	strace $0x9000004A  }
0x95: {  	s0 =	sadd.s32 @!p0 $0x100000, s0;
	[bflag:$0x2] =	sbarrier.arrive $0xFFFF  }
0x96: {  	[sflag:s0] =	ssyncadd.tile.s32 @!p0 $0x1;
	_ =	shalt  }
.Lfunc_end2:
_tile_overlayer_lowered:
.L_overlay_start_2:
0x97: {  	(tag) =	ssettag $0x2  }
0x98: {  	s0 =	rddreg [dreg:$0x0];
	s2 =	stileid.u32  }
0x99: {  	s1 =	rddreg [dreg:$0x1];
	p0 =	sne.s32 s2, $0x0  }
0x9a: {  	s3 =	rddreg [dreg:$0x2];
	[bflag:$0x3] =	sbarrier.arrive $0xFFFF;
	s2 =	simm.s32 @!p0 $0x1C03  }
0x9b: {  	[timem:s3], [sflag:s2] =	dma.local @!p0 [hbm:s0], s1  }
0x9c: {  	s0 =	simm.s32 @!p0 $0x3  }
0x9d: {  	_ =	swait.ge @!p0 [sflag:s0], s1  }
0x9e: {  	s1 =	ssub.s32 @!p0 $0x0, s1;
	[sflag:s0] =	ssyncset.done @!p0 $0x0  }
0x9f: {  	[sflag:s0] =	ssyncadd.s32 @!p0 s1  }
0xa0: {  	[bflag:$0x3] =	sbarrier.arrive $0xFFFF  }
0xa1: {  	_ =	shalt  }

// kernel: _run.17.cloned.1.call-start
scs
__scs_entry_jumppad:
0x0: {  	(pc) =	sbr.rel $0x88, $3  }
0x1: {  	(tag) =	ssettag $0x0;
	lr =	simm.s32 $0x1  }
0x2: {  	[smem:$0x3F99] =	sst lr;
	_ =	strace $0xD0000000  }
0x3: {  	_ = 	snop  }
0x4: {  	_ = 	snop  }
0x5: {  	_ = 	snop  }
0x6: {  	_ = 	snop  }
0x7: {  	_ = 	snop  }
__scs_overlays_trampoline_lowered:
0x8: {  	[smem:$0x3FA8] =	sst s0  }
0x9: {  	[smem:$0x3FA9] =	sst s1  }
0xa: {  	[smem:$0x3FAA] =	sst s2  }
0xb: {  	[smem:$0x3FAB] =	sst s3  }
0xc: {  	[smem:$0x3FAC] =	sst s4  }
0xd: {  	[smem:$0x3FAD] =	sst s5  }
0xe: {  	[smem:$0x3FAE] =	sst s6  }
0xf: {  	[smem:$0x3FAF] =	sst s7  }
0x10: {  	[smem:$0x3FB0] =	sst s8  }
0x11: {  	[smem:$0x3FB1] =	sst s9;
	s0 =	simm.s32 @!p0 $0x0  }
0x12: {  	s1 =	sld [smem:$0x3F97];
	s0 =	simm.s32 @p0 $0x1  }
0x13: {  	[smem:$0x3FB2] =	sst s0;
	s0 =	simm.s32 @!p1 $0x0  }
0x14: {  	s2 =	sld [smem:$0x3F96];
	s0 =	simm.s32 @p1 $0x1  }
0x15: {  	[smem:$0x3FB3] =	sst s0;
	s0 =	simm.s32 @!p2 $0x0  }
0x16: {  	s3 =	sld [smem:$0x3FDB];
	s0 =	simm.s32 @p2 $0x1  }
0x17: {  	s4 =	simm.s32 $0x1BF5;
	[smem:$0x3FB5] =	sst s0  }
0x18: {  	s0 =	sld [smem:$0x3F98];
	_ =	swait.ge [sflag:s4], $0x0  }
0x19: {  	s7 =	sld [smem:$0x3F99]  }
0x1a: {  	s8 =	sadd.s32 $0xFFFFE003, lr  }
0x1b: {  	s9 =	sadd.s32 $0xFFFFFEF7, lr;
	s5 =	simm.s32 $0xFFFFFFFF;
	p2 =	slt.u32 s8, $0xFFFFF086  }
0x1c: {  	p1 =	slt.u32 s9, $0xF7A;
	s5 =	simm.s32 @!p2 $0x0  }
0x1d: {  	s5 =	simm.s32 @p1 $0x1;
	p0 =	seq.s32 s7, s2  }
0x1e: {  	s7 =	smul.u32 @!p0 $0xF7A, s2;
	p2 =	seq.s32 @!p0 s5, $0x0  }
0x1f: {  	s9 =	smul.u32 $0xF7A, s1;
	s8 =	simm.s32 @!p0 $0x1BF5;
	p2 =	por !p2, p0  }
0x20: {  	[sflag:s8] =	ssyncset.s32 @!p0 $0xFFFFF086;
	s6 =	sadd.s32 @!p0 s3, s7;
	s7 =	simm.s32 @!p0 $0x108  }
0x21: {  	s3 =	sadd.s32 s3, s9;
	s6 =	sadd.s32 @!p0 $0x88, s6;
	s7 =	simm.s32 @p2 $0x1082  }
0x22: {  	[simem:s7], [sflag:s8] =	dma.local @!p0 [hbm:s6], $0xF7A  }
0x23: {  	s9 =	sor.u32 $0xD0000000, s2;
	s6 =	simm.s32 $0x108;
	_ =	swait.ge @!p0 [sflag:s8], $0x0  }
0x24: {  	s3 =	sadd.s32 $0x88, s3;
	s6 =	simm.s32 @!p1 $0x1082;
	[sflag:s4] =	ssyncset.s32 $0xFFFFF086  }
0x25: {  	[simem:s6], [sflag:s4] =	dma.local [hbm:s3], $0xF7A  }
0x26: {  	[smem:$0x3F99] =	sst s1;
	(tag) =	ssettag s2;
	_ =	strace s9  }
0x27: {  	s1 =	sld [smem:$0x3FA9]  }
0x28: {  	s2 =	sld [smem:$0x3FAA]  }
0x29: {  	s4 =	sld [smem:$0x3FAC]  }
0x2a: {  	p0 =	seq.s32 s5, $0x0;
	s5 =	sld [smem:$0x3FAD]  }
0x2b: {  	s6 =	sld [smem:$0x3FAE]  }
0x2c: {  	s7 =	sld [smem:$0x3FAF]  }
0x2d: {  	s3 =	simm.s32 $0x108;
	s8 =	sld [smem:$0x3FB0]  }
0x2e: {  	s3 =	simm.s32 @!p0 $0x1082;
	s9 =	sld [smem:$0x3FB1]  }
0x2f: {  	lr =	sadd.s32 s0, s3;
	s0 =	sld [smem:$0x3FA8]  }
0x30: {  	s3 =	sld [smem:$0x3FAB]  }
0x31: {  	[smem:$0x3FB4] =	sst s10  }
0x32: {  	s10 =	sld [smem:$0x3FB2];
	_ =	sdelay $0x3  }
0x33: {  	p0 =	seq.s32 s10, $0x1;
	s10 =	sld [smem:$0x3FB4];
	_ =	sdelay $0x3  }
0x34: {  	[smem:$0x3FB4] =	sst s10  }
0x35: {  	s10 =	sld [smem:$0x3FB3];
	_ =	sdelay $0x3  }
0x36: {  	p1 =	seq.s32 s10, $0x1;
	s10 =	sld [smem:$0x3FB4];
	_ =	sdelay $0x3  }
0x37: {  	[smem:$0x3FB4] =	sst s10  }
0x38: {  	s10 =	sld [smem:$0x3FB5]  }
0x39: {  	_ = 	snop;
	(pc) =	sbr.ind lr, $3  }
0x3a: {  	_ = 	snop  }
0x3b: {  	_ = 	snop  }
0x3c: {  	p2 =	seq.s32 s10, $0x1;
	s10 =	sld [smem:$0x3FB4]  }
0x3d: {  	_ =	shalt  }
0x3e: {  	_ =	shalt  }
0x3f: {  	_ =	shalt  }
0x40: {  	_ =	shalt  }
0x41: {  	_ =	shalt  }
0x42: {  	_ =	shalt  }
0x43: {  	_ =	shalt  }
0x44: {  	_ =	shalt  }
0x45: {  	_ =	shalt  }
0x46: {  	_ =	shalt  }
0x47: {  	_ =	shalt  }
0x48: {  	_ =	shalt  }
0x49: {  	_ =	shalt  }
0x4a: {  	_ =	shalt  }
0x4b: {  	_ =	shalt  }
0x4c: {  	_ =	shalt  }
0x4d: {  	_ =	shalt  }
0x4e: {  	_ =	shalt  }
0x4f: {  	_ =	shalt  }
0x50: {  	_ =	shalt  }
0x51: {  	_ =	shalt  }
0x52: {  	_ =	shalt  }
0x53: {  	_ =	shalt  }
0x54: {  	_ =	shalt  }
0x55: {  	_ =	shalt  }
0x56: {  	_ =	shalt  }
0x57: {  	_ =	shalt  }
0x58: {  	_ =	shalt  }
0x59: {  	_ =	shalt  }
0x5a: {  	_ =	shalt  }
0x5b: {  	_ =	shalt  }
0x5c: {  	_ =	shalt  }
0x5d: {  	_ =	shalt  }
0x5e: {  	_ =	shalt  }
0x5f: {  	_ =	shalt  }
0x60: {  	_ =	shalt  }
0x61: {  	_ =	shalt  }
0x62: {  	_ =	shalt  }
0x63: {  	_ =	shalt  }
0x64: {  	_ =	shalt  }
0x65: {  	_ =	shalt  }
0x66: {  	_ =	shalt  }
0x67: {  	_ =	shalt  }
0x68: {  	_ =	shalt  }
0x69: {  	_ =	shalt  }
0x6a: {  	_ =	shalt  }
0x6b: {  	_ =	shalt  }
0x6c: {  	_ =	shalt  }
0x6d: {  	_ =	shalt  }
0x6e: {  	_ =	shalt  }
0x6f: {  	_ =	shalt  }
0x70: {  	_ =	shalt  }
0x71: {  	_ =	shalt  }
0x72: {  	_ =	shalt  }
0x73: {  	_ =	shalt  }
0x74: {  	_ =	shalt  }
0x75: {  	_ =	shalt  }
0x76: {  	_ =	shalt  }
0x77: {  	_ =	shalt  }
0x78: {  	_ =	shalt  }
0x79: {  	_ =	shalt  }
0x7a: {  	_ =	shalt  }
0x7b: {  	_ =	shalt  }
0x7c: {  	_ =	shalt  }
0x7d: {  	_ =	shalt  }
0x7e: {  	_ =	shalt  }
0x7f: {  	_ =	shalt  }
0x80: {  	_ =	shalt  }
0x81: {  	_ =	shalt  }
0x82: {  	_ =	shalt  }
0x83: {  	_ =	shalt  }
0x84: {  	_ =	shalt  }
0x85: {  	_ =	shalt  }
0x86: {  	_ =	shalt  }
0x87: {  	_ =	shalt  }
.Lfunc_end0:
.L_simem_size_0:
called_computation.2_lowered:
.L_overlay_start_0:
0x88: {  	s2 =	sld [smem:$0x3FD9]  }
0x89: {  	s3 =	sld [smem:$0x3FFE];
	_ =	sdelay $0x1  }
0x8a: {  	s1 =	srdreg.scid  }
0x8b: {  	s0 =	sand.u32 $0x1, s1  }
0x8c: {  	s16 =	sshll.u32 s0, $0xA;
	s2 =	sadd.s32 s3, s2  }
0x8d: {  	s2 =	sadd.s32 s2, s16  }
0x8e: {  	[smem:$0x3FC0] =	sst s2  }
0x8f: {  	_ = 	snop  }
0x90: {  	(tm) =	ssettm $0x1  }
0x91: {  	s17 =	sld [smem:$0x3FFB];
	_ =	sdelay $0x3  }
0x92: {  	_ =	strace s17  }
0x93: {  	s2 =	sld [smem:$0x3FFC];
	_ =	sdelay $0x3  }
0x94: {  	_ =	strace s2  }
0x95: {  	s2 =	sld [smem:$0x3FFD];
	_ =	sdelay $0x3  }
0x96: {  	_ =	strace s2  }
0x97: {  	_ =	strace $0x8FFFFFFF  }
0x98: {  	s18 =	sld [smem:$0x3FDB];
	_ =	sdelay $0x1  }
0x99: {  	s19 =	simm.s32 $_scs_section_size  }
0x9a: {  	s4 =	simm.s32 $_size__tile_overlayer_lowered;
	s5 =	simm.s32 $_tile_overlayer_lowered  }
0x9b: {  	s22 =	simm.s32 $0x1BFF;
	s21 =	sshll.u32 s5, $0x1;
	s2 =	sadd.s32 s19, s18  }
0x9c: {  	s6 =	simm.s32 $0x0;
	s20 =	sshll.u32 s4, $0x1;
	s4 =	sadd.s32 s21, s2  }
0x9d: {  	[timem:s6], [sflag:s22] =	dma.local [hbm:s4], s20  }
0x9e: {  	_ =	swait.ge [sflag:s22], s20  }
0x9f: {  	s3 =	ssub.s32 $0x0, s20;
	[sflag:s22] =	ssyncset.done $0x0  }
0xa0: {  	[sflag:s22] =	ssyncadd.s32 s3;
	_ =	sdelay $0x1  }
0xa1: {  	s23 =	simm.s32 $0x1B8B  }
0xa2: {  	_ =	swait.ge [sflag:s23], $0x1  }
0xa3: {  	[sflag:s23] =	ssyncset.done $0x0  }
0xa4: {  	s25 =	simm.s32 $0x1B8E;
	s24 =	sld [smem:$0x3FFE];
	[sflag:s23] =	ssyncadd.s32 $0xFFFFFFFF  }
0xa5: {  	s26 =	simm.s32 $execute0_lowered;
	[smem:$0x3FD2] =	sst s25  }
0xa6: {  	s4 =	sshll.u32 s26, $0x1;
	_ =	strace $0x8000004C;
	[dreg:$0x1] =	wrdreg $0xFFFFFFFF  }
0xa7: {  	s28 =	simm.s32 $_size_execute0_lowered;
	s2 =	sadd.s32 s2, s4;
	[dreg:$0x0] =	wrdreg $0x0  }
0xa8: {  	s4 =	sshll.u32 s28, $0x1;
	[dreg:$0x2] =	wrdreg s2  }
0xa9: {  	[dreg:$0x3] =	wrdreg s4  }
0xaa: {  	[dreg:$0x4] =	wrdreg $0xC0  }
0xab: {  	_ =	task [dreg:s6], $0x5FFFF  }
0xac: {  	[dreg:$0x1] =	wrdreg $0xFFFFFFFF  }
0xad: {  	[dreg:$0x0] =	wrdreg $0x60  }
0xae: {  	[dreg:$0x2] =	wrdreg s24  }
0xaf: {  	[dreg:$0x3] =	wrdreg $0xA8000  }
0xb0: {  	[dreg:$0x4] =	wrdreg $0x9  }
0xb1: {  	_ =	task.clear_ibuf [dreg:s6], $0x5FFFF;
	_ =	strace $0x9000004C  }
0xb2: {  	s29 =	simm.s32 $0x9;
	_ =	strace $0x8000004E  }
0xb3: {  	_ =	swait.ge [sflag:s29], $0x1  }
0xb4: {  	[sflag:s29] =	ssyncadd.s32 $0xFFFFFFFF  }
0xb5: {  	_ =	strace $0x9000004E  }
0xb6: {  	_ =	sfence  }
0xb7: {  	s30 =	sld [smem:$0x0];
	_ =	sdelay $0x2  }
0xb8: {  	s31 =	sshll.u32 s1, $0xD;
	s1 =	sshrl.u32 s1, $0x2  }
0xb9: {  	s3 =	sand.u32 $0x4000, s31;
	s1 =	sadd.s32 s1, s30  }
0xba: {  	s0 =	sor.u32 s3, s0;
	s1 =	sshll.u32 s1, $0x11  }
0xbb: {  	s0 =	sor.u32 s1, s0  }
0xbc: {  	s0 =	sadd.s32 $0x8F2B, s0  }
0xbd: {  	[sflag:s0] =	ssyncadd.remote.s32 $0x1  }
0xbe: {  	_ =	sfence.sel $0xFFFF  }
0xbf: {  	[dreg:$0x0] =	wrdreg $0xFFFFFFFF;
	(pc) =	sbr.abs _section_cstart, $3  }
0xc0: {  	[dreg:$0x1] =	wrdreg $0xFFFFFFFF  }
0xc1: {  	_ =	task.clear_ibuf [dreg:s6], $0x2FFFF;
	_ =	strace $0x9FFFFFFF  }
0xc2: {  	(tm) =	ssettm $0x7FFFFFFF  }
0xc3: {  	_ =	shalt  }
tec
execute0_lowered:
.L_overlay_start_1:
0x0: {  	(tag) =	ssettag $0x1  }
0x1: {  	s8 =	rddreg [dreg:$0x0]  }
0x2: {  	s1 =	rddreg [dreg:$0x1]  }
0x3: {  	s2 =	srdreg.scid;
	s0 =	rddreg [dreg:$0x2]  }
0x4: {  	s3 =	simm.s32 $0x0;
	s16 =	simm.s32 $0x6800;
	s17 =	simm.s32 $0x1  }
0x5: {  	s18 =	simm.s32 $0x2;
	s19 =	simm.s32 $0x2700;
	s5 =	sand.u32 $0x1, s2  }
0x6: {  	s20 =	simm.s32 $0x2780;
	s2 =	stileid.u32;
	s6 =	smul.u32 $0x5000, s5  }
0x7: {  	[smem:$0x7FF] =	sst s3;
	s4 =	sadd.s32 $0x6000, s8;
	s21 =	smul.u32 $0x280, s2  }
0x8: {  	s22 =	sadd.s32 $0x58800, s8;
	_ =	strace $0x8000004D;
	s24 =	smul.u32 $0x28000, s5  }
0x9: {  	s10 =	ssub.s32 $0x2, s5;
	s5 =	sadd.s32 $0x3800, s8;
	s12 =	smul.u32 $0x50000, s2  }
0xa: {  	s25 =	sshrl.u32 s2, $0x3;
	s29 =	sshll.u32 s2, $0x7;
	s14 =	sshll.u32 s2, $0x6  }
0xb: {  	s11 =	sshrl.u32 s10, $0x1;
	s28 =	smul.u32 $0xA000, s25;
	s15 =	sand.u32 $0x380, s29  }
0xc: {  	s7 =	sadd.s32 s6, s8;
	s9 =	sadd.s32 s21, s8;
	s13 =	sadd.s32 s24, s8  }
0xd: {  	s10 =	ssub.s32 s10, s11;
	s26 =	sshrl.u32 s12, $0x2;
	s6 =	sor.u32 $0x1C03, s14  }
0xe: {  	s24 =	smul.u32 $0x2800, s2;
	s14 =	simm.s32 $0x1400;
	s21 =	sadd.s32 s21, s22  }
0xf: {  	s11 =	sadd.s32 s26, s1;
	s30 =	sadd.s32 $0x5B000, s7;
	s31 =	sor.u32 s15, s28  }
0x10: {  	s7 =	sadd.s32 $0x56000, s9;
	s23 =	sadd.s32 $0x65000, s13;
	s8 =	smax.u32 s10, $0x1  }
0x11: {  	s10 =	simm.s32 $0x3;
	s13 =	simm.s32 $0x400;
	s15 =	simm.s32 $0x2800  }
0x12: {  	s12 =	sshrl.u32 s31, $0x3;
	s9 =	sshrl.u32 s11, $0x3;
	s22 =	sadd.s32 s24, s23  }
0x13: {  	s23 =	simm.s32 $0x0;
	s11 =	sadd.s32 s12, s30;
	s12 =	simm.s32 $0x80  }
.LBB2_1:
0x14: {  	[spmem:s9], [sflag:s6] =	dma.local [hbm:s5], $0x2800  }
0x15: {  	_ =	swait.ge [sflag:s10], $0x2800  }
0x16: {  	[sflag:s10] =	ssyncset.done $0x0  }
0x17: {  	[sflag:s10] =	ssyncadd.s32 $0xFFFFD800  }
0x18: {  	[bflag:$0x0] =	sbarrier.arrive $0xFFFF  }
0x19: {  	[tilespmem:s3], [sflag:$0x3] =	stream.strided.gather [hbm4b:s11+s12], $0x1400, s13, s12, $0x38;
	[tilespmem:$0x1E800] =	vst v63  }
0x1a: {  	_ =	swait.ge [sflag:s10], $0x1400  }
0x1b: {  	[sflag:s10] =	ssyncset.done $0x0  }
0x1c: {  	[sflag:s10] =	ssyncadd.s32 $0xFFFFEC00  }
0x1d: {  	[tilespmem:s14], [sflag:$0x3] =	stream.linear.gather [hbm4b:s7+s3], $0x1400, $0x38;
	[tilespmem:$0x1E800] =	vst v63  }
0x1e: {  	_ =	swait.ge [sflag:s10], $0x1400  }
0x1f: {  	[sflag:s10] =	ssyncset.done $0x0  }
0x20: {  	[sflag:s10] =	ssyncadd.s32 $0xFFFFEC00  }
0x21: {  	[tilespmem:s15], [sflag:$0x1] =	stream.indirect.gather [hbm4b:s4+s12], $0x80, s3, s12, $0xb8;
	[tilespmem:$0x1E800] =	vst v63  }
0x22: {  	_ = 	snop  }
0x23: {  	[tilespmem:s16], [sflag:$0x2] =	stream.indirect.gather [hbm4b:s4+s12], $0x80, s12, s12, $0xb8;
	[tilespmem:$0x1E800] =	vst v63  }
0x24: {  	_ =	swait.ge [sflag:s17], $0x4000  }
0x25: {  	[sflag:s17] =	ssyncset.done $0x0  }
0x26: {  	s24 =	simm.s32 $0x1400;
	[sflag:s17] =	ssyncadd.s32 $0xFFFFC000  }
0x27: {  	[spmem:s1] =	stream.indirect.scatter.add.f32 [tilespmem:s15], [sflag:$0x3], $0x80, s24, s12, $0xb8;
	[tilespmem:$0x1E800] =	vst v63  }
0x28: {  	_ =	swait.ge [sflag:s10], $0x4000  }
0x29: {  	[sflag:s10] =	ssyncset.done $0x0  }
0x2a: {  	s30 =	simm.s32 $0x100;
	[sflag:s10] =	ssyncadd.s32 $0xFFFFC000  }
0x2b: {  	[tilespmem:s15], [sflag:$0x1] =	stream.indirect.gather [hbm4b:s4+s12], $0x80, s30, s12, $0xb8;
	[tilespmem:$0x1E800] =	vst v63  }
0x2c: {  	_ =	swait.ge [sflag:s18], $0x4000  }
0x2d: {  	[sflag:s18] =	ssyncset.done $0x0  }
0x2e: {  	s31 =	simm.s32 $0x1480;
	[sflag:s18] =	ssyncadd.s32 $0xFFFFC000  }
0x2f: {  	[spmem:s1] =	stream.indirect.scatter.add.f32 [tilespmem:s16], [sflag:$0x3], $0x80, s31, s12, $0xb8;
	[tilespmem:$0x1E800] =	vst v63  }
0x30: {  	_ =	swait.ge [sflag:s10], $0x4000  }
0x31: {  	[sflag:s10] =	ssyncset.done $0x0  }
0x32: {  	s25 =	simm.s32 $0x180;
	s24 =	simm.s32 $0x400;
	[sflag:s10] =	ssyncadd.s32 $0xFFFFC000  }
.LBB2_2:
0x33: {  	[tilespmem:s16], [sflag:$0x2] =	stream.indirect.gather [hbm4b:s4+s12], $0x80, s25, s12, $0xb8;
	[tilespmem:$0x1E800] =	vst v63  }
0x34: {  	s25 =	smov.u32 s24  }
0x35: {  	p0 =	sne.s32 s24, $0x4800;
	s24 =	sadd.s32 $0x400, s24;
	_ =	swait.ge [sflag:s17], $0x4000  }
0x36: {  	s25 =	sshra.s32 s25, $0x2;
	[sflag:s17] =	ssyncset.done $0x0  }
0x37: {  	s26 =	sadd.s32 $0x1400, s25;
	[sflag:s17] =	ssyncadd.s32 $0xFFFFC000  }
0x38: {  	[spmem:s1] =	stream.indirect.scatter.add.f32 [tilespmem:s15], [sflag:$0x3], $0x80, s26, s12, $0xb8;
	[tilespmem:$0x1E800] =	vst v63  }
0x39: {  	_ =	swait.ge [sflag:s10], $0x4000  }
0x3a: {  	[sflag:s10] =	ssyncset.done $0x0  }
0x3b: {  	s26 =	sadd.s32 $0x100, s25;
	[sflag:s10] =	ssyncadd.s32 $0xFFFFC000  }
0x3c: {  	[tilespmem:s15], [sflag:$0x1] =	stream.indirect.gather [hbm4b:s4+s12], $0x80, s26, s12, $0xb8;
	[tilespmem:$0x1E800] =	vst v63  }
0x3d: {  	_ =	swait.ge [sflag:s18], $0x4000  }
0x3e: {  	[sflag:s18] =	ssyncset.done $0x0  }
.Ltmp0:
0x3f: {  	s26 =	sadd.s32 $0x1480, s25;
	[sflag:s18] =	ssyncadd.s32 $0xFFFFC000;
	(pc) =	sbr.rel @p0 .LBB2_2-.Ltmp0, $4  }
0x40: {  	[spmem:s1] =	stream.indirect.scatter.add.f32 [tilespmem:s16], [sflag:$0x3], $0x80, s26, s12, $0xb8;
	[tilespmem:$0x1E800] =	vst v63  }
0x41: {  	_ =	swait.ge [sflag:s10], $0x4000  }
0x42: {  	[sflag:s10] =	ssyncset.done $0x0  }
0x43: {  	s25 =	sadd.s32 $0x180, s25;
	[sflag:s10] =	ssyncadd.s32 $0xFFFFC000  }
0x44: {  	[tilespmem:s16], [sflag:$0x2] =	stream.indirect.gather [hbm4b:s4+s12], $0x80, s25, s12, $0xb8;
	[tilespmem:$0x1E800] =	vst v63  }
0x45: {  	_ =	swait.ge [sflag:s17], $0x4000  }
0x46: {  	[sflag:s17] =	ssyncset.done $0x0  }
0x47: {  	[sflag:s17] =	ssyncadd.s32 $0xFFFFC000  }
0x48: {  	[spmem:s1] =	stream.indirect.scatter.add.f32 [tilespmem:s15], [sflag:$0x3], $0x80, s19, s12, $0xb8;
	[tilespmem:$0x1E800] =	vst v63  }
0x49: {  	_ =	swait.ge [sflag:s10], $0x4000  }
0x4a: {  	[sflag:s10] =	ssyncset.done $0x0  }
0x4b: {  	[sflag:s10] =	ssyncadd.s32 $0xFFFFC000  }
0x4c: {  	_ =	swait.ge [sflag:s18], $0x4000  }
0x4d: {  	[sflag:s18] =	ssyncset.done $0x0  }
0x4e: {  	[sflag:s18] =	ssyncadd.s32 $0xFFFFC000  }
0x4f: {  	[spmem:s1] =	stream.indirect.scatter.add.f32 [tilespmem:s16], [sflag:$0x3], $0x80, s20, s12, $0xb8;
	[tilespmem:$0x1E800] =	vst v63  }
0x50: {  	_ =	swait.ge [sflag:s10], $0x4000  }
0x51: {  	[sflag:s10] =	ssyncset.done $0x0  }
0x52: {  	s24 =	sadd.s32 $0x2800, s11;
	s28 =	simm.s32 $0x0;
	[sflag:s10] =	ssyncadd.s32 $0xFFFFC000  }
0x53: {  	[tilespmem:s28], [sflag:$0x3] =	stream.strided.gather [hbm4b:s24+s12], $0x1400, s13, s12, $0x38;
	[tilespmem:$0x1E800] =	vst v63  }
0x54: {  	_ =	swait.ge [sflag:s10], $0x1400  }
0x55: {  	[sflag:s10] =	ssyncset.done $0x0  }
0x56: {  	[sflag:s10] =	ssyncadd.s32 $0xFFFFEC00  }
0x57: {  	[tilespmem:s14], [sflag:$0x3] =	stream.linear.gather [hbm4b:s21+s28], $0x1400, $0x38;
	[tilespmem:$0x1E800] =	vst v63  }
0x58: {  	_ =	swait.ge [sflag:s10], $0x1400  }
0x59: {  	[sflag:s10] =	ssyncset.done $0x0  }
0x5a: {  	[sflag:s10] =	ssyncadd.s32 $0xFFFFEC00  }
0x5b: {  	[tilespmem:s15], [sflag:$0x1] =	stream.indirect.gather [hbm4b:s4+s12], $0x80, s28, s12, $0xb8;
	[tilespmem:$0x1E800] =	vst v63  }
0x5c: {  	_ = 	snop  }
0x5d: {  	[tilespmem:s16], [sflag:$0x2] =	stream.indirect.gather [hbm4b:s4+s12], $0x80, s12, s12, $0xb8;
	[tilespmem:$0x1E800] =	vst v63  }
0x5e: {  	_ =	swait.ge [sflag:s17], $0x4000  }
0x5f: {  	[sflag:s17] =	ssyncset.done $0x0  }
0x60: {  	s29 =	simm.s32 $0x1400;
	[sflag:s17] =	ssyncadd.s32 $0xFFFFC000  }
0x61: {  	[spmem:s1] =	stream.indirect.scatter.add.f32 [tilespmem:s15], [sflag:$0x3], $0x80, s29, s12, $0xb8;
	[tilespmem:$0x1E800] =	vst v63  }
0x62: {  	_ =	swait.ge [sflag:s10], $0x4000  }
0x63: {  	[sflag:s10] =	ssyncset.done $0x0  }
0x64: {  	s30 =	simm.s32 $0x100;
	[sflag:s10] =	ssyncadd.s32 $0xFFFFC000  }
0x65: {  	[tilespmem:s15], [sflag:$0x1] =	stream.indirect.gather [hbm4b:s4+s12], $0x80, s30, s12, $0xb8;
	[tilespmem:$0x1E800] =	vst v63  }
0x66: {  	_ =	swait.ge [sflag:s18], $0x4000  }
0x67: {  	[sflag:s18] =	ssyncset.done $0x0  }
0x68: {  	s31 =	simm.s32 $0x1480;
	[sflag:s18] =	ssyncadd.s32 $0xFFFFC000  }
0x69: {  	[spmem:s1] =	stream.indirect.scatter.add.f32 [tilespmem:s16], [sflag:$0x3], $0x80, s31, s12, $0xb8;
	[tilespmem:$0x1E800] =	vst v63  }
0x6a: {  	_ =	swait.ge [sflag:s10], $0x4000  }
0x6b: {  	[sflag:s10] =	ssyncset.done $0x0  }
0x6c: {  	s25 =	simm.s32 $0x180;
	s24 =	simm.s32 $0x400;
	[sflag:s10] =	ssyncadd.s32 $0xFFFFC000  }
.LBB2_4:
0x6d: {  	[tilespmem:s16], [sflag:$0x2] =	stream.indirect.gather [hbm4b:s4+s12], $0x80, s25, s12, $0xb8;
	[tilespmem:$0x1E800] =	vst v63  }
0x6e: {  	s25 =	smov.u32 s24  }
0x6f: {  	p0 =	sne.s32 s24, $0x4800;
	s24 =	sadd.s32 $0x400, s24;
	_ =	swait.ge [sflag:s17], $0x4000  }
0x70: {  	s25 =	sshra.s32 s25, $0x2;
	[sflag:s17] =	ssyncset.done $0x0  }
0x71: {  	s26 =	sadd.s32 $0x1400, s25;
	[sflag:s17] =	ssyncadd.s32 $0xFFFFC000  }
0x72: {  	[spmem:s1] =	stream.indirect.scatter.add.f32 [tilespmem:s15], [sflag:$0x3], $0x80, s26, s12, $0xb8;
	[tilespmem:$0x1E800] =	vst v63  }
0x73: {  	_ =	swait.ge [sflag:s10], $0x4000  }
0x74: {  	[sflag:s10] =	ssyncset.done $0x0  }
0x75: {  	s26 =	sadd.s32 $0x100, s25;
	[sflag:s10] =	ssyncadd.s32 $0xFFFFC000  }
0x76: {  	[tilespmem:s15], [sflag:$0x1] =	stream.indirect.gather [hbm4b:s4+s12], $0x80, s26, s12, $0xb8;
	[tilespmem:$0x1E800] =	vst v63  }
0x77: {  	_ =	swait.ge [sflag:s18], $0x4000  }
0x78: {  	[sflag:s18] =	ssyncset.done $0x0  }
.Ltmp1:
0x79: {  	s26 =	sadd.s32 $0x1480, s25;
	[sflag:s18] =	ssyncadd.s32 $0xFFFFC000;
	(pc) =	sbr.rel @p0 .LBB2_4-.Ltmp1, $4  }
0x7a: {  	[spmem:s1] =	stream.indirect.scatter.add.f32 [tilespmem:s16], [sflag:$0x3], $0x80, s26, s12, $0xb8;
	[tilespmem:$0x1E800] =	vst v63  }
0x7b: {  	_ =	swait.ge [sflag:s10], $0x4000  }
0x7c: {  	[sflag:s10] =	ssyncset.done $0x0  }
0x7d: {  	s25 =	sadd.s32 $0x180, s25;
	[sflag:s10] =	ssyncadd.s32 $0xFFFFC000  }
0x7e: {  	[tilespmem:s16], [sflag:$0x2] =	stream.indirect.gather [hbm4b:s4+s12], $0x80, s25, s12, $0xb8;
	[tilespmem:$0x1E800] =	vst v63  }
0x7f: {  	_ =	swait.ge [sflag:s17], $0x4000  }
0x80: {  	[sflag:s17] =	ssyncset.done $0x0  }
0x81: {  	[sflag:s17] =	ssyncadd.s32 $0xFFFFC000  }
0x82: {  	[spmem:s1] =	stream.indirect.scatter.add.f32 [tilespmem:s15], [sflag:$0x3], $0x80, s19, s12, $0xb8;
	[tilespmem:$0x1E800] =	vst v63  }
0x83: {  	_ =	swait.ge [sflag:s10], $0x4000  }
0x84: {  	[sflag:s10] =	ssyncset.done $0x0  }
0x85: {  	[sflag:s10] =	ssyncadd.s32 $0xFFFFC000  }
0x86: {  	_ =	swait.ge [sflag:s18], $0x4000  }
0x87: {  	[sflag:s18] =	ssyncset.done $0x0  }
0x88: {  	[sflag:s18] =	ssyncadd.s32 $0xFFFFC000  }
0x89: {  	[spmem:s1] =	stream.indirect.scatter.add.f32 [tilespmem:s16], [sflag:$0x3], $0x80, s20, s12, $0xb8;
	[tilespmem:$0x1E800] =	vst v63  }
0x8a: {  	_ =	swait.ge [sflag:s10], $0x4000  }
0x8b: {  	s23 =	sadd.s32 $0x1, s23;
	[sflag:s10] =	ssyncset.done $0x0  }
0x8c: {  	p0 =	sne.s32 s23, s8;
	[sflag:s10] =	ssyncadd.s32 $0xFFFFC000  }
.Ltmp2:
0x8d: {  	[bflag:$0x0] =	sbarrier.arrive $0xFFFF;
	(pc) =	sbr.rel @p0 .LBB2_1-.Ltmp2, $4  }
0x8e: {  	[hbm:s22], [sflag:s6] =	dma.local [spmem:s9], $0x2800  }
0x8f: {  	_ =	swait.ge [sflag:s10], $0x2800  }
0x90: {  	[sflag:s10] =	ssyncset.done $0x0  }
0x91: {  	[sflag:s10] =	ssyncadd.s32 $0xFFFFD800  }
0x92: {  	_ =	sfence.sel $0x180000  }
0x93: {  	[bflag:$0x0] =	sbarrier.arrive $0xFFFF  }
0x94: {  	p0 =	sne.s32 s2, $0x0;
	_ =	strace $0x9000004D  }
0x95: {  	s0 =	sadd.s32 @!p0 $0x100000, s0;
	[bflag:$0x2] =	sbarrier.arrive $0xFFFF  }
0x96: {  	[sflag:s0] =	ssyncadd.tile.s32 @!p0 $0x1;
	_ =	shalt  }
.Lfunc_end2:
_tile_overlayer_lowered:
.L_overlay_start_2:
0x97: {  	(tag) =	ssettag $0x2  }
0x98: {  	s0 =	rddreg [dreg:$0x0];
	s2 =	stileid.u32  }
0x99: {  	s1 =	rddreg [dreg:$0x1];
	p0 =	sne.s32 s2, $0x0  }
0x9a: {  	s3 =	rddreg [dreg:$0x2];
	[bflag:$0x3] =	sbarrier.arrive $0xFFFF;
	s2 =	simm.s32 @!p0 $0x1C03  }
0x9b: {  	[timem:s3], [sflag:s2] =	dma.local @!p0 [hbm:s0], s1  }
0x9c: {  	s0 =	simm.s32 @!p0 $0x3  }
0x9d: {  	_ =	swait.ge @!p0 [sflag:s0], s1  }
0x9e: {  	s1 =	ssub.s32 @!p0 $0x0, s1;
	[sflag:s0] =	ssyncset.done @!p0 $0x0  }
0x9f: {  	[sflag:s0] =	ssyncadd.s32 @!p0 s1  }
0xa0: {  	[bflag:$0x3] =	sbarrier.arrive $0xFFFF  }
0xa1: {  	_ =	shalt  }

// kernel: _run.20.cloned.1.call-start
scs
__scs_entry_jumppad:
0x0: {  	(pc) =	sbr.rel $0x88, $3  }
0x1: {  	(tag) =	ssettag $0x0;
	lr =	simm.s32 $0x1  }
0x2: {  	[smem:$0x3F99] =	sst lr;
	_ =	strace $0xD0000000  }
0x3: {  	_ = 	snop  }
0x4: {  	_ = 	snop  }
0x5: {  	_ = 	snop  }
0x6: {  	_ = 	snop  }
0x7: {  	_ = 	snop  }
__scs_overlays_trampoline_lowered:
0x8: {  	[smem:$0x3FA8] =	sst s0  }
0x9: {  	[smem:$0x3FA9] =	sst s1  }
0xa: {  	[smem:$0x3FAA] =	sst s2  }
0xb: {  	[smem:$0x3FAB] =	sst s3  }
0xc: {  	[smem:$0x3FAC] =	sst s4  }
0xd: {  	[smem:$0x3FAD] =	sst s5  }
0xe: {  	[smem:$0x3FAE] =	sst s6  }
0xf: {  	[smem:$0x3FAF] =	sst s7  }
0x10: {  	[smem:$0x3FB0] =	sst s8  }
0x11: {  	[smem:$0x3FB1] =	sst s9;
	s0 =	simm.s32 @!p0 $0x0  }
0x12: {  	s1 =	sld [smem:$0x3F97];
	s0 =	simm.s32 @p0 $0x1  }
0x13: {  	[smem:$0x3FB2] =	sst s0;
	s0 =	simm.s32 @!p1 $0x0  }
0x14: {  	s2 =	sld [smem:$0x3F96];
	s0 =	simm.s32 @p1 $0x1  }
0x15: {  	[smem:$0x3FB3] =	sst s0;
	s0 =	simm.s32 @!p2 $0x0  }
0x16: {  	s3 =	sld [smem:$0x3FDB];
	s0 =	simm.s32 @p2 $0x1  }
0x17: {  	s4 =	simm.s32 $0x1BF5;
	[smem:$0x3FB5] =	sst s0  }
0x18: {  	s0 =	sld [smem:$0x3F98];
	_ =	swait.ge [sflag:s4], $0x0  }
0x19: {  	s7 =	sld [smem:$0x3F99]  }
0x1a: {  	s8 =	sadd.s32 $0xFFFFE003, lr  }
0x1b: {  	s9 =	sadd.s32 $0xFFFFFEF7, lr;
	s5 =	simm.s32 $0xFFFFFFFF;
	p2 =	slt.u32 s8, $0xFFFFF086  }
0x1c: {  	p1 =	slt.u32 s9, $0xF7A;
	s5 =	simm.s32 @!p2 $0x0  }
0x1d: {  	s5 =	simm.s32 @p1 $0x1;
	p0 =	seq.s32 s7, s2  }
0x1e: {  	s7 =	smul.u32 @!p0 $0xF7A, s2;
	p2 =	seq.s32 @!p0 s5, $0x0  }
0x1f: {  	s9 =	smul.u32 $0xF7A, s1;
	s8 =	simm.s32 @!p0 $0x1BF5;
	p2 =	por !p2, p0  }
0x20: {  	[sflag:s8] =	ssyncset.s32 @!p0 $0xFFFFF086;
	s6 =	sadd.s32 @!p0 s3, s7;
	s7 =	simm.s32 @!p0 $0x108  }
0x21: {  	s3 =	sadd.s32 s3, s9;
	s6 =	sadd.s32 @!p0 $0x88, s6;
	s7 =	simm.s32 @p2 $0x1082  }
0x22: {  	[simem:s7], [sflag:s8] =	dma.local @!p0 [hbm:s6], $0xF7A  }
0x23: {  	s9 =	sor.u32 $0xD0000000, s2;
	s6 =	simm.s32 $0x108;
	_ =	swait.ge @!p0 [sflag:s8], $0x0  }
0x24: {  	s3 =	sadd.s32 $0x88, s3;
	s6 =	simm.s32 @!p1 $0x1082;
	[sflag:s4] =	ssyncset.s32 $0xFFFFF086  }
0x25: {  	[simem:s6], [sflag:s4] =	dma.local [hbm:s3], $0xF7A  }
0x26: {  	[smem:$0x3F99] =	sst s1;
	(tag) =	ssettag s2;
	_ =	strace s9  }
0x27: {  	s1 =	sld [smem:$0x3FA9]  }
0x28: {  	s2 =	sld [smem:$0x3FAA]  }
0x29: {  	s4 =	sld [smem:$0x3FAC]  }
0x2a: {  	p0 =	seq.s32 s5, $0x0;
	s5 =	sld [smem:$0x3FAD]  }
0x2b: {  	s6 =	sld [smem:$0x3FAE]  }
0x2c: {  	s7 =	sld [smem:$0x3FAF]  }
0x2d: {  	s3 =	simm.s32 $0x108;
	s8 =	sld [smem:$0x3FB0]  }
0x2e: {  	s3 =	simm.s32 @!p0 $0x1082;
	s9 =	sld [smem:$0x3FB1]  }
0x2f: {  	lr =	sadd.s32 s0, s3;
	s0 =	sld [smem:$0x3FA8]  }
0x30: {  	s3 =	sld [smem:$0x3FAB]  }
0x31: {  	[smem:$0x3FB4] =	sst s10  }
0x32: {  	s10 =	sld [smem:$0x3FB2];
	_ =	sdelay $0x3  }
0x33: {  	p0 =	seq.s32 s10, $0x1;
	s10 =	sld [smem:$0x3FB4];
	_ =	sdelay $0x3  }
0x34: {  	[smem:$0x3FB4] =	sst s10  }
0x35: {  	s10 =	sld [smem:$0x3FB3];
	_ =	sdelay $0x3  }
0x36: {  	p1 =	seq.s32 s10, $0x1;
	s10 =	sld [smem:$0x3FB4];
	_ =	sdelay $0x3  }
0x37: {  	[smem:$0x3FB4] =	sst s10  }
0x38: {  	s10 =	sld [smem:$0x3FB5]  }
0x39: {  	_ = 	snop;
	(pc) =	sbr.ind lr, $3  }
0x3a: {  	_ = 	snop  }
0x3b: {  	_ = 	snop  }
0x3c: {  	p2 =	seq.s32 s10, $0x1;
	s10 =	sld [smem:$0x3FB4]  }
0x3d: {  	_ =	shalt  }
0x3e: {  	_ =	shalt  }
0x3f: {  	_ =	shalt  }
0x40: {  	_ =	shalt  }
0x41: {  	_ =	shalt  }
0x42: {  	_ =	shalt  }
0x43: {  	_ =	shalt  }
0x44: {  	_ =	shalt  }
0x45: {  	_ =	shalt  }
0x46: {  	_ =	shalt  }
0x47: {  	_ =	shalt  }
0x48: {  	_ =	shalt  }
0x49: {  	_ =	shalt  }
0x4a: {  	_ =	shalt  }
0x4b: {  	_ =	shalt  }
0x4c: {  	_ =	shalt  }
0x4d: {  	_ =	shalt  }
0x4e: {  	_ =	shalt  }
0x4f: {  	_ =	shalt  }
0x50: {  	_ =	shalt  }
0x51: {  	_ =	shalt  }
0x52: {  	_ =	shalt  }
0x53: {  	_ =	shalt  }
0x54: {  	_ =	shalt  }
0x55: {  	_ =	shalt  }
0x56: {  	_ =	shalt  }
0x57: {  	_ =	shalt  }
0x58: {  	_ =	shalt  }
0x59: {  	_ =	shalt  }
0x5a: {  	_ =	shalt  }
0x5b: {  	_ =	shalt  }
0x5c: {  	_ =	shalt  }
0x5d: {  	_ =	shalt  }
0x5e: {  	_ =	shalt  }
0x5f: {  	_ =	shalt  }
0x60: {  	_ =	shalt  }
0x61: {  	_ =	shalt  }
0x62: {  	_ =	shalt  }
0x63: {  	_ =	shalt  }
0x64: {  	_ =	shalt  }
0x65: {  	_ =	shalt  }
0x66: {  	_ =	shalt  }
0x67: {  	_ =	shalt  }
0x68: {  	_ =	shalt  }
0x69: {  	_ =	shalt  }
0x6a: {  	_ =	shalt  }
0x6b: {  	_ =	shalt  }
0x6c: {  	_ =	shalt  }
0x6d: {  	_ =	shalt  }
0x6e: {  	_ =	shalt  }
0x6f: {  	_ =	shalt  }
0x70: {  	_ =	shalt  }
0x71: {  	_ =	shalt  }
0x72: {  	_ =	shalt  }
0x73: {  	_ =	shalt  }
0x74: {  	_ =	shalt  }
0x75: {  	_ =	shalt  }
0x76: {  	_ =	shalt  }
0x77: {  	_ =	shalt  }
0x78: {  	_ =	shalt  }
0x79: {  	_ =	shalt  }
0x7a: {  	_ =	shalt  }
0x7b: {  	_ =	shalt  }
0x7c: {  	_ =	shalt  }
0x7d: {  	_ =	shalt  }
0x7e: {  	_ =	shalt  }
0x7f: {  	_ =	shalt  }
0x80: {  	_ =	shalt  }
0x81: {  	_ =	shalt  }
0x82: {  	_ =	shalt  }
0x83: {  	_ =	shalt  }
0x84: {  	_ =	shalt  }
0x85: {  	_ =	shalt  }
0x86: {  	_ =	shalt  }
0x87: {  	_ =	shalt  }
.Lfunc_end0:
.L_simem_size_0:
called_computation.3_lowered:
.L_overlay_start_0:
0x88: {  	s2 =	sld [smem:$0x3FD9]  }
0x89: {  	s3 =	sld [smem:$0x3FFE];
	_ =	sdelay $0x1  }
0x8a: {  	s1 =	srdreg.scid  }
0x8b: {  	s0 =	sand.u32 $0x1, s1  }
0x8c: {  	s16 =	sshll.u32 s0, $0xA;
	s2 =	sadd.s32 s3, s2  }
0x8d: {  	s2 =	sadd.s32 s2, s16  }
0x8e: {  	[smem:$0x3FC0] =	sst s2  }
0x8f: {  	_ = 	snop  }
0x90: {  	(tm) =	ssettm $0x1  }
0x91: {  	s17 =	sld [smem:$0x3FFB];
	_ =	sdelay $0x3  }
0x92: {  	_ =	strace s17  }
0x93: {  	s2 =	sld [smem:$0x3FFC];
	_ =	sdelay $0x3  }
0x94: {  	_ =	strace s2  }
0x95: {  	s2 =	sld [smem:$0x3FFD];
	_ =	sdelay $0x3  }
0x96: {  	_ =	strace s2  }
0x97: {  	_ =	strace $0x8FFFFFFF  }
0x98: {  	s18 =	sld [smem:$0x3FDB];
	_ =	sdelay $0x1  }
0x99: {  	s19 =	simm.s32 $_scs_section_size  }
0x9a: {  	s4 =	simm.s32 $_size__tile_overlayer_lowered;
	s5 =	simm.s32 $_tile_overlayer_lowered  }
0x9b: {  	s22 =	simm.s32 $0x1BFF;
	s21 =	sshll.u32 s5, $0x1;
	s2 =	sadd.s32 s19, s18  }
0x9c: {  	s6 =	simm.s32 $0x0;
	s20 =	sshll.u32 s4, $0x1;
	s4 =	sadd.s32 s21, s2  }
0x9d: {  	[timem:s6], [sflag:s22] =	dma.local [hbm:s4], s20  }
0x9e: {  	_ =	swait.ge [sflag:s22], s20  }
0x9f: {  	s3 =	ssub.s32 $0x0, s20;
	[sflag:s22] =	ssyncset.done $0x0  }
0xa0: {  	[sflag:s22] =	ssyncadd.s32 s3;
	_ =	sdelay $0x1  }
0xa1: {  	s23 =	simm.s32 $0x1B8B  }
0xa2: {  	_ =	swait.ge [sflag:s23], $0x1  }
0xa3: {  	[sflag:s23] =	ssyncset.done $0x0  }
0xa4: {  	s25 =	simm.s32 $0x1B8E;
	s24 =	sld [smem:$0x3FFE];
	[sflag:s23] =	ssyncadd.s32 $0xFFFFFFFF  }
0xa5: {  	s26 =	simm.s32 $execute0_lowered;
	[smem:$0x3FD2] =	sst s25  }
0xa6: {  	s4 =	sshll.u32 s26, $0x1;
	_ =	strace $0x8000004F;
	[dreg:$0x1] =	wrdreg $0xFFFFFFFF  }
0xa7: {  	s28 =	simm.s32 $_size_execute0_lowered;
	s2 =	sadd.s32 s2, s4;
	[dreg:$0x0] =	wrdreg $0x0  }
0xa8: {  	s4 =	sshll.u32 s28, $0x1;
	[dreg:$0x2] =	wrdreg s2  }
0xa9: {  	[dreg:$0x3] =	wrdreg s4  }
0xaa: {  	[dreg:$0x4] =	wrdreg $0xC0  }
0xab: {  	_ =	task [dreg:s6], $0x5FFFF  }
0xac: {  	[dreg:$0x1] =	wrdreg $0xFFFFFFFF  }
0xad: {  	[dreg:$0x0] =	wrdreg $0x60  }
0xae: {  	[dreg:$0x2] =	wrdreg s24  }
0xaf: {  	[dreg:$0x3] =	wrdreg $0xA8000  }
0xb0: {  	[dreg:$0x4] =	wrdreg $0x9  }
0xb1: {  	_ =	task.clear_ibuf [dreg:s6], $0x5FFFF;
	_ =	strace $0x9000004F  }
0xb2: {  	s29 =	simm.s32 $0x9;
	_ =	strace $0x80000051  }
0xb3: {  	_ =	swait.ge [sflag:s29], $0x1  }
0xb4: {  	[sflag:s29] =	ssyncadd.s32 $0xFFFFFFFF  }
0xb5: {  	_ =	strace $0x90000051  }
0xb6: {  	_ =	sfence  }
0xb7: {  	s30 =	sld [smem:$0x0];
	_ =	sdelay $0x2  }
0xb8: {  	s31 =	sshll.u32 s1, $0xD;
	s1 =	sshrl.u32 s1, $0x2  }
0xb9: {  	s3 =	sand.u32 $0x4000, s31;
	s1 =	sadd.s32 s1, s30  }
0xba: {  	s0 =	sor.u32 s3, s0;
	s1 =	sshll.u32 s1, $0x11  }
0xbb: {  	s0 =	sor.u32 s1, s0  }
0xbc: {  	s0 =	sadd.s32 $0x8F2B, s0  }
0xbd: {  	[sflag:s0] =	ssyncadd.remote.s32 $0x1  }
0xbe: {  	_ =	sfence.sel $0xFFFF  }
0xbf: {  	[dreg:$0x0] =	wrdreg $0xFFFFFFFF;
	(pc) =	sbr.abs _section_cstart, $3  }
0xc0: {  	[dreg:$0x1] =	wrdreg $0xFFFFFFFF  }
0xc1: {  	_ =	task.clear_ibuf [dreg:s6], $0x2FFFF;
	_ =	strace $0x9FFFFFFF  }
0xc2: {  	(tm) =	ssettm $0x7FFFFFFF  }
0xc3: {  	_ =	shalt  }
tec
execute0_lowered:
.L_overlay_start_1:
0x0: {  	(tag) =	ssettag $0x1  }
0x1: {  	s8 =	rddreg [dreg:$0x0]  }
0x2: {  	s1 =	rddreg [dreg:$0x1]  }
0x3: {  	s2 =	srdreg.scid;
	s0 =	rddreg [dreg:$0x2]  }
0x4: {  	s3 =	simm.s32 $0x0;
	s16 =	simm.s32 $0x6800;
	s17 =	simm.s32 $0x1  }
0x5: {  	s18 =	simm.s32 $0x2;
	s19 =	simm.s32 $0x2700;
	s5 =	sand.u32 $0x1, s2  }
0x6: {  	s20 =	simm.s32 $0x2780;
	s2 =	stileid.u32;
	s6 =	smul.u32 $0x5000, s5  }
0x7: {  	[smem:$0x7FF] =	sst s3;
	s4 =	sadd.s32 $0x6000, s8;
	s21 =	smul.u32 $0x280, s2  }
0x8: {  	s22 =	sadd.s32 $0x58800, s8;
	_ =	strace $0x80000050;
	s24 =	smul.u32 $0x28000, s5  }
0x9: {  	s10 =	ssub.s32 $0x2, s5;
	s5 =	sadd.s32 $0x3800, s8;
	s12 =	smul.u32 $0x50000, s2  }
0xa: {  	s25 =	sshrl.u32 s2, $0x3;
	s29 =	sshll.u32 s2, $0x7;
	s14 =	sshll.u32 s2, $0x6  }
0xb: {  	s11 =	sshrl.u32 s10, $0x1;
	s28 =	smul.u32 $0xA000, s25;
	s15 =	sand.u32 $0x380, s29  }
0xc: {  	s7 =	sadd.s32 s6, s8;
	s9 =	sadd.s32 s21, s8;
	s13 =	sadd.s32 s24, s8  }
0xd: {  	s10 =	ssub.s32 s10, s11;
	s26 =	sshrl.u32 s12, $0x2;
	s6 =	sor.u32 $0x1C03, s14  }
0xe: {  	s24 =	smul.u32 $0x2800, s2;
	s14 =	simm.s32 $0x1400;
	s21 =	sadd.s32 s21, s22  }
0xf: {  	s11 =	sadd.s32 s26, s1;
	s30 =	sadd.s32 $0x5B000, s7;
	s31 =	sor.u32 s15, s28  }
0x10: {  	s7 =	sadd.s32 $0x56000, s9;
	s23 =	sadd.s32 $0x65000, s13;
	s8 =	smax.u32 s10, $0x1  }
0x11: {  	s10 =	simm.s32 $0x3;
	s13 =	simm.s32 $0x400;
	s15 =	simm.s32 $0x2800  }
0x12: {  	s12 =	sshrl.u32 s31, $0x3;
	s9 =	sshrl.u32 s11, $0x3;
	s22 =	sadd.s32 s24, s23  }
0x13: {  	s23 =	simm.s32 $0x0;
	s11 =	sadd.s32 s12, s30;
	s12 =	simm.s32 $0x80  }
.LBB2_1:
0x14: {  	[spmem:s9], [sflag:s6] =	dma.local [hbm:s5], $0x2800  }
0x15: {  	_ =	swait.ge [sflag:s10], $0x2800  }
0x16: {  	[sflag:s10] =	ssyncset.done $0x0  }
0x17: {  	[sflag:s10] =	ssyncadd.s32 $0xFFFFD800  }
0x18: {  	[bflag:$0x0] =	sbarrier.arrive $0xFFFF  }
0x19: {  	[tilespmem:s3], [sflag:$0x3] =	stream.strided.gather [hbm4b:s11+s12], $0x1400, s13, s12, $0x38;
	[tilespmem:$0x1E800] =	vst v63  }
0x1a: {  	_ =	swait.ge [sflag:s10], $0x1400  }
0x1b: {  	[sflag:s10] =	ssyncset.done $0x0  }
0x1c: {  	[sflag:s10] =	ssyncadd.s32 $0xFFFFEC00  }
0x1d: {  	[tilespmem:s14], [sflag:$0x3] =	stream.linear.gather [hbm4b:s7+s3], $0x1400, $0x38;
	[tilespmem:$0x1E800] =	vst v63  }
0x1e: {  	_ =	swait.ge [sflag:s10], $0x1400  }
0x1f: {  	[sflag:s10] =	ssyncset.done $0x0  }
0x20: {  	[sflag:s10] =	ssyncadd.s32 $0xFFFFEC00  }
0x21: {  	[tilespmem:s15], [sflag:$0x1] =	stream.indirect.gather [hbm4b:s4+s12], $0x80, s3, s12, $0xb8;
	[tilespmem:$0x1E800] =	vst v63  }
0x22: {  	_ = 	snop  }
0x23: {  	[tilespmem:s16], [sflag:$0x2] =	stream.indirect.gather [hbm4b:s4+s12], $0x80, s12, s12, $0xb8;
	[tilespmem:$0x1E800] =	vst v63  }
0x24: {  	_ =	swait.ge [sflag:s17], $0x4000  }
0x25: {  	[sflag:s17] =	ssyncset.done $0x0  }
0x26: {  	s24 =	simm.s32 $0x1400;
	[sflag:s17] =	ssyncadd.s32 $0xFFFFC000  }
0x27: {  	[spmem:s1] =	stream.indirect.scatter.add.f32 [tilespmem:s15], [sflag:$0x3], $0x80, s24, s12, $0xb8;
	[tilespmem:$0x1E800] =	vst v63  }
0x28: {  	_ =	swait.ge [sflag:s10], $0x4000  }
0x29: {  	[sflag:s10] =	ssyncset.done $0x0  }
0x2a: {  	s30 =	simm.s32 $0x100;
	[sflag:s10] =	ssyncadd.s32 $0xFFFFC000  }
0x2b: {  	[tilespmem:s15], [sflag:$0x1] =	stream.indirect.gather [hbm4b:s4+s12], $0x80, s30, s12, $0xb8;
	[tilespmem:$0x1E800] =	vst v63  }
0x2c: {  	_ =	swait.ge [sflag:s18], $0x4000  }
0x2d: {  	[sflag:s18] =	ssyncset.done $0x0  }
0x2e: {  	s31 =	simm.s32 $0x1480;
	[sflag:s18] =	ssyncadd.s32 $0xFFFFC000  }
0x2f: {  	[spmem:s1] =	stream.indirect.scatter.add.f32 [tilespmem:s16], [sflag:$0x3], $0x80, s31, s12, $0xb8;
	[tilespmem:$0x1E800] =	vst v63  }
0x30: {  	_ =	swait.ge [sflag:s10], $0x4000  }
0x31: {  	[sflag:s10] =	ssyncset.done $0x0  }
0x32: {  	s25 =	simm.s32 $0x180;
	s24 =	simm.s32 $0x400;
	[sflag:s10] =	ssyncadd.s32 $0xFFFFC000  }
.LBB2_2:
0x33: {  	[tilespmem:s16], [sflag:$0x2] =	stream.indirect.gather [hbm4b:s4+s12], $0x80, s25, s12, $0xb8;
	[tilespmem:$0x1E800] =	vst v63  }
0x34: {  	s25 =	smov.u32 s24  }
0x35: {  	p0 =	sne.s32 s24, $0x4800;
	s24 =	sadd.s32 $0x400, s24;
	_ =	swait.ge [sflag:s17], $0x4000  }
0x36: {  	s25 =	sshra.s32 s25, $0x2;
	[sflag:s17] =	ssyncset.done $0x0  }
0x37: {  	s26 =	sadd.s32 $0x1400, s25;
	[sflag:s17] =	ssyncadd.s32 $0xFFFFC000  }
0x38: {  	[spmem:s1] =	stream.indirect.scatter.add.f32 [tilespmem:s15], [sflag:$0x3], $0x80, s26, s12, $0xb8;
	[tilespmem:$0x1E800] =	vst v63  }
0x39: {  	_ =	swait.ge [sflag:s10], $0x4000  }
0x3a: {  	[sflag:s10] =	ssyncset.done $0x0  }
0x3b: {  	s26 =	sadd.s32 $0x100, s25;
	[sflag:s10] =	ssyncadd.s32 $0xFFFFC000  }
0x3c: {  	[tilespmem:s15], [sflag:$0x1] =	stream.indirect.gather [hbm4b:s4+s12], $0x80, s26, s12, $0xb8;
	[tilespmem:$0x1E800] =	vst v63  }
0x3d: {  	_ =	swait.ge [sflag:s18], $0x4000  }
0x3e: {  	[sflag:s18] =	ssyncset.done $0x0  }
.Ltmp0:
0x3f: {  	s26 =	sadd.s32 $0x1480, s25;
	[sflag:s18] =	ssyncadd.s32 $0xFFFFC000;
	(pc) =	sbr.rel @p0 .LBB2_2-.Ltmp0, $4  }
0x40: {  	[spmem:s1] =	stream.indirect.scatter.add.f32 [tilespmem:s16], [sflag:$0x3], $0x80, s26, s12, $0xb8;
	[tilespmem:$0x1E800] =	vst v63  }
0x41: {  	_ =	swait.ge [sflag:s10], $0x4000  }
0x42: {  	[sflag:s10] =	ssyncset.done $0x0  }
0x43: {  	s25 =	sadd.s32 $0x180, s25;
	[sflag:s10] =	ssyncadd.s32 $0xFFFFC000  }
0x44: {  	[tilespmem:s16], [sflag:$0x2] =	stream.indirect.gather [hbm4b:s4+s12], $0x80, s25, s12, $0xb8;
	[tilespmem:$0x1E800] =	vst v63  }
0x45: {  	_ =	swait.ge [sflag:s17], $0x4000  }
0x46: {  	[sflag:s17] =	ssyncset.done $0x0  }
0x47: {  	[sflag:s17] =	ssyncadd.s32 $0xFFFFC000  }
0x48: {  	[spmem:s1] =	stream.indirect.scatter.add.f32 [tilespmem:s15], [sflag:$0x3], $0x80, s19, s12, $0xb8;
	[tilespmem:$0x1E800] =	vst v63  }
0x49: {  	_ =	swait.ge [sflag:s10], $0x4000  }
0x4a: {  	[sflag:s10] =	ssyncset.done $0x0  }
0x4b: {  	[sflag:s10] =	ssyncadd.s32 $0xFFFFC000  }
0x4c: {  	_ =	swait.ge [sflag:s18], $0x4000  }
0x4d: {  	[sflag:s18] =	ssyncset.done $0x0  }
0x4e: {  	[sflag:s18] =	ssyncadd.s32 $0xFFFFC000  }
0x4f: {  	[spmem:s1] =	stream.indirect.scatter.add.f32 [tilespmem:s16], [sflag:$0x3], $0x80, s20, s12, $0xb8;
	[tilespmem:$0x1E800] =	vst v63  }
0x50: {  	_ =	swait.ge [sflag:s10], $0x4000  }
0x51: {  	[sflag:s10] =	ssyncset.done $0x0  }
0x52: {  	s24 =	sadd.s32 $0x2800, s11;
	s28 =	simm.s32 $0x0;
	[sflag:s10] =	ssyncadd.s32 $0xFFFFC000  }
0x53: {  	[tilespmem:s28], [sflag:$0x3] =	stream.strided.gather [hbm4b:s24+s12], $0x1400, s13, s12, $0x38;
	[tilespmem:$0x1E800] =	vst v63  }
0x54: {  	_ =	swait.ge [sflag:s10], $0x1400  }
0x55: {  	[sflag:s10] =	ssyncset.done $0x0  }
0x56: {  	[sflag:s10] =	ssyncadd.s32 $0xFFFFEC00  }
0x57: {  	[tilespmem:s14], [sflag:$0x3] =	stream.linear.gather [hbm4b:s21+s28], $0x1400, $0x38;
	[tilespmem:$0x1E800] =	vst v63  }
0x58: {  	_ =	swait.ge [sflag:s10], $0x1400  }
0x59: {  	[sflag:s10] =	ssyncset.done $0x0  }
0x5a: {  	[sflag:s10] =	ssyncadd.s32 $0xFFFFEC00  }
0x5b: {  	[tilespmem:s15], [sflag:$0x1] =	stream.indirect.gather [hbm4b:s4+s12], $0x80, s28, s12, $0xb8;
	[tilespmem:$0x1E800] =	vst v63  }
0x5c: {  	_ = 	snop  }
0x5d: {  	[tilespmem:s16], [sflag:$0x2] =	stream.indirect.gather [hbm4b:s4+s12], $0x80, s12, s12, $0xb8;
	[tilespmem:$0x1E800] =	vst v63  }
0x5e: {  	_ =	swait.ge [sflag:s17], $0x4000  }
0x5f: {  	[sflag:s17] =	ssyncset.done $0x0  }
0x60: {  	s29 =	simm.s32 $0x1400;
	[sflag:s17] =	ssyncadd.s32 $0xFFFFC000  }
0x61: {  	[spmem:s1] =	stream.indirect.scatter.add.f32 [tilespmem:s15], [sflag:$0x3], $0x80, s29, s12, $0xb8;
	[tilespmem:$0x1E800] =	vst v63  }
0x62: {  	_ =	swait.ge [sflag:s10], $0x4000  }
0x63: {  	[sflag:s10] =	ssyncset.done $0x0  }
0x64: {  	s30 =	simm.s32 $0x100;
	[sflag:s10] =	ssyncadd.s32 $0xFFFFC000  }
0x65: {  	[tilespmem:s15], [sflag:$0x1] =	stream.indirect.gather [hbm4b:s4+s12], $0x80, s30, s12, $0xb8;
	[tilespmem:$0x1E800] =	vst v63  }
0x66: {  	_ =	swait.ge [sflag:s18], $0x4000  }
0x67: {  	[sflag:s18] =	ssyncset.done $0x0  }
0x68: {  	s31 =	simm.s32 $0x1480;
	[sflag:s18] =	ssyncadd.s32 $0xFFFFC000  }
0x69: {  	[spmem:s1] =	stream.indirect.scatter.add.f32 [tilespmem:s16], [sflag:$0x3], $0x80, s31, s12, $0xb8;
	[tilespmem:$0x1E800] =	vst v63  }
0x6a: {  	_ =	swait.ge [sflag:s10], $0x4000  }
0x6b: {  	[sflag:s10] =	ssyncset.done $0x0  }
0x6c: {  	s25 =	simm.s32 $0x180;
	s24 =	simm.s32 $0x400;
	[sflag:s10] =	ssyncadd.s32 $0xFFFFC000  }
.LBB2_4:
0x6d: {  	[tilespmem:s16], [sflag:$0x2] =	stream.indirect.gather [hbm4b:s4+s12], $0x80, s25, s12, $0xb8;
	[tilespmem:$0x1E800] =	vst v63  }
0x6e: {  	s25 =	smov.u32 s24  }
0x6f: {  	p0 =	sne.s32 s24, $0x4800;
	s24 =	sadd.s32 $0x400, s24;
	_ =	swait.ge [sflag:s17], $0x4000  }
0x70: {  	s25 =	sshra.s32 s25, $0x2;
	[sflag:s17] =	ssyncset.done $0x0  }
0x71: {  	s26 =	sadd.s32 $0x1400, s25;
	[sflag:s17] =	ssyncadd.s32 $0xFFFFC000  }
0x72: {  	[spmem:s1] =	stream.indirect.scatter.add.f32 [tilespmem:s15], [sflag:$0x3], $0x80, s26, s12, $0xb8;
	[tilespmem:$0x1E800] =	vst v63  }
0x73: {  	_ =	swait.ge [sflag:s10], $0x4000  }
0x74: {  	[sflag:s10] =	ssyncset.done $0x0  }
0x75: {  	s26 =	sadd.s32 $0x100, s25;
	[sflag:s10] =	ssyncadd.s32 $0xFFFFC000  }
0x76: {  	[tilespmem:s15], [sflag:$0x1] =	stream.indirect.gather [hbm4b:s4+s12], $0x80, s26, s12, $0xb8;
	[tilespmem:$0x1E800] =	vst v63  }
0x77: {  	_ =	swait.ge [sflag:s18], $0x4000  }
0x78: {  	[sflag:s18] =	ssyncset.done $0x0  }
.Ltmp1:
0x79: {  	s26 =	sadd.s32 $0x1480, s25;
	[sflag:s18] =	ssyncadd.s32 $0xFFFFC000;
	(pc) =	sbr.rel @p0 .LBB2_4-.Ltmp1, $4  }
0x7a: {  	[spmem:s1] =	stream.indirect.scatter.add.f32 [tilespmem:s16], [sflag:$0x3], $0x80, s26, s12, $0xb8;
	[tilespmem:$0x1E800] =	vst v63  }
0x7b: {  	_ =	swait.ge [sflag:s10], $0x4000  }
0x7c: {  	[sflag:s10] =	ssyncset.done $0x0  }
0x7d: {  	s25 =	sadd.s32 $0x180, s25;
	[sflag:s10] =	ssyncadd.s32 $0xFFFFC000  }
0x7e: {  	[tilespmem:s16], [sflag:$0x2] =	stream.indirect.gather [hbm4b:s4+s12], $0x80, s25, s12, $0xb8;
	[tilespmem:$0x1E800] =	vst v63  }
0x7f: {  	_ =	swait.ge [sflag:s17], $0x4000  }
0x80: {  	[sflag:s17] =	ssyncset.done $0x0  }
0x81: {  	[sflag:s17] =	ssyncadd.s32 $0xFFFFC000  }
0x82: {  	[spmem:s1] =	stream.indirect.scatter.add.f32 [tilespmem:s15], [sflag:$0x3], $0x80, s19, s12, $0xb8;
	[tilespmem:$0x1E800] =	vst v63  }
0x83: {  	_ =	swait.ge [sflag:s10], $0x4000  }
0x84: {  	[sflag:s10] =	ssyncset.done $0x0  }
0x85: {  	[sflag:s10] =	ssyncadd.s32 $0xFFFFC000  }
0x86: {  	_ =	swait.ge [sflag:s18], $0x4000  }
0x87: {  	[sflag:s18] =	ssyncset.done $0x0  }
0x88: {  	[sflag:s18] =	ssyncadd.s32 $0xFFFFC000  }
0x89: {  	[spmem:s1] =	stream.indirect.scatter.add.f32 [tilespmem:s16], [sflag:$0x3], $0x80, s20, s12, $0xb8;
	[tilespmem:$0x1E800] =	vst v63  }
0x8a: {  	_ =	swait.ge [sflag:s10], $0x4000  }
0x8b: {  	s23 =	sadd.s32 $0x1, s23;
	[sflag:s10] =	ssyncset.done $0x0  }
0x8c: {  	p0 =	sne.s32 s23, s8;
	[sflag:s10] =	ssyncadd.s32 $0xFFFFC000  }
.Ltmp2:
0x8d: {  	[bflag:$0x0] =	sbarrier.arrive $0xFFFF;
	(pc) =	sbr.rel @p0 .LBB2_1-.Ltmp2, $4  }
0x8e: {  	[hbm:s22], [sflag:s6] =	dma.local [spmem:s9], $0x2800  }
0x8f: {  	_ =	swait.ge [sflag:s10], $0x2800  }
0x90: {  	[sflag:s10] =	ssyncset.done $0x0  }
0x91: {  	[sflag:s10] =	ssyncadd.s32 $0xFFFFD800  }
0x92: {  	_ =	sfence.sel $0x180000  }
0x93: {  	[bflag:$0x0] =	sbarrier.arrive $0xFFFF  }
0x94: {  	p0 =	sne.s32 s2, $0x0;
	_ =	strace $0x90000050  }
0x95: {  	s0 =	sadd.s32 @!p0 $0x100000, s0;
	[bflag:$0x2] =	sbarrier.arrive $0xFFFF  }
0x96: {  	[sflag:s0] =	ssyncadd.tile.s32 @!p0 $0x1;
	_ =	shalt  }
.Lfunc_end2:
_tile_overlayer_lowered:
.L_overlay_start_2:
0x97: {  	(tag) =	ssettag $0x2  }
0x98: {  	s0 =	rddreg [dreg:$0x0];
	s2 =	stileid.u32  }
0x99: {  	s1 =	rddreg [dreg:$0x1];
	p0 =	sne.s32 s2, $0x0  }
0x9a: {  	s3 =	rddreg [dreg:$0x2];
	[bflag:$0x3] =	sbarrier.arrive $0xFFFF;
	s2 =	simm.s32 @!p0 $0x1C03  }
0x9b: {  	[timem:s3], [sflag:s2] =	dma.local @!p0 [hbm:s0], s1  }
0x9c: {  	s0 =	simm.s32 @!p0 $0x3  }
0x9d: {  	_ =	swait.ge @!p0 [sflag:s0], s1  }
0x9e: {  	s1 =	ssub.s32 @!p0 $0x0, s1;
	[sflag:s0] =	ssyncset.done @!p0 $0x0  }
0x9f: {  	[sflag:s0] =	ssyncadd.s32 @!p0 s1  }
0xa0: {  	[bflag:$0x3] =	sbarrier.arrive $0xFFFF  }
0xa1: {  	_ =	shalt  }

</sc_bundles>
